<compile_context>
chip_gen: v7x
topology: tpu7x:2x2x1
jax: 0.10.2.dev20260603
libtpu: 0.0.44.dev20260713+nightly
codegen_flags: <defaults>
</compile_context>

<pallas_src>
import functools

import jax
import jax.numpy as jnp
from jax import lax
from jax.experimental import pallas as pl
from jax.experimental.pallas import tpu as pltpu
from jax.experimental.pallas import tpu_sc as plsc

_N = 10000
_E = 320000
_H = 128
_OUT = 20
_EPS = 1e-5
_NC = 2
_NS = 16
_NW = _NC * _NS
_EPW = _E // _NW
_CH = 80
_NCHUNK = _EPW // _CH
_NP = 10240
_RPT = _NP // _NS


def _row_segsum_body(h_hbm, src_hbm, dst_hbm, z_hbm, out_hbm,
                     src_v, db0, db1, db2, b0, b1, b2, acc_sh,
                     g0, g1, g2, s0, s1, s2, d0, d1, d2):
    bufs = (b0, b1, b2)
    dbs = (db0, db1, db2)
    gsem = (g0, g1, g2)
    ssem = (s0, s1, s2)
    dsem = (d0, d1, d2)
    c = lax.axis_index("c")
    sub = lax.axis_index("s")
    wid = sub * _NC + c
    row0 = sub * _RPT
    pltpu.sync_copy(z_hbm, acc_sh.at[pl.ds(row0, _RPT)])
    pltpu.sync_copy(src_hbm.at[wid], src_v)
    plsc.subcore_barrier()

    def load(j, k):
        off = pl.multiple_of(wid * _EPW + j * _CH, 8)
        pltpu.async_copy(dst_hbm.at[pl.ds(off, _CH)], dbs[k], dsem[k])
        pltpu.async_copy(h_hbm.at[src_v.at[j]], bufs[k], gsem[k])

    def wait_load(j, k):
        off = pl.multiple_of(wid * _EPW + j * _CH, 8)
        pltpu.make_async_copy(h_hbm.at[src_v.at[j]], bufs[k], gsem[k]).wait()
        pltpu.make_async_copy(dst_hbm.at[pl.ds(off, _CH)], dbs[k], dsem[k]).wait()

    def scatter(k):
        pltpu.async_copy(bufs[k], acc_sh.at[dbs[k]], ssem[k], add=True)

    def wait_scatter(k):
        pltpu.make_async_copy(bufs[k], acc_sh.at[dbs[k]], ssem[k]).wait()

    load(0, 0)
    load(1, 1)
    wait_load(0, 0)
    scatter(0)
    load(2, 2)

    def body(t, carry):
        j_base = 3 * t + 1
        for i in range(3):
            j = j_base + i
            k = (1 + i) % 3
            wait_load(j, k)
            scatter(k)
            nxt = j + 2

            @pl.when(nxt < _NCHUNK)
            def _():
                wait_scatter(i)
                load(nxt, i)

        return carry

    lax.fori_loop(0, (_NCHUNK - 2) // 3, body, 0)
    last = _NCHUNK - 1
    wait_load(last, last % 3)
    scatter(last % 3)
    for k in range(3):
        wait_scatter(k)
    plsc.subcore_barrier()
    pltpu.sync_copy(acc_sh.at[pl.ds(row0, _RPT)], out_hbm.at[c, pl.ds(row0, _RPT)])


def _sc_row_segsum(h, src2, dst2, ztile):
    mesh = plsc.VectorSubcoreMesh(core_axis_name="c", subcore_axis_name="s")
    kern = pl.kernel(
        _row_segsum_body,
        out_type=jax.ShapeDtypeStruct((_NC, _NP, _H), jnp.float32),
        mesh=mesh,
        scratch_types=[
            pltpu.VMEM((_NCHUNK, _CH), jnp.int32),
            pltpu.VMEM((_CH,), jnp.int32),
            pltpu.VMEM((_CH,), jnp.int32),
            pltpu.VMEM((_CH,), jnp.int32),
            pltpu.VMEM((_CH, _H), jnp.float32),
            pltpu.VMEM((_CH, _H), jnp.float32),
            pltpu.VMEM((_CH, _H), jnp.float32),
            pltpu.VMEM_SHARED((_NP, _H), jnp.float32),
        ] + [pltpu.SemaphoreType.DMA] * 9,
    )
    return kern(h, src2, dst2, ztile)


def _scal_segsum_body(srel_hbm, src_hbm, dst_hbm, z_hbm, out_hbm,
                      srel_v, src_v, dst_v, acc_v):
    c = lax.axis_index("c")
    s = lax.axis_index("s")
    wid = s * _NC + c
    pltpu.sync_copy(srel_hbm, srel_v)
    pltpu.sync_copy(z_hbm, acc_v)
    base = wid * _EPW
    pltpu.sync_copy(src_hbm.at[pl.ds(base, _EPW)], src_v)
    pltpu.sync_copy(dst_hbm.at[pl.ds(base, _EPW)], dst_v)

    def body(i, carry):
        off = pl.multiple_of(i * 16, 16)
        idx = src_v[pl.ds(off, 16)]
        vals = plsc.load_gather(srel_v, [idx])
        didx = dst_v[pl.ds(off, 16)]
        plsc.addupdate_scatter(acc_v, [didx], vals)
        return carry

    lax.fori_loop(0, _EPW // 16, body, 0)
    pltpu.sync_copy(acc_v, out_hbm.at[pl.ds(wid * _N, _N)])


def _sc_scal_segsum(srel, src, dst, zvec):
    mesh = plsc.VectorSubcoreMesh(core_axis_name="c", subcore_axis_name="s")
    kern = pl.kernel(
        _scal_segsum_body,
        out_type=jax.ShapeDtypeStruct((_NW * _N,), jnp.float32),
        mesh=mesh,
        compiler_params=pltpu.CompilerParams(needs_layout_passes=False),
        scratch_types=[
            pltpu.VMEM((_N,), jnp.float32),
            pltpu.VMEM((_EPW,), jnp.int32),
            pltpu.VMEM((_EPW,), jnp.int32),
            pltpu.VMEM((_N,), jnp.float32),
        ],
    )
    return kern(srel, src, dst, zvec)


def _pre_body(x_ref, vn_ref, o_ref):
    o_ref[...] = x_ref[...] + vn_ref[...]


def _tc_pre(x, vn0):
    return pl.pallas_call(
        _pre_body,
        out_shape=jax.ShapeDtypeStruct((_N, _H), jnp.float32),
    )(x, vn0)


def _dense_body(p_ref, h_ref, wr_ref, br_ref, ws_ref, g_ref, b_ref,
                vn_ref, o_ref):
    agg = p_ref[0, pl.ds(0, _N), :] + p_ref[1, pl.ds(0, _N), :]
    h = h_ref[...]
    z = (jnp.dot(agg, wr_ref[...], preferred_element_type=jnp.float32)
         + br_ref[...]
         + jnp.dot(h, ws_ref[...], preferred_element_type=jnp.float32))
    mean = jnp.mean(z, axis=0, keepdims=True)
    zc = z - mean
    var = jnp.mean(zc * zc, axis=0, keepdims=True)
    hn = g_ref[...] * zc * lax.rsqrt(var + _EPS) + b_ref[...]
    o_ref[...] = jnp.maximum(hn, 0.0) + vn_ref[...]


def _dense_last_body(p_ref, h_ref, wr_ref, br_ref, ws_ref, g_ref, b_ref,
                     wrp_ref, wsp_ref, o_ref, srel_ref, sroot_ref):
    agg = p_ref[0, pl.ds(0, _N), :] + p_ref[1, pl.ds(0, _N), :]
    h = h_ref[...]
    z = (jnp.dot(agg, wr_ref[...], preferred_element_type=jnp.float32)
         + br_ref[...]
         + jnp.dot(h, ws_ref[...], preferred_element_type=jnp.float32))
    mean = jnp.mean(z, axis=0, keepdims=True)
    zc = z - mean
    var = jnp.mean(zc * zc, axis=0, keepdims=True)
    hn = g_ref[...] * zc * lax.rsqrt(var + _EPS) + b_ref[...]
    h3 = jnp.maximum(hn, 0.0)
    o_ref[...] = h3
    srel_ref[...] = jnp.dot(h3, wrp_ref[...], preferred_element_type=jnp.float32)
    sroot_ref[...] = jnp.dot(h3, wsp_ref[...], preferred_element_type=jnp.float32)


def _tc_dense(p, h, wr, br, ws, g, b, vn_next):
    return pl.pallas_call(
        _dense_body,
        out_shape=jax.ShapeDtypeStruct((_N, _H), jnp.float32),
    )(p, h, wr, br, ws, g, b, vn_next)


def _tc_dense_last(p, h, wr, br, ws, g, b, wrp, wsp):
    return pl.pallas_call(
        _dense_last_body,
        out_shape=(
            jax.ShapeDtypeStruct((_N, _H), jnp.float32),
            jax.ShapeDtypeStruct((_N, 1), jnp.float32),
            jax.ShapeDtypeStruct((_N, 1), jnp.float32),
        ),
    )(p, h, wr, br, ws, g, b, wrp, wsp)


def _final_body(parts_ref, sroot_ref, brp_ref, h3_ref, wmlp_ref, bmlp_ref,
                o_ref):
    score = (jnp.sum(parts_ref[...], axis=0, keepdims=True)
             + sroot_ref[...] + brp_ref[...])
    m = jnp.max(score)
    iota = lax.broadcasted_iota(jnp.int32, (1, _N), 1)
    am = jnp.min(jnp.where(score == m, iota, _N))
    row = h3_ref[pl.ds(am, 1), :]
    hp = row * jnp.tanh(m)
    o_ref[...] = (jnp.dot(hp, wmlp_ref[...], preferred_element_type=jnp.float32)
                  + bmlp_ref[...])


def _tc_final(parts, sroot, brp, h3, wmlp, bmlp):
    return pl.pallas_call(
        _final_body,
        out_shape=jax.ShapeDtypeStruct((1, _OUT), jnp.float32),
    )(parts, sroot, brp, h3, wmlp, bmlp)


def kernel(x, edge_index, edge_attr, batch, vn0, wrel0, brel0, wroot0, gam0,
           bet0, vn1, wrel1, brel1, wroot1, gam1, bet1, vn2, wrel2, brel2,
           wroot2, gam2, bet2, wrel_p, brel_p, wroot_p, wmlp, bmlp):
    del edge_attr, batch
    src = edge_index[0]
    dst = edge_index[1]
    src2 = src.reshape(_NW, _NCHUNK, _CH)
    ztile = jnp.zeros((_RPT, _H), jnp.float32)
    zvec = jnp.zeros((_N,), jnp.float32)

    layers = [
        (wrel0, brel0.reshape(1, _H), wroot0, gam0.reshape(1, _H),
         bet0.reshape(1, _H)),
        (wrel1, brel1.reshape(1, _H), wroot1, gam1.reshape(1, _H),
         bet1.reshape(1, _H)),
        (wrel2, brel2.reshape(1, _H), wroot2, gam2.reshape(1, _H),
         bet2.reshape(1, _H)),
    ]

    h = _tc_pre(x, vn0)
    for i in range(2):
        wr, br, ws, g, b = layers[i]
        p = _sc_row_segsum(h, src2, dst, ztile)
        vn_next = vn1 if i == 0 else vn2
        h = _tc_dense(p, h, wr, br, ws, g, b, vn_next)

    wr, br, ws, g, b = layers[2]
    p = _sc_row_segsum(h, src2, dst, ztile)
    h3, srel, sroot = _tc_dense_last(p, h, wr, br, ws, g, b, wrel_p, wroot_p)

    parts = _sc_scal_segsum(srel.reshape(_N), src, dst, zvec).reshape(_NW, _N)
    out = _tc_final(parts, sroot.reshape(1, _N), brel_p.reshape(1, 1), h3,
                    wmlp, bmlp)
    return out

# --- scband reference (transcript-rebuilt; emitter-appended) ---
"""Pipeline reference for scband-gnn-16527034155612 (READ-ONLY COPY).

The authoritative reference and input builder live on the scoring server;
editing this copy changes nothing except your own understanding.
"""

import jax, jax.numpy as jnp
import numpy as np
from math import ceil

N = 10000
E = 320000
D_IN = 128
H = 128
OUT = 20
RATIO = 0.0001
EPS = 1e-5


def setup_inputs(seed: int = 0) -> dict:
    key = jax.random.key(seed)
    ks = jax.random.split(key, 40)
    inp = {}
    inp["x"] = jax.random.normal(ks[0], (N, D_IN), dtype=jnp.float32)
    inp["edge_index"] = jax.random.randint(ks[1], (2, E), 0, N, dtype=jnp.int32)
    inp["edge_attr"] = jax.random.normal(ks[2], (E, 4), dtype=jnp.float32)
    inp["batch"] = jnp.zeros((N,), dtype=jnp.int32)
    dims = [(D_IN, H), (H, H), (H, H)]
    j = 3
    for i, (di, do) in enumerate(dims):
        inp[f"vn{i}"] = jax.random.normal(ks[j], (1, di), dtype=jnp.float32) * 0.1; j += 1
        inp[f"wrel{i}"] = jax.random.normal(ks[j], (di, do), dtype=jnp.float32) * (1.0 / np.sqrt(di)); j += 1
        inp[f"brel{i}"] = jnp.zeros((do,), dtype=jnp.float32)
        inp[f"wroot{i}"] = jax.random.normal(ks[j], (di, do), dtype=jnp.float32) * (1.0 / np.sqrt(di)); j += 1
        inp[f"gam{i}"] = jnp.ones((do,), dtype=jnp.float32)
        inp[f"bet{i}"] = jnp.zeros((do,), dtype=jnp.float32)
    inp["wrel_p"] = jax.random.normal(ks[j], (H, 1), dtype=jnp.float32) * (1.0 / np.sqrt(H)); j += 1
    inp["brel_p"] = jnp.zeros((1,), dtype=jnp.float32)
    inp["wroot_p"] = jax.random.normal(ks[j], (H, 1), dtype=jnp.float32) * (1.0 / np.sqrt(H)); j += 1
    inp["wmlp"] = jax.random.normal(ks[j], (H, OUT), dtype=jnp.float32) * (1.0 / np.sqrt(H)); j += 1
    inp["bmlp"] = jnp.zeros((OUT,), dtype=jnp.float32)
    return inp


def _graph_conv(x, src, dst, wrel, brel, wroot, n):
    # PyG GraphConv: out = lin_rel(sum_{j->i} x_j) + lin_root(x_i)
    agg = jax.ops.segment_sum(x[src], dst, num_segments=n)
    return agg @ wrel + brel + x @ wroot


def reference(x, edge_index, edge_attr, batch, vn0, wrel0, brel0, wroot0, gam0, bet0, vn1, wrel1, brel1, wroot1, gam1, bet1, vn2, wrel2, brel2, wroot2, gam2, bet2, wrel_p, brel_p, wroot_p, wmlp, bmlp):
    src, dst = edge_index[0], edge_index[1]
    n = x.shape[0]
    layers = [(vn0, wrel0, brel0, wroot0, gam0, bet0),
              (vn1, wrel1, brel1, wroot1, gam1, bet1),
              (vn2, wrel2, brel2, wroot2, gam2, bet2)]
    h = x
    for vn, wr, br, ws, g, b in layers:
        # VirtualNode.update_node_emb: add per-graph virtual node embedding
        h = h + vn[batch]
        h = _graph_conv(h, src, dst, wr, br, ws, n)
        # BatchNorm1d in training mode (batch statistics over nodes)
        mean = jnp.mean(h, axis=0)
        var = jnp.var(h, axis=0)
        h = g * (h - mean) / jnp.sqrt(var + EPS) + b
        h = jax.nn.relu(h)  # dropout p=0.0 -> identity
    # SAGPooling(hidden, ratio=0.0001): score via GraphConv(H, 1), top-k, tanh gate
    score = _graph_conv(h, src, dst, wrel_p, brel_p, wroot_p, n)[:, 0]
    k = int(ceil(RATIO * n))
    vals, perm = jax.lax.top_k(score, k)
    hp = h[perm] * jnp.tanh(vals)[:, None]
    return hp @ wmlp + bmlp

if __name__ == "__main__":
    import jax
    _d = setup_inputs()
    print(jax.jit(kernel)(*tuple(_d.values())))

</pallas_src>

<mosaic_0001>
#map = affine_map<(d0, d1) -> (0)>
module attributes {stable_mosaic.version = 14 : i64} {
  func.func @_scal_segsum_body(%arg0: i32, %arg1: i32, %arg2: memref<10000xf32, #tpu.memory_space<hbm>>, %arg3: memref<320000xi32, #tpu.memory_space<hbm>>, %arg4: memref<320000xi32, #tpu.memory_space<hbm>>, %arg5: memref<10000xf32, #tpu.memory_space<hbm>>, %arg6: memref<320000xf32, #tpu.memory_space<hbm>>, %arg7: memref<10000xf32, #tpu.memory_space<vmem>>, %arg8: memref<10000xi32, #tpu.memory_space<vmem>>, %arg9: memref<10000xi32, #tpu.memory_space<vmem>>, %arg10: memref<10000xf32, #tpu.memory_space<vmem>>) attributes {dimension_semantics = [#tpu.dimension_semantics<core_parallel>, #tpu.dimension_semantics<subcore_parallel>], iteration_bounds = array<i64: 2, 16>, scalar_prefetch = 0 : i64, scratch_operands = 4 : i64, tpu.core_type = #tpu.core_type<sc_vector_subcore>, window_params = [{transform_indices = #map}, {transform_indices = #map}, {transform_indices = #map}, {transform_indices = #map}, {transform_indices = #map}]} {
    %mul3A = arith.constant 2 : i32
    %mul3A_0 = arith.muli %arg1, %mul3A : i32
    %add3A = arith.addi %mul3A_0, %arg0 : i32
    "tpu.region"() ({
      %run_scoped3A = tpu.sem_alloc : memref<!tpu.dma_semaphore, #tpu.memory_space<semaphore_mem>>
      tpu.enqueue_dma source(%arg2 : memref<10000xf32, #tpu.memory_space<hbm>>) target(%arg7 : memref<10000xf32, #tpu.memory_space<vmem>>) target_semaphore(%run_scoped3A : memref<!tpu.dma_semaphore, #tpu.memory_space<semaphore_mem>>)
      tpu.wait_dma2 semaphore(%run_scoped3A : memref<!tpu.dma_semaphore, #tpu.memory_space<semaphore_mem>>) src(%arg2 : memref<10000xf32, #tpu.memory_space<hbm>>) dst(%arg7 : memref<10000xf32, #tpu.memory_space<vmem>>)
      tpu.yield
    }) : () -> ()
    "tpu.region"() ({
      %run_scoped3A = tpu.sem_alloc : memref<!tpu.dma_semaphore, #tpu.memory_space<semaphore_mem>>
      tpu.enqueue_dma source(%arg5 : memref<10000xf32, #tpu.memory_space<hbm>>) target(%arg10 : memref<10000xf32, #tpu.memory_space<vmem>>) target_semaphore(%run_scoped3A : memref<!tpu.dma_semaphore, #tpu.memory_space<semaphore_mem>>)
      tpu.wait_dma2 semaphore(%run_scoped3A : memref<!tpu.dma_semaphore, #tpu.memory_space<semaphore_mem>>) src(%arg5 : memref<10000xf32, #tpu.memory_space<hbm>>) dst(%arg10 : memref<10000xf32, #tpu.memory_space<vmem>>)
      tpu.yield
    }) : () -> ()
    %mul3A_1 = arith.constant 10000 : i32
    %mul3A_2 = arith.muli %add3A, %mul3A_1 : i32
    "tpu.region"() ({
      %run_scoped3A = tpu.sem_alloc : memref<!tpu.dma_semaphore, #tpu.memory_space<semaphore_mem>>
      %dma_start3A = tpu.memref_slice %arg3[%mul3A_2] : memref<320000xi32, #tpu.memory_space<hbm>> -> memref<10000xi32, #tpu.memory_space<hbm>>
      %dma_start3A_10 = tpu.memref_slice %arg3[%mul3A_2] : memref<320000xi32, #tpu.memory_space<hbm>> -> memref<10000xi32, #tpu.memory_space<hbm>>
      tpu.enqueue_dma source(%dma_start3A_10 : memref<10000xi32, #tpu.memory_space<hbm>>) target(%arg8 : memref<10000xi32, #tpu.memory_space<vmem>>) target_semaphore(%run_scoped3A : memref<!tpu.dma_semaphore, #tpu.memory_space<semaphore_mem>>)
      %dma_wait3A = tpu.memref_slice %arg3[%mul3A_2] : memref<320000xi32, #tpu.memory_space<hbm>> -> memref<10000xi32, #tpu.memory_space<hbm>>
      %dma_wait3A_11 = tpu.memref_slice %arg3[%mul3A_2] : memref<320000xi32, #tpu.memory_space<hbm>> -> memref<10000xi32, #tpu.memory_space<hbm>>
      tpu.wait_dma2 semaphore(%run_scoped3A : memref<!tpu.dma_semaphore, #tpu.memory_space<semaphore_mem>>) src(%dma_wait3A_11 : memref<10000xi32, #tpu.memory_space<hbm>>) dst(%arg8 : memref<10000xi32, #tpu.memory_space<vmem>>)
      tpu.yield
    }) : () -> ()
    "tpu.region"() ({
      %run_scoped3A = tpu.sem_alloc : memref<!tpu.dma_semaphore, #tpu.memory_space<semaphore_mem>>
      %dma_start3A = tpu.memref_slice %arg4[%mul3A_2] : memref<320000xi32, #tpu.memory_space<hbm>> -> memref<10000xi32, #tpu.memory_space<hbm>>
      %dma_start3A_10 = tpu.memref_slice %arg4[%mul3A_2] : memref<320000xi32, #tpu.memory_space<hbm>> -> memref<10000xi32, #tpu.memory_space<hbm>>
      tpu.enqueue_dma source(%dma_start3A_10 : memref<10000xi32, #tpu.memory_space<hbm>>) target(%arg9 : memref<10000xi32, #tpu.memory_space<vmem>>) target_semaphore(%run_scoped3A : memref<!tpu.dma_semaphore, #tpu.memory_space<semaphore_mem>>)
      %dma_wait3A = tpu.memref_slice %arg4[%mul3A_2] : memref<320000xi32, #tpu.memory_space<hbm>> -> memref<10000xi32, #tpu.memory_space<hbm>>
      %dma_wait3A_11 = tpu.memref_slice %arg4[%mul3A_2] : memref<320000xi32, #tpu.memory_space<hbm>> -> memref<10000xi32, #tpu.memory_space<hbm>>
      tpu.wait_dma2 semaphore(%run_scoped3A : memref<!tpu.dma_semaphore, #tpu.memory_space<semaphore_mem>>) src(%dma_wait3A_11 : memref<10000xi32, #tpu.memory_space<hbm>>) dst(%arg9 : memref<10000xi32, #tpu.memory_space<vmem>>)
      tpu.yield
    }) : () -> ()
    %scan3A = arith.constant 0 : i32
    %scan3A_3 = arith.constant 0 : i32
    %scan3A_4 = arith.constant 625 : i32
    %scan3A_5 = arith.addi %scan3A_3, %scan3A_4 : i32
    %scan3A_6 = arith.constant 1 : i32
    scf.for %scan3A_10 = %scan3A_3 to %scan3A_5 step %scan3A_6  : i32 {
      %mul3A_11 = arith.constant 16 : i32
      %mul3A_12 = arith.muli %scan3A_10, %mul3A_11 : i32
      %multiple_of3A = tpu.assume_multiple %mul3A_12, 16 : i32
      %get3A = arith.index_cast %multiple_of3A : i32 to index
      %get3A_13 = tpu.vector_load %arg8[%get3A] {strides = array<i32>} : memref<10000xi32, #tpu.memory_space<vmem>>, vector<16xi32>,
      %gather3A = tpu.vector_load_idx %arg7[%get3A_13] : memref<10000xf32, #tpu.memory_space<vmem>>[vector<16xi32>], vector<16xf32>,
      %get3A_14 = arith.index_cast %multiple_of3A : i32 to index
      %get3A_15 = tpu.vector_load %arg9[%get3A_14] {strides = array<i32>} : memref<10000xi32, #tpu.memory_space<vmem>>, vector<16xi32>,
      tpu.vector_store_idx %arg10[%get3A_15], %gather3A {add = true} : memref<10000xf32, #tpu.memory_space<vmem>>[vector<16xi32>], vector<16xf32>,
    }
    %scan3A_7 = arith.constant 625 : i32
    %mul3A_8 = arith.constant 10000 : i32
    %mul3A_9 = arith.muli %add3A, %mul3A_8 : i32
    "tpu.region"() ({
      %run_scoped3A = tpu.sem_alloc : memref<!tpu.dma_semaphore, #tpu.memory_space<semaphore_mem>>
      %dma_start3A = tpu.memref_slice %arg6[%mul3A_9] : memref<320000xf32, #tpu.memory_space<hbm>> -> memref<10000xf32, #tpu.memory_space<hbm>>
      %dma_start3A_10 = tpu.memref_slice %arg6[%mul3A_9] : memref<320000xf32, #tpu.memory_space<hbm>> -> memref<10000xf32, #tpu.memory_space<hbm>>
      tpu.enqueue_dma source(%arg10 : memref<10000xf32, #tpu.memory_space<vmem>>) target(%dma_start3A_10 : memref<10000xf32, #tpu.memory_space<hbm>>) target_semaphore(%run_scoped3A : memref<!tpu.dma_semaphore, #tpu.memory_space<semaphore_mem>>)
      %dma_wait3A = tpu.memref_slice %arg6[%mul3A_9] : memref<320000xf32, #tpu.memory_space<hbm>> -> memref<10000xf32, #tpu.memory_space<hbm>>
      %dma_wait3A_11 = tpu.memref_slice %arg6[%mul3A_9] : memref<320000xf32, #tpu.memory_space<hbm>> -> memref<10000xf32, #tpu.memory_space<hbm>>
      tpu.wait_dma2 semaphore(%run_scoped3A : memref<!tpu.dma_semaphore, #tpu.memory_space<semaphore_mem>>) src(%arg10 : memref<10000xf32, #tpu.memory_space<vmem>>) dst(%dma_wait3A_11 : memref<10000xf32, #tpu.memory_space<hbm>>)
      tpu.yield
    }) : () -> ()
    return
  }
}

#map = affine_map<(d0, d1) -> (0, 0)>
#map1 = affine_map<(d0, d1) -> (0, 0, 0)>
#map2 = affine_map<(d0, d1) -> (0)>
module attributes {stable_mosaic.version = 14 : i64} {
  func.func @_row_segsum_body(%arg0: i32, %arg1: i32, %arg2: memref<10000x128xf32, #tpu.memory_space<hbm>>, %arg3: memref<32x125x80xi32, #tpu.memory_space<hbm>>, %arg4: memref<320000xi32, #tpu.memory_space<hbm>>, %arg5: memref<640x128xf32, #tpu.memory_space<hbm>>, %arg6: memref<2x10240x128xf32, #tpu.memory_space<hbm>>, %arg7: memref<125x80xi32, #tpu.memory_space<vmem>>, %arg8: memref<80xi32, #tpu.memory_space<vmem>>, %arg9: memref<80xi32, #tpu.memory_space<vmem>>, %arg10: memref<80xi32, #tpu.memory_space<vmem>>, %arg11: memref<80x128xf32, #tpu.memory_space<vmem>>, %arg12: memref<80x128xf32, #tpu.memory_space<vmem>>, %arg13: memref<80x128xf32, #tpu.memory_space<vmem>>, %arg14: memref<10240x128xf32, #tpu.memory_space<vmem_shared>>, %arg15: memref<!tpu.dma_semaphore, #tpu.memory_space<semaphore_mem>>, %arg16: memref<!tpu.dma_semaphore, #tpu.memory_space<semaphore_mem>>, %arg17: memref<!tpu.dma_semaphore, #tpu.memory_space<semaphore_mem>>, %arg18: memref<!tpu.dma_semaphore, #tpu.memory_space<semaphore_mem>>, %arg19: memref<!tpu.dma_semaphore, #tpu.memory_space<semaphore_mem>>, %arg20: memref<!tpu.dma_semaphore, #tpu.memory_space<semaphore_mem>>, %arg21: memref<!tpu.dma_semaphore, #tpu.memory_space<semaphore_mem>>, %arg22: memref<!tpu.dma_semaphore, #tpu.memory_space<semaphore_mem>>, %arg23: memref<!tpu.dma_semaphore, #tpu.memory_space<semaphore_mem>>) attributes {dimension_semantics = [#tpu.dimension_semantics<core_parallel>, #tpu.dimension_semantics<subcore_parallel>], iteration_bounds = array<i64: 2, 16>, scalar_prefetch = 0 : i64, scratch_operands = 17 : i64, tpu.core_type = #tpu.core_type<sc_vector_subcore>, window_params = [{transform_indices = #map}, {transform_indices = #map1}, {transform_indices = #map2}, {transform_indices = #map}, {transform_indices = #map1}]} {
    %mul3A = arith.constant 2 : i32
    %mul3A_0 = arith.muli %arg1, %mul3A : i32
    %add3A = arith.addi %mul3A_0, %arg0 : i32
    %mul3A_1 = arith.constant 640 : i32
    %mul3A_2 = arith.muli %arg1, %mul3A_1 : i32
    "tpu.region"() ({
      %run_scoped3A = tpu.sem_alloc : memref<!tpu.dma_semaphore, #tpu.memory_space<semaphore_mem>>
      %dma_start3A_91 = arith.constant 0 : i32
      %dma_start3A_92 = tpu.memref_slice %arg14[%mul3A_2, %dma_start3A_91] : memref<10240x128xf32, #tpu.memory_space<vmem_shared>> -> memref<640x128xf32, #tpu.memory_space<vmem_shared>>
      tpu.enqueue_dma source(%arg5 : memref<640x128xf32, #tpu.memory_space<hbm>>) target(%dma_start3A_92 : memref<640x128xf32, #tpu.memory_space<vmem_shared>>) target_semaphore(%run_scoped3A : memref<!tpu.dma_semaphore, #tpu.memory_space<semaphore_mem>>)
      %dma_wait3A_93 = arith.constant 0 : i32
      %dma_wait3A_94 = tpu.memref_slice %arg14[%mul3A_2, %dma_wait3A_93] : memref<10240x128xf32, #tpu.memory_space<vmem_shared>> -> memref<640x128xf32, #tpu.memory_space<vmem_shared>>
      tpu.wait_dma2 semaphore(%run_scoped3A : memref<!tpu.dma_semaphore, #tpu.memory_space<semaphore_mem>>) src(%arg5 : memref<640x128xf32, #tpu.memory_space<hbm>>) dst(%dma_wait3A_94 : memref<640x128xf32, #tpu.memory_space<vmem_shared>>)
      tpu.yield
    }) : () -> ()
    "tpu.region"() ({
      %run_scoped3A = tpu.sem_alloc : memref<!tpu.dma_semaphore, #tpu.memory_space<semaphore_mem>>
      %dma_start3A_91 = arith.constant 0 : i32
      %dma_start3A_92 = arith.constant 0 : i32
      %dma_start3A_93 = tpu.memref_slice %arg3[%add3A, %dma_start3A_91, %dma_start3A_92] : memref<32x125x80xi32, #tpu.memory_space<hbm>> -> memref<1x125x80xi32, #tpu.memory_space<hbm>>
      %dma_start3A_94 = tpu.memref_squeeze %dma_start3A_93 : memref<1x125x80xi32, #tpu.memory_space<hbm>> -> memref<125x80xi32, #tpu.memory_space<hbm>>
      %dma_start3A_95 = arith.constant 0 : i32
      %dma_start3A_96 = arith.constant 0 : i32
      %dma_start3A_97 = tpu.memref_slice %arg3[%add3A, %dma_start3A_95, %dma_start3A_96] : memref<32x125x80xi32, #tpu.memory_space<hbm>> -> memref<1x125x80xi32, #tpu.memory_space<hbm>>
      %dma_start3A_98 = tpu.memref_squeeze %dma_start3A_97 : memref<1x125x80xi32, #tpu.memory_space<hbm>> -> memref<125x80xi32, #tpu.memory_space<hbm>>
      tpu.enqueue_dma source(%dma_start3A_98 : memref<125x80xi32, #tpu.memory_space<hbm>>) target(%arg7 : memref<125x80xi32, #tpu.memory_space<vmem>>) target_semaphore(%run_scoped3A : memref<!tpu.dma_semaphore, #tpu.memory_space<semaphore_mem>>)
      %dma_wait3A_99 = arith.constant 0 : i32
      %dma_wait3A_100 = arith.constant 0 : i32
      %dma_wait3A_101 = tpu.memref_slice %arg3[%add3A, %dma_wait3A_99, %dma_wait3A_100] : memref<32x125x80xi32, #tpu.memory_space<hbm>> -> memref<1x125x80xi32, #tpu.memory_space<hbm>>
      %dma_wait3A_102 = tpu.memref_squeeze %dma_wait3A_101 : memref<1x125x80xi32, #tpu.memory_space<hbm>> -> memref<125x80xi32, #tpu.memory_space<hbm>>
      %dma_wait3A_103 = arith.constant 0 : i32
      %dma_wait3A_104 = arith.constant 0 : i32
      %dma_wait3A_105 = tpu.memref_slice %arg3[%add3A, %dma_wait3A_103, %dma_wait3A_104] : memref<32x125x80xi32, #tpu.memory_space<hbm>> -> memref<1x125x80xi32, #tpu.memory_space<hbm>>
      %dma_wait3A_106 = tpu.memref_squeeze %dma_wait3A_105 : memref<1x125x80xi32, #tpu.memory_space<hbm>> -> memref<125x80xi32, #tpu.memory_space<hbm>>
      tpu.wait_dma2 semaphore(%run_scoped3A : memref<!tpu.dma_semaphore, #tpu.memory_space<semaphore_mem>>) src(%dma_wait3A_106 : memref<125x80xi32, #tpu.memory_space<hbm>>) dst(%arg7 : memref<125x80xi32, #tpu.memory_space<vmem>>)
      tpu.yield
    }) : () -> ()
    %barrier3A = arith.constant 0 : index
    tpu.barrier barrier_id(%barrier3A)
    %mul3A_3 = arith.constant 10000 : i32
    %mul3A_4 = arith.muli %add3A, %mul3A_3 : i32
    %add3A_5 = arith.constant 0 : i32
    %add3A_6 = arith.addi %mul3A_4, %add3A_5 : i32
    %multiple_of3A = tpu.assume_multiple %add3A_6, 8 : i32
    %dma_start3A = tpu.memref_slice %arg4[%multiple_of3A] : memref<320000xi32, #tpu.memory_space<hbm>> -> memref<80xi32, #tpu.memory_space<hbm>>
    %dma_start3A_7 = tpu.memref_slice %arg4[%multiple_of3A] : memref<320000xi32, #tpu.memory_space<hbm>> -> memref<80xi32, #tpu.memory_space<hbm>>
    tpu.enqueue_dma source(%dma_start3A_7 : memref<80xi32, #tpu.memory_space<hbm>>) target(%arg8 : memref<80xi32, #tpu.memory_space<vmem>>) target_semaphore(%arg21 : memref<!tpu.dma_semaphore, #tpu.memory_space<semaphore_mem>>)
    %dma_start3A_8 = arith.constant 0 : i32
    %dma_start3A_9 = arith.constant 0 : i32
    %dma_start3A_10 = tpu.memref_slice %arg7[%dma_start3A_8, %dma_start3A_9] : memref<125x80xi32, #tpu.memory_space<vmem>> -> memref<1x80xi32, #tpu.memory_space<vmem>>
    %dma_start3A_11 = tpu.memref_squeeze %dma_start3A_10 : memref<1x80xi32, #tpu.memory_space<vmem>> -> memref<80xi32, #tpu.memory_space<vmem>>
    %dma_start3A_12 = arith.constant 0 : i32
    %dma_start3A_13 = arith.constant 0 : i32
    %dma_start3A_14 = tpu.memref_slice %arg2[%dma_start3A_12, %dma_start3A_13] : memref<10000x128xf32, #tpu.memory_space<hbm>> -> memref<10000x128xf32, #tpu.memory_space<hbm>>
    tpu.enqueue_indirect_dma source(%dma_start3A_14 : memref<10000x128xf32, #tpu.memory_space<hbm>>) target(%arg11 : memref<80x128xf32, #tpu.memory_space<vmem>>) offsets(%dma_start3A_11 : memref<80xi32, #tpu.memory_space<vmem>>) semaphore(%arg15 : memref<!tpu.dma_semaphore, #tpu.memory_space<semaphore_mem>>)
    %mul3A_15 = arith.constant 10000 : i32
    %mul3A_16 = arith.muli %add3A, %mul3A_15 : i32
    %add3A_17 = arith.constant 80 : i32
    %add3A_18 = arith.addi %mul3A_16, %add3A_17 : i32
    %multiple_of3A_19 = tpu.assume_multiple %add3A_18, 8 : i32
    %dma_start3A_20 = tpu.memref_slice %arg4[%multiple_of3A_19] : memref<320000xi32, #tpu.memory_space<hbm>> -> memref<80xi32, #tpu.memory_space<hbm>>
    %dma_start3A_21 = tpu.memref_slice %arg4[%multiple_of3A_19] : memref<320000xi32, #tpu.memory_space<hbm>> -> memref<80xi32, #tpu.memory_space<hbm>>
    tpu.enqueue_dma source(%dma_start3A_21 : memref<80xi32, #tpu.memory_space<hbm>>) target(%arg9 : memref<80xi32, #tpu.memory_space<vmem>>) target_semaphore(%arg22 : memref<!tpu.dma_semaphore, #tpu.memory_space<semaphore_mem>>)
    %dma_start3A_22 = arith.constant 1 : i32
    %dma_start3A_23 = arith.constant 0 : i32
    %dma_start3A_24 = tpu.memref_slice %arg7[%dma_start3A_22, %dma_start3A_23] : memref<125x80xi32, #tpu.memory_space<vmem>> -> memref<1x80xi32, #tpu.memory_space<vmem>>
    %dma_start3A_25 = tpu.memref_squeeze %dma_start3A_24 : memref<1x80xi32, #tpu.memory_space<vmem>> -> memref<80xi32, #tpu.memory_space<vmem>>
    %dma_start3A_26 = arith.constant 0 : i32
    %dma_start3A_27 = arith.constant 0 : i32
    %dma_start3A_28 = tpu.memref_slice %arg2[%dma_start3A_26, %dma_start3A_27] : memref<10000x128xf32, #tpu.memory_space<hbm>> -> memref<10000x128xf32, #tpu.memory_space<hbm>>
    tpu.enqueue_indirect_dma source(%dma_start3A_28 : memref<10000x128xf32, #tpu.memory_space<hbm>>) target(%arg12 : memref<80x128xf32, #tpu.memory_space<vmem>>) offsets(%dma_start3A_25 : memref<80xi32, #tpu.memory_space<vmem>>) semaphore(%arg16 : memref<!tpu.dma_semaphore, #tpu.memory_space<semaphore_mem>>)
    %mul3A_29 = arith.constant 10000 : i32
    %mul3A_30 = arith.muli %add3A, %mul3A_29 : i32
    %add3A_31 = arith.constant 0 : i32
    %add3A_32 = arith.addi %mul3A_30, %add3A_31 : i32
    %multiple_of3A_33 = tpu.assume_multiple %add3A_32, 8 : i32
    %dma_wait3A = arith.constant 0 : i32
    %dma_wait3A_34 = arith.constant 0 : i32
    %dma_wait3A_35 = tpu.memref_slice %arg7[%dma_wait3A, %dma_wait3A_34] : memref<125x80xi32, #tpu.memory_space<vmem>> -> memref<1x80xi32, #tpu.memory_space<vmem>>
    %dma_wait3A_36 = tpu.memref_squeeze %dma_wait3A_35 : memref<1x80xi32, #tpu.memory_space<vmem>> -> memref<80xi32, #tpu.memory_space<vmem>>
    %dma_wait3A_37 = arith.constant 0 : i32
    %dma_wait3A_38 = arith.constant 0 : i32
    %dma_wait3A_39 = tpu.memref_slice %arg2[%dma_wait3A_37, %dma_wait3A_38] : memref<10000x128xf32, #tpu.memory_space<hbm>> -> memref<10000x128xf32, #tpu.memory_space<hbm>>
    tpu.wait_indirect_dma semaphore(%arg15 : memref<!tpu.dma_semaphore, #tpu.memory_space<semaphore_mem>>) src(%dma_wait3A_39 : memref<10000x128xf32, #tpu.memory_space<hbm>>) dst(%arg11 : memref<80x128xf32, #tpu.memory_space<vmem>>)
    %dma_wait3A_40 = tpu.memref_slice %arg4[%multiple_of3A_33] : memref<320000xi32, #tpu.memory_space<hbm>> -> memref<80xi32, #tpu.memory_space<hbm>>
    %dma_wait3A_41 = tpu.memref_slice %arg4[%multiple_of3A_33] : memref<320000xi32, #tpu.memory_space<hbm>> -> memref<80xi32, #tpu.memory_space<hbm>>
    tpu.wait_dma2 semaphore(%arg21 : memref<!tpu.dma_semaphore, #tpu.memory_space<semaphore_mem>>) src(%dma_wait3A_41 : memref<80xi32, #tpu.memory_space<hbm>>) dst(%arg8 : memref<80xi32, #tpu.memory_space<vmem>>)
    %dma_start3A_42 = arith.constant 0 : i32
    %dma_start3A_43 = arith.constant 0 : i32
    %dma_start3A_44 = tpu.memref_slice %arg14[%dma_start3A_42, %dma_start3A_43] : memref<10240x128xf32, #tpu.memory_space<vmem_shared>> -> memref<10240x128xf32, #tpu.memory_space<vmem_shared>>
    tpu.enqueue_indirect_dma source(%arg11 : memref<80x128xf32, #tpu.memory_space<vmem>>) target(%dma_start3A_44 : memref<10240x128xf32, #tpu.memory_space<vmem_shared>>) offsets(%arg8 : memref<80xi32, #tpu.memory_space<vmem>>) semaphore(%arg18 : memref<!tpu.dma_semaphore, #tpu.memory_space<semaphore_mem>>) {add = true}
    %mul3A_45 = arith.constant 10000 : i32
    %mul3A_46 = arith.muli %add3A, %mul3A_45 : i32
    %add3A_47 = arith.constant 160 : i32
    %add3A_48 = arith.addi %mul3A_46, %add3A_47 : i32
    %multiple_of3A_49 = tpu.assume_multiple %add3A_48, 8 : i32
    %dma_start3A_50 = tpu.memref_slice %arg4[%multiple_of3A_49] : memref<320000xi32, #tpu.memory_space<hbm>> -> memref<80xi32, #tpu.memory_space<hbm>>
    %dma_start3A_51 = tpu.memref_slice %arg4[%multiple_of3A_49] : memref<320000xi32, #tpu.memory_space<hbm>> -> memref<80xi32, #tpu.memory_space<hbm>>
    tpu.enqueue_dma source(%dma_start3A_51 : memref<80xi32, #tpu.memory_space<hbm>>) target(%arg10 : memref<80xi32, #tpu.memory_space<vmem>>) target_semaphore(%arg23 : memref<!tpu.dma_semaphore, #tpu.memory_space<semaphore_mem>>)
    %dma_start3A_52 = arith.constant 2 : i32
    %dma_start3A_53 = arith.constant 0 : i32
    %dma_start3A_54 = tpu.memref_slice %arg7[%dma_start3A_52, %dma_start3A_53] : memref<125x80xi32, #tpu.memory_space<vmem>> -> memref<1x80xi32, #tpu.memory_space<vmem>>
    %dma_start3A_55 = tpu.memref_squeeze %dma_start3A_54 : memref<1x80xi32, #tpu.memory_space<vmem>> -> memref<80xi32, #tpu.memory_space<vmem>>
    %dma_start3A_56 = arith.constant 0 : i32
    %dma_start3A_57 = arith.constant 0 : i32
    %dma_start3A_58 = tpu.memref_slice %arg2[%dma_start3A_56, %dma_start3A_57] : memref<10000x128xf32, #tpu.memory_space<hbm>> -> memref<10000x128xf32, #tpu.memory_space<hbm>>
    tpu.enqueue_indirect_dma source(%dma_start3A_58 : memref<10000x128xf32, #tpu.memory_space<hbm>>) target(%arg13 : memref<80x128xf32, #tpu.memory_space<vmem>>) offsets(%dma_start3A_55 : memref<80xi32, #tpu.memory_space<vmem>>) semaphore(%arg17 : memref<!tpu.dma_semaphore, #tpu.memory_space<semaphore_mem>>)
    %scan3A = arith.constant 0 : i32
    %scan3A_59 = arith.constant 0 : i32
    %scan3A_60 = arith.constant 41 : i32
    %scan3A_61 = arith.addi %scan3A_59, %scan3A_60 : i32
    %scan3A_62 = arith.constant 1 : i32
    scf.for %scan3A_91 = %scan3A_59 to %scan3A_61 step %scan3A_62  : i32 {
      %mul3A_92 = arith.constant 3 : i32
      %mul3A_93 = arith.muli %mul3A_92, %scan3A_91 : i32
      %add3A_94 = arith.constant 1 : i32
      %add3A_95 = arith.addi %mul3A_93, %add3A_94 : i32
      %add3A_96 = arith.constant 0 : i32
      %add3A_97 = arith.addi %add3A_95, %add3A_96 : i32
      %mul3A_98 = arith.constant 10000 : i32
      %mul3A_99 = arith.muli %add3A, %mul3A_98 : i32
      %mul3A_100 = arith.constant 80 : i32
      %mul3A_101 = arith.muli %add3A_97, %mul3A_100 : i32
      %add3A_102 = arith.addi %mul3A_99, %mul3A_101 : i32
      %multiple_of3A_103 = tpu.assume_multiple %add3A_102, 8 : i32
      %dma_wait3A_104 = arith.constant 0 : i32
      %dma_wait3A_105 = tpu.memref_slice %arg7[%add3A_97, %dma_wait3A_104] : memref<125x80xi32, #tpu.memory_space<vmem>> -> memref<1x80xi32, #tpu.memory_space<vmem>>
      %dma_wait3A_106 = tpu.memref_squeeze %dma_wait3A_105 : memref<1x80xi32, #tpu.memory_space<vmem>> -> memref<80xi32, #tpu.memory_space<vmem>>
      %dma_wait3A_107 = arith.constant 0 : i32
      %dma_wait3A_108 = arith.constant 0 : i32
      %dma_wait3A_109 = tpu.memref_slice %arg2[%dma_wait3A_107, %dma_wait3A_108] : memref<10000x128xf32, #tpu.memory_space<hbm>> -> memref<10000x128xf32, #tpu.memory_space<hbm>>
      tpu.wait_indirect_dma semaphore(%arg16 : memref<!tpu.dma_semaphore, #tpu.memory_space<semaphore_mem>>) src(%dma_wait3A_109 : memref<10000x128xf32, #tpu.memory_space<hbm>>) dst(%arg12 : memref<80x128xf32, #tpu.memory_space<vmem>>)
      %dma_wait3A_110 = tpu.memref_slice %arg4[%multiple_of3A_103] : memref<320000xi32, #tpu.memory_space<hbm>> -> memref<80xi32, #tpu.memory_space<hbm>>
      %dma_wait3A_111 = tpu.memref_slice %arg4[%multiple_of3A_103] : memref<320000xi32, #tpu.memory_space<hbm>> -> memref<80xi32, #tpu.memory_space<hbm>>
      tpu.wait_dma2 semaphore(%arg22 : memref<!tpu.dma_semaphore, #tpu.memory_space<semaphore_mem>>) src(%dma_wait3A_111 : memref<80xi32, #tpu.memory_space<hbm>>) dst(%arg9 : memref<80xi32, #tpu.memory_space<vmem>>)
      %dma_start3A_112 = arith.constant 0 : i32
      %dma_start3A_113 = arith.constant 0 : i32
      %dma_start3A_114 = tpu.memref_slice %arg14[%dma_start3A_112, %dma_start3A_113] : memref<10240x128xf32, #tpu.memory_space<vmem_shared>> -> memref<10240x128xf32, #tpu.memory_space<vmem_shared>>
      tpu.enqueue_indirect_dma source(%arg12 : memref<80x128xf32, #tpu.memory_space<vmem>>) target(%dma_start3A_114 : memref<10240x128xf32, #tpu.memory_space<vmem_shared>>) offsets(%arg9 : memref<80xi32, #tpu.memory_space<vmem>>) semaphore(%arg19 : memref<!tpu.dma_semaphore, #tpu.memory_space<semaphore_mem>>) {add = true}
      %add3A_115 = arith.constant 2 : i32
      %add3A_116 = arith.addi %add3A_97, %add3A_115 : i32
      %lt3A = arith.constant 125 : i32
      %lt3A_117 = arith.cmpi slt, %add3A_116, %lt3A : i32
      %convert_element_type3A = arith.extui %lt3A_117 : i1 to i32
      %cond3A = arith.constant 0 : i32
      %cond3A_118 = arith.cmpi ne, %convert_element_type3A, %cond3A : i32
      scf.if %cond3A_118 {
        %dma_wait3A_171 = arith.constant 0 : i32
        %dma_wait3A_172 = arith.constant 0 : i32
        %dma_wait3A_173 = tpu.memref_slice %arg14[%dma_wait3A_171, %dma_wait3A_172] : memref<10240x128xf32, #tpu.memory_space<vmem_shared>> -> memref<10240x128xf32, #tpu.memory_space<vmem_shared>>
        tpu.wait_indirect_dma semaphore(%arg18 : memref<!tpu.dma_semaphore, #tpu.memory_space<semaphore_mem>>) src(%arg11 : memref<80x128xf32, #tpu.memory_space<vmem>>) dst(%dma_wait3A_173 : memref<10240x128xf32, #tpu.memory_space<vmem_shared>>)
        %mul3A_174 = arith.constant 10000 : i32
        %mul3A_175 = arith.muli %add3A, %mul3A_174 : i32
        %mul3A_176 = arith.constant 80 : i32
        %mul3A_177 = arith.muli %add3A_116, %mul3A_176 : i32
        %add3A_178 = arith.addi %mul3A_175, %mul3A_177 : i32
        %multiple_of3A_179 = tpu.assume_multiple %add3A_178, 8 : i32
        %dma_start3A_180 = tpu.memref_slice %arg4[%multiple_of3A_179] : memref<320000xi32, #tpu.memory_space<hbm>> -> memref<80xi32, #tpu.memory_space<hbm>>
        %dma_start3A_181 = tpu.memref_slice %arg4[%multiple_of3A_179] : memref<320000xi32, #tpu.memory_space<hbm>> -> memref<80xi32, #tpu.memory_space<hbm>>
        tpu.enqueue_dma source(%dma_start3A_181 : memref<80xi32, #tpu.memory_space<hbm>>) target(%arg8 : memref<80xi32, #tpu.memory_space<vmem>>) target_semaphore(%arg21 : memref<!tpu.dma_semaphore, #tpu.memory_space<semaphore_mem>>)
        %dma_start3A_182 = arith.constant 0 : i32
        %dma_start3A_183 = tpu.memref_slice %arg7[%add3A_116, %dma_start3A_182] : memref<125x80xi32, #tpu.memory_space<vmem>> -> memref<1x80xi32, #tpu.memory_space<vmem>>
        %dma_start3A_184 = tpu.memref_squeeze %dma_start3A_183 : memref<1x80xi32, #tpu.memory_space<vmem>> -> memref<80xi32, #tpu.memory_space<vmem>>
        %dma_start3A_185 = arith.constant 0 : i32
        %dma_start3A_186 = arith.constant 0 : i32
        %dma_start3A_187 = tpu.memref_slice %arg2[%dma_start3A_185, %dma_start3A_186] : memref<10000x128xf32, #tpu.memory_space<hbm>> -> memref<10000x128xf32, #tpu.memory_space<hbm>>
        tpu.enqueue_indirect_dma source(%dma_start3A_187 : memref<10000x128xf32, #tpu.memory_space<hbm>>) target(%arg11 : memref<80x128xf32, #tpu.memory_space<vmem>>) offsets(%dma_start3A_184 : memref<80xi32, #tpu.memory_space<vmem>>) semaphore(%arg15 : memref<!tpu.dma_semaphore, #tpu.memory_space<semaphore_mem>>)
      } else {
      }
      %add3A_119 = arith.constant 1 : i32
      %add3A_120 = arith.addi %add3A_95, %add3A_119 : i32
      %mul3A_121 = arith.constant 10000 : i32
      %mul3A_122 = arith.muli %add3A, %mul3A_121 : i32
      %mul3A_123 = arith.constant 80 : i32
      %mul3A_124 = arith.muli %add3A_120, %mul3A_123 : i32
      %add3A_125 = arith.addi %mul3A_122, %mul3A_124 : i32
      %multiple_of3A_126 = tpu.assume_multiple %add3A_125, 8 : i32
      %dma_wait3A_127 = arith.constant 0 : i32
      %dma_wait3A_128 = tpu.memref_slice %arg7[%add3A_120, %dma_wait3A_127] : memref<125x80xi32, #tpu.memory_space<vmem>> -> memref<1x80xi32, #tpu.memory_space<vmem>>
      %dma_wait3A_129 = tpu.memref_squeeze %dma_wait3A_128 : memref<1x80xi32, #tpu.memory_space<vmem>> -> memref<80xi32, #tpu.memory_space<vmem>>
      %dma_wait3A_130 = arith.constant 0 : i32
      %dma_wait3A_131 = arith.constant 0 : i32
      %dma_wait3A_132 = tpu.memref_slice %arg2[%dma_wait3A_130, %dma_wait3A_131] : memref<10000x128xf32, #tpu.memory_space<hbm>> -> memref<10000x128xf32, #tpu.memory_space<hbm>>
      tpu.wait_indirect_dma semaphore(%arg17 : memref<!tpu.dma_semaphore, #tpu.memory_space<semaphore_mem>>) src(%dma_wait3A_132 : memref<10000x128xf32, #tpu.memory_space<hbm>>) dst(%arg13 : memref<80x128xf32, #tpu.memory_space<vmem>>)
      %dma_wait3A_133 = tpu.memref_slice %arg4[%multiple_of3A_126] : memref<320000xi32, #tpu.memory_space<hbm>> -> memref<80xi32, #tpu.memory_space<hbm>>
      %dma_wait3A_134 = tpu.memref_slice %arg4[%multiple_of3A_126] : memref<320000xi32, #tpu.memory_space<hbm>> -> memref<80xi32, #tpu.memory_space<hbm>>
      tpu.wait_dma2 semaphore(%arg23 : memref<!tpu.dma_semaphore, #tpu.memory_space<semaphore_mem>>) src(%dma_wait3A_134 : memref<80xi32, #tpu.memory_space<hbm>>) dst(%arg10 : memref<80xi32, #tpu.memory_space<vmem>>)
      %dma_start3A_135 = arith.constant 0 : i32
      %dma_start3A_136 = arith.constant 0 : i32
      %dma_start3A_137 = tpu.memref_slice %arg14[%dma_start3A_135, %dma_start3A_136] : memref<10240x128xf32, #tpu.memory_space<vmem_shared>> -> memref<10240x128xf32, #tpu.memory_space<vmem_shared>>
      tpu.enqueue_indirect_dma source(%arg13 : memref<80x128xf32, #tpu.memory_space<vmem>>) target(%dma_start3A_137 : memref<10240x128xf32, #tpu.memory_space<vmem_shared>>) offsets(%arg10 : memref<80xi32, #tpu.memory_space<vmem>>) semaphore(%arg20 : memref<!tpu.dma_semaphore, #tpu.memory_space<semaphore_mem>>) {add = true}
      %add3A_138 = arith.constant 2 : i32
      %add3A_139 = arith.addi %add3A_120, %add3A_138 : i32
      %lt3A_140 = arith.constant 125 : i32
      %lt3A_141 = arith.cmpi slt, %add3A_139, %lt3A_140 : i32
      %convert_element_type3A_142 = arith.extui %lt3A_141 : i1 to i32
      %cond3A_143 = arith.constant 0 : i32
      %cond3A_144 = arith.cmpi ne, %convert_element_type3A_142, %cond3A_143 : i32
      scf.if %cond3A_144 {
        %dma_wait3A_171 = arith.constant 0 : i32
        %dma_wait3A_172 = arith.constant 0 : i32
        %dma_wait3A_173 = tpu.memref_slice %arg14[%dma_wait3A_171, %dma_wait3A_172] : memref<10240x128xf32, #tpu.memory_space<vmem_shared>> -> memref<10240x128xf32, #tpu.memory_space<vmem_shared>>
        tpu.wait_indirect_dma semaphore(%arg19 : memref<!tpu.dma_semaphore, #tpu.memory_space<semaphore_mem>>) src(%arg12 : memref<80x128xf32, #tpu.memory_space<vmem>>) dst(%dma_wait3A_173 : memref<10240x128xf32, #tpu.memory_space<vmem_shared>>)
        %mul3A_174 = arith.constant 10000 : i32
        %mul3A_175 = arith.muli %add3A, %mul3A_174 : i32
        %mul3A_176 = arith.constant 80 : i32
        %mul3A_177 = arith.muli %add3A_139, %mul3A_176 : i32
        %add3A_178 = arith.addi %mul3A_175, %mul3A_177 : i32
        %multiple_of3A_179 = tpu.assume_multiple %add3A_178, 8 : i32
        %dma_start3A_180 = tpu.memref_slice %arg4[%multiple_of3A_179] : memref<320000xi32, #tpu.memory_space<hbm>> -> memref<80xi32, #tpu.memory_space<hbm>>
        %dma_start3A_181 = tpu.memref_slice %arg4[%multiple_of3A_179] : memref<320000xi32, #tpu.memory_space<hbm>> -> memref<80xi32, #tpu.memory_space<hbm>>
        tpu.enqueue_dma source(%dma_start3A_181 : memref<80xi32, #tpu.memory_space<hbm>>) target(%arg9 : memref<80xi32, #tpu.memory_space<vmem>>) target_semaphore(%arg22 : memref<!tpu.dma_semaphore, #tpu.memory_space<semaphore_mem>>)
        %dma_start3A_182 = arith.constant 0 : i32
        %dma_start3A_183 = tpu.memref_slice %arg7[%add3A_139, %dma_start3A_182] : memref<125x80xi32, #tpu.memory_space<vmem>> -> memref<1x80xi32, #tpu.memory_space<vmem>>
        %dma_start3A_184 = tpu.memref_squeeze %dma_start3A_183 : memref<1x80xi32, #tpu.memory_space<vmem>> -> memref<80xi32, #tpu.memory_space<vmem>>
        %dma_start3A_185 = arith.constant 0 : i32
        %dma_start3A_186 = arith.constant 0 : i32
        %dma_start3A_187 = tpu.memref_slice %arg2[%dma_start3A_185, %dma_start3A_186] : memref<10000x128xf32, #tpu.memory_space<hbm>> -> memref<10000x128xf32, #tpu.memory_space<hbm>>
        tpu.enqueue_indirect_dma source(%dma_start3A_187 : memref<10000x128xf32, #tpu.memory_space<hbm>>) target(%arg12 : memref<80x128xf32, #tpu.memory_space<vmem>>) offsets(%dma_start3A_184 : memref<80xi32, #tpu.memory_space<vmem>>) semaphore(%arg16 : memref<!tpu.dma_semaphore, #tpu.memory_space<semaphore_mem>>)
      } else {
      }
      %add3A_145 = arith.constant 2 : i32
      %add3A_146 = arith.addi %add3A_95, %add3A_145 : i32
      %mul3A_147 = arith.constant 10000 : i32
      %mul3A_148 = arith.muli %add3A, %mul3A_147 : i32
      %mul3A_149 = arith.constant 80 : i32
      %mul3A_150 = arith.muli %add3A_146, %mul3A_149 : i32
      %add3A_151 = arith.addi %mul3A_148, %mul3A_150 : i32
      %multiple_of3A_152 = tpu.assume_multiple %add3A_151, 8 : i32
      %dma_wait3A_153 = arith.constant 0 : i32
      %dma_wait3A_154 = tpu.memref_slice %arg7[%add3A_146, %dma_wait3A_153] : memref<125x80xi32, #tpu.memory_space<vmem>> -> memref<1x80xi32, #tpu.memory_space<vmem>>
      %dma_wait3A_155 = tpu.memref_squeeze %dma_wait3A_154 : memref<1x80xi32, #tpu.memory_space<vmem>> -> memref<80xi32, #tpu.memory_space<vmem>>
      %dma_wait3A_156 = arith.constant 0 : i32
      %dma_wait3A_157 = arith.constant 0 : i32
      %dma_wait3A_158 = tpu.memref_slice %arg2[%dma_wait3A_156, %dma_wait3A_157] : memref<10000x128xf32, #tpu.memory_space<hbm>> -> memref<10000x128xf32, #tpu.memory_space<hbm>>
      tpu.wait_indirect_dma semaphore(%arg15 : memref<!tpu.dma_semaphore, #tpu.memory_space<semaphore_mem>>) src(%dma_wait3A_158 : memref<10000x128xf32, #tpu.memory_space<hbm>>) dst(%arg11 : memref<80x128xf32, #tpu.memory_space<vmem>>)
      %dma_wait3A_159 = tpu.memref_slice %arg4[%multiple_of3A_152] : memref<320000xi32, #tpu.memory_space<hbm>> -> memref<80xi32, #tpu.memory_space<hbm>>
      %dma_wait3A_160 = tpu.memref_slice %arg4[%multiple_of3A_152] : memref<320000xi32, #tpu.memory_space<hbm>> -> memref<80xi32, #tpu.memory_space<hbm>>
      tpu.wait_dma2 semaphore(%arg21 : memref<!tpu.dma_semaphore, #tpu.memory_space<semaphore_mem>>) src(%dma_wait3A_160 : memref<80xi32, #tpu.memory_space<hbm>>) dst(%arg8 : memref<80xi32, #tpu.memory_space<vmem>>)
      %dma_start3A_161 = arith.constant 0 : i32
      %dma_start3A_162 = arith.constant 0 : i32
      %dma_start3A_163 = tpu.memref_slice %arg14[%dma_start3A_161, %dma_start3A_162] : memref<10240x128xf32, #tpu.memory_space<vmem_shared>> -> memref<10240x128xf32, #tpu.memory_space<vmem_shared>>
      tpu.enqueue_indirect_dma source(%arg11 : memref<80x128xf32, #tpu.memory_space<vmem>>) target(%dma_start3A_163 : memref<10240x128xf32, #tpu.memory_space<vmem_shared>>) offsets(%arg8 : memref<80xi32, #tpu.memory_space<vmem>>) semaphore(%arg18 : memref<!tpu.dma_semaphore, #tpu.memory_space<semaphore_mem>>) {add = true}
      %add3A_164 = arith.constant 2 : i32
      %add3A_165 = arith.addi %add3A_146, %add3A_164 : i32
      %lt3A_166 = arith.constant 125 : i32
      %lt3A_167 = arith.cmpi slt, %add3A_165, %lt3A_166 : i32
      %convert_element_type3A_168 = arith.extui %lt3A_167 : i1 to i32
      %cond3A_169 = arith.constant 0 : i32
      %cond3A_170 = arith.cmpi ne, %convert_element_type3A_168, %cond3A_169 : i32
      scf.if %cond3A_170 {
        %dma_wait3A_171 = arith.constant 0 : i32
        %dma_wait3A_172 = arith.constant 0 : i32
        %dma_wait3A_173 = tpu.memref_slice %arg14[%dma_wait3A_171, %dma_wait3A_172] : memref<10240x128xf32, #tpu.memory_space<vmem_shared>> -> memref<10240x128xf32, #tpu.memory_space<vmem_shared>>
        tpu.wait_indirect_dma semaphore(%arg20 : memref<!tpu.dma_semaphore, #tpu.memory_space<semaphore_mem>>) src(%arg13 : memref<80x128xf32, #tpu.memory_space<vmem>>) dst(%dma_wait3A_173 : memref<10240x128xf32, #tpu.memory_space<vmem_shared>>)
        %mul3A_174 = arith.constant 10000 : i32
        %mul3A_175 = arith.muli %add3A, %mul3A_174 : i32
        %mul3A_176 = arith.constant 80 : i32
        %mul3A_177 = arith.muli %add3A_165, %mul3A_176 : i32
        %add3A_178 = arith.addi %mul3A_175, %mul3A_177 : i32
        %multiple_of3A_179 = tpu.assume_multiple %add3A_178, 8 : i32
        %dma_start3A_180 = tpu.memref_slice %arg4[%multiple_of3A_179] : memref<320000xi32, #tpu.memory_space<hbm>> -> memref<80xi32, #tpu.memory_space<hbm>>
        %dma_start3A_181 = tpu.memref_slice %arg4[%multiple_of3A_179] : memref<320000xi32, #tpu.memory_space<hbm>> -> memref<80xi32, #tpu.memory_space<hbm>>
        tpu.enqueue_dma source(%dma_start3A_181 : memref<80xi32, #tpu.memory_space<hbm>>) target(%arg10 : memref<80xi32, #tpu.memory_space<vmem>>) target_semaphore(%arg23 : memref<!tpu.dma_semaphore, #tpu.memory_space<semaphore_mem>>)
        %dma_start3A_182 = arith.constant 0 : i32
        %dma_start3A_183 = tpu.memref_slice %arg7[%add3A_165, %dma_start3A_182] : memref<125x80xi32, #tpu.memory_space<vmem>> -> memref<1x80xi32, #tpu.memory_space<vmem>>
        %dma_start3A_184 = tpu.memref_squeeze %dma_start3A_183 : memref<1x80xi32, #tpu.memory_space<vmem>> -> memref<80xi32, #tpu.memory_space<vmem>>
        %dma_start3A_185 = arith.constant 0 : i32
        %dma_start3A_186 = arith.constant 0 : i32
        %dma_start3A_187 = tpu.memref_slice %arg2[%dma_start3A_185, %dma_start3A_186] : memref<10000x128xf32, #tpu.memory_space<hbm>> -> memref<10000x128xf32, #tpu.memory_space<hbm>>
        tpu.enqueue_indirect_dma source(%dma_start3A_187 : memref<10000x128xf32, #tpu.memory_space<hbm>>) target(%arg13 : memref<80x128xf32, #tpu.memory_space<vmem>>) offsets(%dma_start3A_184 : memref<80xi32, #tpu.memory_space<vmem>>) semaphore(%arg17 : memref<!tpu.dma_semaphore, #tpu.memory_space<semaphore_mem>>)
      } else {
      }
    }
    %scan3A_63 = arith.constant 41 : i32
    %mul3A_64 = arith.constant 10000 : i32
    %mul3A_65 = arith.muli %add3A, %mul3A_64 : i32
    %add3A_66 = arith.constant 9920 : i32
    %add3A_67 = arith.addi %mul3A_65, %add3A_66 : i32
    %multiple_of3A_68 = tpu.assume_multiple %add3A_67, 8 : i32
    %dma_wait3A_69 = arith.constant 124 : i32
    %dma_wait3A_70 = arith.constant 0 : i32
    %dma_wait3A_71 = tpu.memref_slice %arg7[%dma_wait3A_69, %dma_wait3A_70] : memref<125x80xi32, #tpu.memory_space<vmem>> -> memref<1x80xi32, #tpu.memory_space<vmem>>
    %dma_wait3A_72 = tpu.memref_squeeze %dma_wait3A_71 : memref<1x80xi32, #tpu.memory_space<vmem>> -> memref<80xi32, #tpu.memory_space<vmem>>
    %dma_wait3A_73 = arith.constant 0 : i32
    %dma_wait3A_74 = arith.constant 0 : i32
    %dma_wait3A_75 = tpu.memref_slice %arg2[%dma_wait3A_73, %dma_wait3A_74] : memref<10000x128xf32, #tpu.memory_space<hbm>> -> memref<10000x128xf32, #tpu.memory_space<hbm>>
    tpu.wait_indirect_dma semaphore(%arg16 : memref<!tpu.dma_semaphore, #tpu.memory_space<semaphore_mem>>) src(%dma_wait3A_75 : memref<10000x128xf32, #tpu.memory_space<hbm>>) dst(%arg12 : memref<80x128xf32, #tpu.memory_space<vmem>>)
    %dma_wait3A_76 = tpu.memref_slice %arg4[%multiple_of3A_68] : memref<320000xi32, #tpu.memory_space<hbm>> -> memref<80xi32, #tpu.memory_space<hbm>>
    %dma_wait3A_77 = tpu.memref_slice %arg4[%multiple_of3A_68] : memref<320000xi32, #tpu.memory_space<hbm>> -> memref<80xi32, #tpu.memory_space<hbm>>
    tpu.wait_dma2 semaphore(%arg22 : memref<!tpu.dma_semaphore, #tpu.memory_space<semaphore_mem>>) src(%dma_wait3A_77 : memref<80xi32, #tpu.memory_space<hbm>>) dst(%arg9 : memref<80xi32, #tpu.memory_space<vmem>>)
    %dma_start3A_78 = arith.constant 0 : i32
    %dma_start3A_79 = arith.constant 0 : i32
    %dma_start3A_80 = tpu.memref_slice %arg14[%dma_start3A_78, %dma_start3A_79] : memref<10240x128xf32, #tpu.memory_space<vmem_shared>> -> memref<10240x128xf32, #tpu.memory_space<vmem_shared>>
    tpu.enqueue_indirect_dma source(%arg12 : memref<80x128xf32, #tpu.memory_space<vmem>>) target(%dma_start3A_80 : memref<10240x128xf32, #tpu.memory_space<vmem_shared>>) offsets(%arg9 : memref<80xi32, #tpu.memory_space<vmem>>) semaphore(%arg19 : memref<!tpu.dma_semaphore, #tpu.memory_space<semaphore_mem>>) {add = true}
    %dma_wait3A_81 = arith.constant 0 : i32
    %dma_wait3A_82 = arith.constant 0 : i32
    %dma_wait3A_83 = tpu.memref_slice %arg14[%dma_wait3A_81, %dma_wait3A_82] : memref<10240x128xf32, #tpu.memory_space<vmem_shared>> -> memref<10240x128xf32, #tpu.memory_space<vmem_shared>>
    tpu.wait_indirect_dma semaphore(%arg18 : memref<!tpu.dma_semaphore, #tpu.memory_space<semaphore_mem>>) src(%arg11 : memref<80x128xf32, #tpu.memory_space<vmem>>) dst(%dma_wait3A_83 : memref<10240x128xf32, #tpu.memory_space<vmem_shared>>)
    %dma_wait3A_84 = arith.constant 0 : i32
    %dma_wait3A_85 = arith.constant 0 : i32
    %dma_wait3A_86 = tpu.memref_slice %arg14[%dma_wait3A_84, %dma_wait3A_85] : memref<10240x128xf32, #tpu.memory_space<vmem_shared>> -> memref<10240x128xf32, #tpu.memory_space<vmem_shared>>
    tpu.wait_indirect_dma semaphore(%arg19 : memref<!tpu.dma_semaphore, #tpu.memory_space<semaphore_mem>>) src(%arg12 : memref<80x128xf32, #tpu.memory_space<vmem>>) dst(%dma_wait3A_86 : memref<10240x128xf32, #tpu.memory_space<vmem_shared>>)
    %dma_wait3A_87 = arith.constant 0 : i32
    %dma_wait3A_88 = arith.constant 0 : i32
    %dma_wait3A_89 = tpu.memref_slice %arg14[%dma_wait3A_87, %dma_wait3A_88] : memref<10240x128xf32, #tpu.memory_space<vmem_shared>> -> memref<10240x128xf32, #tpu.memory_space<vmem_shared>>
    tpu.wait_indirect_dma semaphore(%arg20 : memref<!tpu.dma_semaphore, #tpu.memory_space<semaphore_mem>>) src(%arg13 : memref<80x128xf32, #tpu.memory_space<vmem>>) dst(%dma_wait3A_89 : memref<10240x128xf32, #tpu.memory_space<vmem_shared>>)
    %barrier3A_90 = arith.constant 0 : index
    tpu.barrier barrier_id(%barrier3A_90)
    "tpu.region"() ({
      %run_scoped3A = tpu.sem_alloc : memref<!tpu.dma_semaphore, #tpu.memory_space<semaphore_mem>>
      %dma_start3A_91 = arith.constant 0 : i32
      %dma_start3A_92 = tpu.memref_slice %arg6[%arg0, %mul3A_2, %dma_start3A_91] : memref<2x10240x128xf32, #tpu.memory_space<hbm>> -> memref<1x640x128xf32, #tpu.memory_space<hbm>>
      %dma_start3A_93 = tpu.memref_squeeze %dma_start3A_92 : memref<1x640x128xf32, #tpu.memory_space<hbm>> -> memref<640x128xf32, #tpu.memory_space<hbm>>
      %dma_start3A_94 = arith.constant 0 : i32
      %dma_start3A_95 = tpu.memref_slice %arg14[%mul3A_2, %dma_start3A_94] : memref<10240x128xf32, #tpu.memory_space<vmem_shared>> -> memref<640x128xf32, #tpu.memory_space<vmem_shared>>
      tpu.enqueue_dma source(%dma_start3A_95 : memref<640x128xf32, #tpu.memory_space<vmem_shared>>) target(%dma_start3A_93 : memref<640x128xf32, #tpu.memory_space<hbm>>) target_semaphore(%run_scoped3A : memref<!tpu.dma_semaphore, #tpu.memory_space<semaphore_mem>>)
      %dma_wait3A_96 = arith.constant 0 : i32
      %dma_wait3A_97 = tpu.memref_slice %arg6[%arg0, %mul3A_2, %dma_wait3A_96] : memref<2x10240x128xf32, #tpu.memory_space<hbm>> -> memref<1x640x128xf32, #tpu.memory_space<hbm>>
      %dma_wait3A_98 = tpu.memref_squeeze %dma_wait3A_97 : memref<1x640x128xf32, #tpu.memory_space<hbm>> -> memref<640x128xf32, #tpu.memory_space<hbm>>
      %dma_wait3A_99 = arith.constant 0 : i32
      %dma_wait3A_100 = tpu.memref_slice %arg14[%mul3A_2, %dma_wait3A_99] : memref<10240x128xf32, #tpu.memory_space<vmem_shared>> -> memref<640x128xf32, #tpu.memory_space<vmem_shared>>
      tpu.wait_dma2 semaphore(%run_scoped3A : memref<!tpu.dma_semaphore, #tpu.memory_space<semaphore_mem>>) src(%dma_wait3A_100 : memref<640x128xf32, #tpu.memory_space<vmem_shared>>) dst(%dma_wait3A_98 : memref<640x128xf32, #tpu.memory_space<hbm>>)
      tpu.yield
    }) : () -> ()
    return
  }
}

#map = affine_map<(d0, d1) -> (0, 0)>
#map1 = affine_map<(d0, d1) -> (0, 0, 0)>
#map2 = affine_map<(d0, d1) -> (0)>
module attributes {stable_mosaic.version = 14 : i64} {
  func.func @_row_segsum_body(%arg0: i32, %arg1: i32, %arg2: memref<10000x128xf32, #tpu.memory_space<hbm>>, %arg3: memref<32x125x80xi32, #tpu.memory_space<hbm>>, %arg4: memref<320000xi32, #tpu.memory_space<hbm>>, %arg5: memref<640x128xf32, #tpu.memory_space<hbm>>, %arg6: memref<2x10240x128xf32, #tpu.memory_space<hbm>>, %arg7: memref<125x80xi32, #tpu.memory_space<vmem>>, %arg8: memref<80xi32, #tpu.memory_space<vmem>>, %arg9: memref<80xi32, #tpu.memory_space<vmem>>, %arg10: memref<80xi32, #tpu.memory_space<vmem>>, %arg11: memref<80x128xf32, #tpu.memory_space<vmem>>, %arg12: memref<80x128xf32, #tpu.memory_space<vmem>>, %arg13: memref<80x128xf32, #tpu.memory_space<vmem>>, %arg14: memref<10240x128xf32, #tpu.memory_space<vmem_shared>>, %arg15: memref<!tpu.dma_semaphore, #tpu.memory_space<semaphore_mem>>, %arg16: memref<!tpu.dma_semaphore, #tpu.memory_space<semaphore_mem>>, %arg17: memref<!tpu.dma_semaphore, #tpu.memory_space<semaphore_mem>>, %arg18: memref<!tpu.dma_semaphore, #tpu.memory_space<semaphore_mem>>, %arg19: memref<!tpu.dma_semaphore, #tpu.memory_space<semaphore_mem>>, %arg20: memref<!tpu.dma_semaphore, #tpu.memory_space<semaphore_mem>>, %arg21: memref<!tpu.dma_semaphore, #tpu.memory_space<semaphore_mem>>, %arg22: memref<!tpu.dma_semaphore, #tpu.memory_space<semaphore_mem>>, %arg23: memref<!tpu.dma_semaphore, #tpu.memory_space<semaphore_mem>>) attributes {dimension_semantics = [#tpu.dimension_semantics<core_parallel>, #tpu.dimension_semantics<subcore_parallel>], iteration_bounds = array<i64: 2, 16>, scalar_prefetch = 0 : i64, scratch_operands = 17 : i64, tpu.core_type = #tpu.core_type<sc_vector_subcore>, window_params = [{transform_indices = #map}, {transform_indices = #map1}, {transform_indices = #map2}, {transform_indices = #map}, {transform_indices = #map1}]} {
    %mul3A = arith.constant 2 : i32
    %mul3A_0 = arith.muli %arg1, %mul3A : i32
    %add3A = arith.addi %mul3A_0, %arg0 : i32
    %mul3A_1 = arith.constant 640 : i32
    %mul3A_2 = arith.muli %arg1, %mul3A_1 : i32
    "tpu.region"() ({
      %run_scoped3A = tpu.sem_alloc : memref<!tpu.dma_semaphore, #tpu.memory_space<semaphore_mem>>
      %dma_start3A_91 = arith.constant 0 : i32
      %dma_start3A_92 = tpu.memref_slice %arg14[%mul3A_2, %dma_start3A_91] : memref<10240x128xf32, #tpu.memory_space<vmem_shared>> -> memref<640x128xf32, #tpu.memory_space<vmem_shared>>
      tpu.enqueue_dma source(%arg5 : memref<640x128xf32, #tpu.memory_space<hbm>>) target(%dma_start3A_92 : memref<640x128xf32, #tpu.memory_space<vmem_shared>>) target_semaphore(%run_scoped3A : memref<!tpu.dma_semaphore, #tpu.memory_space<semaphore_mem>>)
      %dma_wait3A_93 = arith.constant 0 : i32
      %dma_wait3A_94 = tpu.memref_slice %arg14[%mul3A_2, %dma_wait3A_93] : memref<10240x128xf32, #tpu.memory_space<vmem_shared>> -> memref<640x128xf32, #tpu.memory_space<vmem_shared>>
      tpu.wait_dma2 semaphore(%run_scoped3A : memref<!tpu.dma_semaphore, #tpu.memory_space<semaphore_mem>>) src(%arg5 : memref<640x128xf32, #tpu.memory_space<hbm>>) dst(%dma_wait3A_94 : memref<640x128xf32, #tpu.memory_space<vmem_shared>>)
      tpu.yield
    }) : () -> ()
    "tpu.region"() ({
      %run_scoped3A = tpu.sem_alloc : memref<!tpu.dma_semaphore, #tpu.memory_space<semaphore_mem>>
      %dma_start3A_91 = arith.constant 0 : i32
      %dma_start3A_92 = arith.constant 0 : i32
      %dma_start3A_93 = tpu.memref_slice %arg3[%add3A, %dma_start3A_91, %dma_start3A_92] : memref<32x125x80xi32, #tpu.memory_space<hbm>> -> memref<1x125x80xi32, #tpu.memory_space<hbm>>
      %dma_start3A_94 = tpu.memref_squeeze %dma_start3A_93 : memref<1x125x80xi32, #tpu.memory_space<hbm>> -> memref<125x80xi32, #tpu.memory_space<hbm>>
      %dma_start3A_95 = arith.constant 0 : i32
      %dma_start3A_96 = arith.constant 0 : i32
      %dma_start3A_97 = tpu.memref_slice %arg3[%add3A, %dma_start3A_95, %dma_start3A_96] : memref<32x125x80xi32, #tpu.memory_space<hbm>> -> memref<1x125x80xi32, #tpu.memory_space<hbm>>
      %dma_start3A_98 = tpu.memref_squeeze %dma_start3A_97 : memref<1x125x80xi32, #tpu.memory_space<hbm>> -> memref<125x80xi32, #tpu.memory_space<hbm>>
      tpu.enqueue_dma source(%dma_start3A_98 : memref<125x80xi32, #tpu.memory_space<hbm>>) target(%arg7 : memref<125x80xi32, #tpu.memory_space<vmem>>) target_semaphore(%run_scoped3A : memref<!tpu.dma_semaphore, #tpu.memory_space<semaphore_mem>>)
      %dma_wait3A_99 = arith.constant 0 : i32
      %dma_wait3A_100 = arith.constant 0 : i32
      %dma_wait3A_101 = tpu.memref_slice %arg3[%add3A, %dma_wait3A_99, %dma_wait3A_100] : memref<32x125x80xi32, #tpu.memory_space<hbm>> -> memref<1x125x80xi32, #tpu.memory_space<hbm>>
      %dma_wait3A_102 = tpu.memref_squeeze %dma_wait3A_101 : memref<1x125x80xi32, #tpu.memory_space<hbm>> -> memref<125x80xi32, #tpu.memory_space<hbm>>
      %dma_wait3A_103 = arith.constant 0 : i32
      %dma_wait3A_104 = arith.constant 0 : i32
      %dma_wait3A_105 = tpu.memref_slice %arg3[%add3A, %dma_wait3A_103, %dma_wait3A_104] : memref<32x125x80xi32, #tpu.memory_space<hbm>> -> memref<1x125x80xi32, #tpu.memory_space<hbm>>
      %dma_wait3A_106 = tpu.memref_squeeze %dma_wait3A_105 : memref<1x125x80xi32, #tpu.memory_space<hbm>> -> memref<125x80xi32, #tpu.memory_space<hbm>>
      tpu.wait_dma2 semaphore(%run_scoped3A : memref<!tpu.dma_semaphore, #tpu.memory_space<semaphore_mem>>) src(%dma_wait3A_106 : memref<125x80xi32, #tpu.memory_space<hbm>>) dst(%arg7 : memref<125x80xi32, #tpu.memory_space<vmem>>)
      tpu.yield
    }) : () -> ()
    %barrier3A = arith.constant 0 : index
    tpu.barrier barrier_id(%barrier3A)
    %mul3A_3 = arith.constant 10000 : i32
    %mul3A_4 = arith.muli %add3A, %mul3A_3 : i32
    %add3A_5 = arith.constant 0 : i32
    %add3A_6 = arith.addi %mul3A_4, %add3A_5 : i32
    %multiple_of3A = tpu.assume_multiple %add3A_6, 8 : i32
    %dma_start3A = tpu.memref_slice %arg4[%multiple_of3A] : memref<320000xi32, #tpu.memory_space<hbm>> -> memref<80xi32, #tpu.memory_space<hbm>>
    %dma_start3A_7 = tpu.memref_slice %arg4[%multiple_of3A] : memref<320000xi32, #tpu.memory_space<hbm>> -> memref<80xi32, #tpu.memory_space<hbm>>
    tpu.enqueue_dma source(%dma_start3A_7 : memref<80xi32, #tpu.memory_space<hbm>>) target(%arg8 : memref<80xi32, #tpu.memory_space<vmem>>) target_semaphore(%arg21 : memref<!tpu.dma_semaphore, #tpu.memory_space<semaphore_mem>>)
    %dma_start3A_8 = arith.constant 0 : i32
    %dma_start3A_9 = arith.constant 0 : i32
    %dma_start3A_10 = tpu.memref_slice %arg7[%dma_start3A_8, %dma_start3A_9] : memref<125x80xi32, #tpu.memory_space<vmem>> -> memref<1x80xi32, #tpu.memory_space<vmem>>
    %dma_start3A_11 = tpu.memref_squeeze %dma_start3A_10 : memref<1x80xi32, #tpu.memory_space<vmem>> -> memref<80xi32, #tpu.memory_space<vmem>>
    %dma_start3A_12 = arith.constant 0 : i32
    %dma_start3A_13 = arith.constant 0 : i32
    %dma_start3A_14 = tpu.memref_slice %arg2[%dma_start3A_12, %dma_start3A_13] : memref<10000x128xf32, #tpu.memory_space<hbm>> -> memref<10000x128xf32, #tpu.memory_space<hbm>>
    tpu.enqueue_indirect_dma source(%dma_start3A_14 : memref<10000x128xf32, #tpu.memory_space<hbm>>) target(%arg11 : memref<80x128xf32, #tpu.memory_space<vmem>>) offsets(%dma_start3A_11 : memref<80xi32, #tpu.memory_space<vmem>>) semaphore(%arg15 : memref<!tpu.dma_semaphore, #tpu.memory_space<semaphore_mem>>)
    %mul3A_15 = arith.constant 10000 : i32
    %mul3A_16 = arith.muli %add3A, %mul3A_15 : i32
    %add3A_17 = arith.constant 80 : i32
    %add3A_18 = arith.addi %mul3A_16, %add3A_17 : i32
    %multiple_of3A_19 = tpu.assume_multiple %add3A_18, 8 : i32
    %dma_start3A_20 = tpu.memref_slice %arg4[%multiple_of3A_19] : memref<320000xi32, #tpu.memory_space<hbm>> -> memref<80xi32, #tpu.memory_space<hbm>>
    %dma_start3A_21 = tpu.memref_slice %arg4[%multiple_of3A_19] : memref<320000xi32, #tpu.memory_space<hbm>> -> memref<80xi32, #tpu.memory_space<hbm>>
    tpu.enqueue_dma source(%dma_start3A_21 : memref<80xi32, #tpu.memory_space<hbm>>) target(%arg9 : memref<80xi32, #tpu.memory_space<vmem>>) target_semaphore(%arg22 : memref<!tpu.dma_semaphore, #tpu.memory_space<semaphore_mem>>)
    %dma_start3A_22 = arith.constant 1 : i32
    %dma_start3A_23 = arith.constant 0 : i32
    %dma_start3A_24 = tpu.memref_slice %arg7[%dma_start3A_22, %dma_start3A_23] : memref<125x80xi32, #tpu.memory_space<vmem>> -> memref<1x80xi32, #tpu.memory_space<vmem>>
    %dma_start3A_25 = tpu.memref_squeeze %dma_start3A_24 : memref<1x80xi32, #tpu.memory_space<vmem>> -> memref<80xi32, #tpu.memory_space<vmem>>
    %dma_start3A_26 = arith.constant 0 : i32
    %dma_start3A_27 = arith.constant 0 : i32
    %dma_start3A_28 = tpu.memref_slice %arg2[%dma_start3A_26, %dma_start3A_27] : memref<10000x128xf32, #tpu.memory_space<hbm>> -> memref<10000x128xf32, #tpu.memory_space<hbm>>
    tpu.enqueue_indirect_dma source(%dma_start3A_28 : memref<10000x128xf32, #tpu.memory_space<hbm>>) target(%arg12 : memref<80x128xf32, #tpu.memory_space<vmem>>) offsets(%dma_start3A_25 : memref<80xi32, #tpu.memory_space<vmem>>) semaphore(%arg16 : memref<!tpu.dma_semaphore, #tpu.memory_space<semaphore_mem>>)
    %mul3A_29 = arith.constant 10000 : i32
    %mul3A_30 = arith.muli %add3A, %mul3A_29 : i32
    %add3A_31 = arith.constant 0 : i32
    %add3A_32 = arith.addi %mul3A_30, %add3A_31 : i32
    %multiple_of3A_33 = tpu.assume_multiple %add3A_32, 8 : i32
    %dma_wait3A = arith.constant 0 : i32
    %dma_wait3A_34 = arith.constant 0 : i32
    %dma_wait3A_35 = tpu.memref_slice %arg7[%dma_wait3A, %dma_wait3A_34] : memref<125x80xi32, #tpu.memory_space<vmem>> -> memref<1x80xi32, #tpu.memory_space<vmem>>
    %dma_wait3A_36 = tpu.memref_squeeze %dma_wait3A_35 : memref<1x80xi32, #tpu.memory_space<vmem>> -> memref<80xi32, #tpu.memory_space<vmem>>
    %dma_wait3A_37 = arith.constant 0 : i32
    %dma_wait3A_38 = arith.constant 0 : i32
    %dma_wait3A_39 = tpu.memref_slice %arg2[%dma_wait3A_37, %dma_wait3A_38] : memref<10000x128xf32, #tpu.memory_space<hbm>> -> memref<10000x128xf32, #tpu.memory_space<hbm>>
    tpu.wait_indirect_dma semaphore(%arg15 : memref<!tpu.dma_semaphore, #tpu.memory_space<semaphore_mem>>) src(%dma_wait3A_39 : memref<10000x128xf32, #tpu.memory_space<hbm>>) dst(%arg11 : memref<80x128xf32, #tpu.memory_space<vmem>>)
    %dma_wait3A_40 = tpu.memref_slice %arg4[%multiple_of3A_33] : memref<320000xi32, #tpu.memory_space<hbm>> -> memref<80xi32, #tpu.memory_space<hbm>>
    %dma_wait3A_41 = tpu.memref_slice %arg4[%multiple_of3A_33] : memref<320000xi32, #tpu.memory_space<hbm>> -> memref<80xi32, #tpu.memory_space<hbm>>
    tpu.wait_dma2 semaphore(%arg21 : memref<!tpu.dma_semaphore, #tpu.memory_space<semaphore_mem>>) src(%dma_wait3A_41 : memref<80xi32, #tpu.memory_space<hbm>>) dst(%arg8 : memref<80xi32, #tpu.memory_space<vmem>>)
    %dma_start3A_42 = arith.constant 0 : i32
    %dma_start3A_43 = arith.constant 0 : i32
    %dma_start3A_44 = tpu.memref_slice %arg14[%dma_start3A_42, %dma_start3A_43] : memref<10240x128xf32, #tpu.memory_space<vmem_shared>> -> memref<10240x128xf32, #tpu.memory_space<vmem_shared>>
    tpu.enqueue_indirect_dma source(%arg11 : memref<80x128xf32, #tpu.memory_space<vmem>>) target(%dma_start3A_44 : memref<10240x128xf32, #tpu.memory_space<vmem_shared>>) offsets(%arg8 : memref<80xi32, #tpu.memory_space<vmem>>) semaphore(%arg18 : memref<!tpu.dma_semaphore, #tpu.memory_space<semaphore_mem>>) {add = true}
    %mul3A_45 = arith.constant 10000 : i32
    %mul3A_46 = arith.muli %add3A, %mul3A_45 : i32
    %add3A_47 = arith.constant 160 : i32
    %add3A_48 = arith.addi %mul3A_46, %add3A_47 : i32
    %multiple_of3A_49 = tpu.assume_multiple %add3A_48, 8 : i32
    %dma_start3A_50 = tpu.memref_slice %arg4[%multiple_of3A_49] : memref<320000xi32, #tpu.memory_space<hbm>> -> memref<80xi32, #tpu.memory_space<hbm>>
    %dma_start3A_51 = tpu.memref_slice %arg4[%multiple_of3A_49] : memref<320000xi32, #tpu.memory_space<hbm>> -> memref<80xi32, #tpu.memory_space<hbm>>
    tpu.enqueue_dma source(%dma_start3A_51 : memref<80xi32, #tpu.memory_space<hbm>>) target(%arg10 : memref<80xi32, #tpu.memory_space<vmem>>) target_semaphore(%arg23 : memref<!tpu.dma_semaphore, #tpu.memory_space<semaphore_mem>>)
    %dma_start3A_52 = arith.constant 2 : i32
    %dma_start3A_53 = arith.constant 0 : i32
    %dma_start3A_54 = tpu.memref_slice %arg7[%dma_start3A_52, %dma_start3A_53] : memref<125x80xi32, #tpu.memory_space<vmem>> -> memref<1x80xi32, #tpu.memory_space<vmem>>
    %dma_start3A_55 = tpu.memref_squeeze %dma_start3A_54 : memref<1x80xi32, #tpu.memory_space<vmem>> -> memref<80xi32, #tpu.memory_space<vmem>>
    %dma_start3A_56 = arith.constant 0 : i32
    %dma_start3A_57 = arith.constant 0 : i32
    %dma_start3A_58 = tpu.memref_slice %arg2[%dma_start3A_56, %dma_start3A_57] : memref<10000x128xf32, #tpu.memory_space<hbm>> -> memref<10000x128xf32, #tpu.memory_space<hbm>>
    tpu.enqueue_indirect_dma source(%dma_start3A_58 : memref<10000x128xf32, #tpu.memory_space<hbm>>) target(%arg13 : memref<80x128xf32, #tpu.memory_space<vmem>>) offsets(%dma_start3A_55 : memref<80xi32, #tpu.memory_space<vmem>>) semaphore(%arg17 : memref<!tpu.dma_semaphore, #tpu.memory_space<semaphore_mem>>)
    %scan3A = arith.constant 0 : i32
    %scan3A_59 = arith.constant 0 : i32
    %scan3A_60 = arith.constant 41 : i32
    %scan3A_61 = arith.addi %scan3A_59, %scan3A_60 : i32
    %scan3A_62 = arith.constant 1 : i32
    scf.for %scan3A_91 = %scan3A_59 to %scan3A_61 step %scan3A_62  : i32 {
      %mul3A_92 = arith.constant 3 : i32
      %mul3A_93 = arith.muli %mul3A_92, %scan3A_91 : i32
      %add3A_94 = arith.constant 1 : i32
      %add3A_95 = arith.addi %mul3A_93, %add3A_94 : i32
      %add3A_96 = arith.constant 0 : i32
      %add3A_97 = arith.addi %add3A_95, %add3A_96 : i32
      %mul3A_98 = arith.constant 10000 : i32
      %mul3A_99 = arith.muli %add3A, %mul3A_98 : i32
      %mul3A_100 = arith.constant 80 : i32
      %mul3A_101 = arith.muli %add3A_97, %mul3A_100 : i32
      %add3A_102 = arith.addi %mul3A_99, %mul3A_101 : i32
      %multiple_of3A_103 = tpu.assume_multiple %add3A_102, 8 : i32
      %dma_wait3A_104 = arith.constant 0 : i32
      %dma_wait3A_105 = tpu.memref_slice %arg7[%add3A_97, %dma_wait3A_104] : memref<125x80xi32, #tpu.memory_space<vmem>> -> memref<1x80xi32, #tpu.memory_space<vmem>>
      %dma_wait3A_106 = tpu.memref_squeeze %dma_wait3A_105 : memref<1x80xi32, #tpu.memory_space<vmem>> -> memref<80xi32, #tpu.memory_space<vmem>>
      %dma_wait3A_107 = arith.constant 0 : i32
      %dma_wait3A_108 = arith.constant 0 : i32
      %dma_wait3A_109 = tpu.memref_slice %arg2[%dma_wait3A_107, %dma_wait3A_108] : memref<10000x128xf32, #tpu.memory_space<hbm>> -> memref<10000x128xf32, #tpu.memory_space<hbm>>
      tpu.wait_indirect_dma semaphore(%arg16 : memref<!tpu.dma_semaphore, #tpu.memory_space<semaphore_mem>>) src(%dma_wait3A_109 : memref<10000x128xf32, #tpu.memory_space<hbm>>) dst(%arg12 : memref<80x128xf32, #tpu.memory_space<vmem>>)
      %dma_wait3A_110 = tpu.memref_slice %arg4[%multiple_of3A_103] : memref<320000xi32, #tpu.memory_space<hbm>> -> memref<80xi32, #tpu.memory_space<hbm>>
      %dma_wait3A_111 = tpu.memref_slice %arg4[%multiple_of3A_103] : memref<320000xi32, #tpu.memory_space<hbm>> -> memref<80xi32, #tpu.memory_space<hbm>>
      tpu.wait_dma2 semaphore(%arg22 : memref<!tpu.dma_semaphore, #tpu.memory_space<semaphore_mem>>) src(%dma_wait3A_111 : memref<80xi32, #tpu.memory_space<hbm>>) dst(%arg9 : memref<80xi32, #tpu.memory_space<vmem>>)
      %dma_start3A_112 = arith.constant 0 : i32
      %dma_start3A_113 = arith.constant 0 : i32
      %dma_start3A_114 = tpu.memref_slice %arg14[%dma_start3A_112, %dma_start3A_113] : memref<10240x128xf32, #tpu.memory_space<vmem_shared>> -> memref<10240x128xf32, #tpu.memory_space<vmem_shared>>
      tpu.enqueue_indirect_dma source(%arg12 : memref<80x128xf32, #tpu.memory_space<vmem>>) target(%dma_start3A_114 : memref<10240x128xf32, #tpu.memory_space<vmem_shared>>) offsets(%arg9 : memref<80xi32, #tpu.memory_space<vmem>>) semaphore(%arg19 : memref<!tpu.dma_semaphore, #tpu.memory_space<semaphore_mem>>) {add = true}
      %add3A_115 = arith.constant 2 : i32
      %add3A_116 = arith.addi %add3A_97, %add3A_115 : i32
      %lt3A = arith.constant 125 : i32
      %lt3A_117 = arith.cmpi slt, %add3A_116, %lt3A : i32
      %convert_element_type3A = arith.extui %lt3A_117 : i1 to i32
      %cond3A = arith.constant 0 : i32
      %cond3A_118 = arith.cmpi ne, %convert_element_type3A, %cond3A : i32
      scf.if %cond3A_118 {
        %dma_wait3A_171 = arith.constant 0 : i32
        %dma_wait3A_172 = arith.constant 0 : i32
        %dma_wait3A_173 = tpu.memref_slice %arg14[%dma_wait3A_171, %dma_wait3A_172] : memref<10240x128xf32, #tpu.memory_space<vmem_shared>> -> memref<10240x128xf32, #tpu.memory_space<vmem_shared>>
        tpu.wait_indirect_dma semaphore(%arg18 : memref<!tpu.dma_semaphore, #tpu.memory_space<semaphore_mem>>) src(%arg11 : memref<80x128xf32, #tpu.memory_space<vmem>>) dst(%dma_wait3A_173 : memref<10240x128xf32, #tpu.memory_space<vmem_shared>>)
        %mul3A_174 = arith.constant 10000 : i32
        %mul3A_175 = arith.muli %add3A, %mul3A_174 : i32
        %mul3A_176 = arith.constant 80 : i32
        %mul3A_177 = arith.muli %add3A_116, %mul3A_176 : i32
        %add3A_178 = arith.addi %mul3A_175, %mul3A_177 : i32
        %multiple_of3A_179 = tpu.assume_multiple %add3A_178, 8 : i32
        %dma_start3A_180 = tpu.memref_slice %arg4[%multiple_of3A_179] : memref<320000xi32, #tpu.memory_space<hbm>> -> memref<80xi32, #tpu.memory_space<hbm>>
        %dma_start3A_181 = tpu.memref_slice %arg4[%multiple_of3A_179] : memref<320000xi32, #tpu.memory_space<hbm>> -> memref<80xi32, #tpu.memory_space<hbm>>
        tpu.enqueue_dma source(%dma_start3A_181 : memref<80xi32, #tpu.memory_space<hbm>>) target(%arg8 : memref<80xi32, #tpu.memory_space<vmem>>) target_semaphore(%arg21 : memref<!tpu.dma_semaphore, #tpu.memory_space<semaphore_mem>>)
        %dma_start3A_182 = arith.constant 0 : i32
        %dma_start3A_183 = tpu.memref_slice %arg7[%add3A_116, %dma_start3A_182] : memref<125x80xi32, #tpu.memory_space<vmem>> -> memref<1x80xi32, #tpu.memory_space<vmem>>
        %dma_start3A_184 = tpu.memref_squeeze %dma_start3A_183 : memref<1x80xi32, #tpu.memory_space<vmem>> -> memref<80xi32, #tpu.memory_space<vmem>>
        %dma_start3A_185 = arith.constant 0 : i32
        %dma_start3A_186 = arith.constant 0 : i32
        %dma_start3A_187 = tpu.memref_slice %arg2[%dma_start3A_185, %dma_start3A_186] : memref<10000x128xf32, #tpu.memory_space<hbm>> -> memref<10000x128xf32, #tpu.memory_space<hbm>>
        tpu.enqueue_indirect_dma source(%dma_start3A_187 : memref<10000x128xf32, #tpu.memory_space<hbm>>) target(%arg11 : memref<80x128xf32, #tpu.memory_space<vmem>>) offsets(%dma_start3A_184 : memref<80xi32, #tpu.memory_space<vmem>>) semaphore(%arg15 : memref<!tpu.dma_semaphore, #tpu.memory_space<semaphore_mem>>)
      } else {
      }
      %add3A_119 = arith.constant 1 : i32
      %add3A_120 = arith.addi %add3A_95, %add3A_119 : i32
      %mul3A_121 = arith.constant 10000 : i32
      %mul3A_122 = arith.muli %add3A, %mul3A_121 : i32
      %mul3A_123 = arith.constant 80 : i32
      %mul3A_124 = arith.muli %add3A_120, %mul3A_123 : i32
      %add3A_125 = arith.addi %mul3A_122, %mul3A_124 : i32
      %multiple_of3A_126 = tpu.assume_multiple %add3A_125, 8 : i32
      %dma_wait3A_127 = arith.constant 0 : i32
      %dma_wait3A_128 = tpu.memref_slice %arg7[%add3A_120, %dma_wait3A_127] : memref<125x80xi32, #tpu.memory_space<vmem>> -> memref<1x80xi32, #tpu.memory_space<vmem>>
      %dma_wait3A_129 = tpu.memref_squeeze %dma_wait3A_128 : memref<1x80xi32, #tpu.memory_space<vmem>> -> memref<80xi32, #tpu.memory_space<vmem>>
      %dma_wait3A_130 = arith.constant 0 : i32
      %dma_wait3A_131 = arith.constant 0 : i32
      %dma_wait3A_132 = tpu.memref_slice %arg2[%dma_wait3A_130, %dma_wait3A_131] : memref<10000x128xf32, #tpu.memory_space<hbm>> -> memref<10000x128xf32, #tpu.memory_space<hbm>>
      tpu.wait_indirect_dma semaphore(%arg17 : memref<!tpu.dma_semaphore, #tpu.memory_space<semaphore_mem>>) src(%dma_wait3A_132 : memref<10000x128xf32, #tpu.memory_space<hbm>>) dst(%arg13 : memref<80x128xf32, #tpu.memory_space<vmem>>)
      %dma_wait3A_133 = tpu.memref_slice %arg4[%multiple_of3A_126] : memref<320000xi32, #tpu.memory_space<hbm>> -> memref<80xi32, #tpu.memory_space<hbm>>
      %dma_wait3A_134 = tpu.memref_slice %arg4[%multiple_of3A_126] : memref<320000xi32, #tpu.memory_space<hbm>> -> memref<80xi32, #tpu.memory_space<hbm>>
      tpu.wait_dma2 semaphore(%arg23 : memref<!tpu.dma_semaphore, #tpu.memory_space<semaphore_mem>>) src(%dma_wait3A_134 : memref<80xi32, #tpu.memory_space<hbm>>) dst(%arg10 : memref<80xi32, #tpu.memory_space<vmem>>)
      %dma_start3A_135 = arith.constant 0 : i32
      %dma_start3A_136 = arith.constant 0 : i32
      %dma_start3A_137 = tpu.memref_slice %arg14[%dma_start3A_135, %dma_start3A_136] : memref<10240x128xf32, #tpu.memory_space<vmem_shared>> -> memref<10240x128xf32, #tpu.memory_space<vmem_shared>>
      tpu.enqueue_indirect_dma source(%arg13 : memref<80x128xf32, #tpu.memory_space<vmem>>) target(%dma_start3A_137 : memref<10240x128xf32, #tpu.memory_space<vmem_shared>>) offsets(%arg10 : memref<80xi32, #tpu.memory_space<vmem>>) semaphore(%arg20 : memref<!tpu.dma_semaphore, #tpu.memory_space<semaphore_mem>>) {add = true}
      %add3A_138 = arith.constant 2 : i32
      %add3A_139 = arith.addi %add3A_120, %add3A_138 : i32
      %lt3A_140 = arith.constant 125 : i32
      %lt3A_141 = arith.cmpi slt, %add3A_139, %lt3A_140 : i32
      %convert_element_type3A_142 = arith.extui %lt3A_141 : i1 to i32
      %cond3A_143 = arith.constant 0 : i32
      %cond3A_144 = arith.cmpi ne, %convert_element_type3A_142, %cond3A_143 : i32
      scf.if %cond3A_144 {
        %dma_wait3A_171 = arith.constant 0 : i32
        %dma_wait3A_172 = arith.constant 0 : i32
        %dma_wait3A_173 = tpu.memref_slice %arg14[%dma_wait3A_171, %dma_wait3A_172] : memref<10240x128xf32, #tpu.memory_space<vmem_shared>> -> memref<10240x128xf32, #tpu.memory_space<vmem_shared>>
        tpu.wait_indirect_dma semaphore(%arg19 : memref<!tpu.dma_semaphore, #tpu.memory_space<semaphore_mem>>) src(%arg12 : memref<80x128xf32, #tpu.memory_space<vmem>>) dst(%dma_wait3A_173 : memref<10240x128xf32, #tpu.memory_space<vmem_shared>>)
        %mul3A_174 = arith.constant 10000 : i32
        %mul3A_175 = arith.muli %add3A, %mul3A_174 : i32
        %mul3A_176 = arith.constant 80 : i32
        %mul3A_177 = arith.muli %add3A_139, %mul3A_176 : i32
        %add3A_178 = arith.addi %mul3A_175, %mul3A_177 : i32
        %multiple_of3A_179 = tpu.assume_multiple %add3A_178, 8 : i32
        %dma_start3A_180 = tpu.memref_slice %arg4[%multiple_of3A_179] : memref<320000xi32, #tpu.memory_space<hbm>> -> memref<80xi32, #tpu.memory_space<hbm>>
        %dma_start3A_181 = tpu.memref_slice %arg4[%multiple_of3A_179] : memref<320000xi32, #tpu.memory_space<hbm>> -> memref<80xi32, #tpu.memory_space<hbm>>
        tpu.enqueue_dma source(%dma_start3A_181 : memref<80xi32, #tpu.memory_space<hbm>>) target(%arg9 : memref<80xi32, #tpu.memory_space<vmem>>) target_semaphore(%arg22 : memref<!tpu.dma_semaphore, #tpu.memory_space<semaphore_mem>>)
        %dma_start3A_182 = arith.constant 0 : i32
        %dma_start3A_183 = tpu.memref_slice %arg7[%add3A_139, %dma_start3A_182] : memref<125x80xi32, #tpu.memory_space<vmem>> -> memref<1x80xi32, #tpu.memory_space<vmem>>
        %dma_start3A_184 = tpu.memref_squeeze %dma_start3A_183 : memref<1x80xi32, #tpu.memory_space<vmem>> -> memref<80xi32, #tpu.memory_space<vmem>>
        %dma_start3A_185 = arith.constant 0 : i32
        %dma_start3A_186 = arith.constant 0 : i32
        %dma_start3A_187 = tpu.memref_slice %arg2[%dma_start3A_185, %dma_start3A_186] : memref<10000x128xf32, #tpu.memory_space<hbm>> -> memref<10000x128xf32, #tpu.memory_space<hbm>>
        tpu.enqueue_indirect_dma source(%dma_start3A_187 : memref<10000x128xf32, #tpu.memory_space<hbm>>) target(%arg12 : memref<80x128xf32, #tpu.memory_space<vmem>>) offsets(%dma_start3A_184 : memref<80xi32, #tpu.memory_space<vmem>>) semaphore(%arg16 : memref<!tpu.dma_semaphore, #tpu.memory_space<semaphore_mem>>)
      } else {
      }
      %add3A_145 = arith.constant 2 : i32
      %add3A_146 = arith.addi %add3A_95, %add3A_145 : i32
      %mul3A_147 = arith.constant 10000 : i32
      %mul3A_148 = arith.muli %add3A, %mul3A_147 : i32
      %mul3A_149 = arith.constant 80 : i32
      %mul3A_150 = arith.muli %add3A_146, %mul3A_149 : i32
      %add3A_151 = arith.addi %mul3A_148, %mul3A_150 : i32
      %multiple_of3A_152 = tpu.assume_multiple %add3A_151, 8 : i32
      %dma_wait3A_153 = arith.constant 0 : i32
      %dma_wait3A_154 = tpu.memref_slice %arg7[%add3A_146, %dma_wait3A_153] : memref<125x80xi32, #tpu.memory_space<vmem>> -> memref<1x80xi32, #tpu.memory_space<vmem>>
      %dma_wait3A_155 = tpu.memref_squeeze %dma_wait3A_154 : memref<1x80xi32, #tpu.memory_space<vmem>> -> memref<80xi32, #tpu.memory_space<vmem>>
      %dma_wait3A_156 = arith.constant 0 : i32
      %dma_wait3A_157 = arith.constant 0 : i32
      %dma_wait3A_158 = tpu.memref_slice %arg2[%dma_wait3A_156, %dma_wait3A_157] : memref<10000x128xf32, #tpu.memory_space<hbm>> -> memref<10000x128xf32, #tpu.memory_space<hbm>>
      tpu.wait_indirect_dma semaphore(%arg15 : memref<!tpu.dma_semaphore, #tpu.memory_space<semaphore_mem>>) src(%dma_wait3A_158 : memref<10000x128xf32, #tpu.memory_space<hbm>>) dst(%arg11 : memref<80x128xf32, #tpu.memory_space<vmem>>)
      %dma_wait3A_159 = tpu.memref_slice %arg4[%multiple_of3A_152] : memref<320000xi32, #tpu.memory_space<hbm>> -> memref<80xi32, #tpu.memory_space<hbm>>
      %dma_wait3A_160 = tpu.memref_slice %arg4[%multiple_of3A_152] : memref<320000xi32, #tpu.memory_space<hbm>> -> memref<80xi32, #tpu.memory_space<hbm>>
      tpu.wait_dma2 semaphore(%arg21 : memref<!tpu.dma_semaphore, #tpu.memory_space<semaphore_mem>>) src(%dma_wait3A_160 : memref<80xi32, #tpu.memory_space<hbm>>) dst(%arg8 : memref<80xi32, #tpu.memory_space<vmem>>)
      %dma_start3A_161 = arith.constant 0 : i32
      %dma_start3A_162 = arith.constant 0 : i32
      %dma_start3A_163 = tpu.memref_slice %arg14[%dma_start3A_161, %dma_start3A_162] : memref<10240x128xf32, #tpu.memory_space<vmem_shared>> -> memref<10240x128xf32, #tpu.memory_space<vmem_shared>>
      tpu.enqueue_indirect_dma source(%arg11 : memref<80x128xf32, #tpu.memory_space<vmem>>) target(%dma_start3A_163 : memref<10240x128xf32, #tpu.memory_space<vmem_shared>>) offsets(%arg8 : memref<80xi32, #tpu.memory_space<vmem>>) semaphore(%arg18 : memref<!tpu.dma_semaphore, #tpu.memory_space<semaphore_mem>>) {add = true}
      %add3A_164 = arith.constant 2 : i32
      %add3A_165 = arith.addi %add3A_146, %add3A_164 : i32
      %lt3A_166 = arith.constant 125 : i32
      %lt3A_167 = arith.cmpi slt, %add3A_165, %lt3A_166 : i32
      %convert_element_type3A_168 = arith.extui %lt3A_167 : i1 to i32
      %cond3A_169 = arith.constant 0 : i32
      %cond3A_170 = arith.cmpi ne, %convert_element_type3A_168, %cond3A_169 : i32
      scf.if %cond3A_170 {
        %dma_wait3A_171 = arith.constant 0 : i32
        %dma_wait3A_172 = arith.constant 0 : i32
        %dma_wait3A_173 = tpu.memref_slice %arg14[%dma_wait3A_171, %dma_wait3A_172] : memref<10240x128xf32, #tpu.memory_space<vmem_shared>> -> memref<10240x128xf32, #tpu.memory_space<vmem_shared>>
        tpu.wait_indirect_dma semaphore(%arg20 : memref<!tpu.dma_semaphore, #tpu.memory_space<semaphore_mem>>) src(%arg13 : memref<80x128xf32, #tpu.memory_space<vmem>>) dst(%dma_wait3A_173 : memref<10240x128xf32, #tpu.memory_space<vmem_shared>>)
        %mul3A_174 = arith.constant 10000 : i32
        %mul3A_175 = arith.muli %add3A, %mul3A_174 : i32
        %mul3A_176 = arith.constant 80 : i32
        %mul3A_177 = arith.muli %add3A_165, %mul3A_176 : i32
        %add3A_178 = arith.addi %mul3A_175, %mul3A_177 : i32
        %multiple_of3A_179 = tpu.assume_multiple %add3A_178, 8 : i32
        %dma_start3A_180 = tpu.memref_slice %arg4[%multiple_of3A_179] : memref<320000xi32, #tpu.memory_space<hbm>> -> memref<80xi32, #tpu.memory_space<hbm>>
        %dma_start3A_181 = tpu.memref_slice %arg4[%multiple_of3A_179] : memref<320000xi32, #tpu.memory_space<hbm>> -> memref<80xi32, #tpu.memory_space<hbm>>
        tpu.enqueue_dma source(%dma_start3A_181 : memref<80xi32, #tpu.memory_space<hbm>>) target(%arg10 : memref<80xi32, #tpu.memory_space<vmem>>) target_semaphore(%arg23 : memref<!tpu.dma_semaphore, #tpu.memory_space<semaphore_mem>>)
        %dma_start3A_182 = arith.constant 0 : i32
        %dma_start3A_183 = tpu.memref_slice %arg7[%add3A_165, %dma_start3A_182] : memref<125x80xi32, #tpu.memory_space<vmem>> -> memref<1x80xi32, #tpu.memory_space<vmem>>
        %dma_start3A_184 = tpu.memref_squeeze %dma_start3A_183 : memref<1x80xi32, #tpu.memory_space<vmem>> -> memref<80xi32, #tpu.memory_space<vmem>>
        %dma_start3A_185 = arith.constant 0 : i32
        %dma_start3A_186 = arith.constant 0 : i32
        %dma_start3A_187 = tpu.memref_slice %arg2[%dma_start3A_185, %dma_start3A_186] : memref<10000x128xf32, #tpu.memory_space<hbm>> -> memref<10000x128xf32, #tpu.memory_space<hbm>>
        tpu.enqueue_indirect_dma source(%dma_start3A_187 : memref<10000x128xf32, #tpu.memory_space<hbm>>) target(%arg13 : memref<80x128xf32, #tpu.memory_space<vmem>>) offsets(%dma_start3A_184 : memref<80xi32, #tpu.memory_space<vmem>>) semaphore(%arg17 : memref<!tpu.dma_semaphore, #tpu.memory_space<semaphore_mem>>)
      } else {
      }
    }
    %scan3A_63 = arith.constant 41 : i32
    %mul3A_64 = arith.constant 10000 : i32
    %mul3A_65 = arith.muli %add3A, %mul3A_64 : i32
    %add3A_66 = arith.constant 9920 : i32
    %add3A_67 = arith.addi %mul3A_65, %add3A_66 : i32
    %multiple_of3A_68 = tpu.assume_multiple %add3A_67, 8 : i32
    %dma_wait3A_69 = arith.constant 124 : i32
    %dma_wait3A_70 = arith.constant 0 : i32
    %dma_wait3A_71 = tpu.memref_slice %arg7[%dma_wait3A_69, %dma_wait3A_70] : memref<125x80xi32, #tpu.memory_space<vmem>> -> memref<1x80xi32, #tpu.memory_space<vmem>>
    %dma_wait3A_72 = tpu.memref_squeeze %dma_wait3A_71 : memref<1x80xi32, #tpu.memory_space<vmem>> -> memref<80xi32, #tpu.memory_space<vmem>>
    %dma_wait3A_73 = arith.constant 0 : i32
    %dma_wait3A_74 = arith.constant 0 : i32
    %dma_wait3A_75 = tpu.memref_slice %arg2[%dma_wait3A_73, %dma_wait3A_74] : memref<10000x128xf32, #tpu.memory_space<hbm>> -> memref<10000x128xf32, #tpu.memory_space<hbm>>
    tpu.wait_indirect_dma semaphore(%arg16 : memref<!tpu.dma_semaphore, #tpu.memory_space<semaphore_mem>>) src(%dma_wait3A_75 : memref<10000x128xf32, #tpu.memory_space<hbm>>) dst(%arg12 : memref<80x128xf32, #tpu.memory_space<vmem>>)
    %dma_wait3A_76 = tpu.memref_slice %arg4[%multiple_of3A_68] : memref<320000xi32, #tpu.memory_space<hbm>> -> memref<80xi32, #tpu.memory_space<hbm>>
    %dma_wait3A_77 = tpu.memref_slice %arg4[%multiple_of3A_68] : memref<320000xi32, #tpu.memory_space<hbm>> -> memref<80xi32, #tpu.memory_space<hbm>>
    tpu.wait_dma2 semaphore(%arg22 : memref<!tpu.dma_semaphore, #tpu.memory_space<semaphore_mem>>) src(%dma_wait3A_77 : memref<80xi32, #tpu.memory_space<hbm>>) dst(%arg9 : memref<80xi32, #tpu.memory_space<vmem>>)
    %dma_start3A_78 = arith.constant 0 : i32
    %dma_start3A_79 = arith.constant 0 : i32
    %dma_start3A_80 = tpu.memref_slice %arg14[%dma_start3A_78, %dma_start3A_79] : memref<10240x128xf32, #tpu.memory_space<vmem_shared>> -> memref<10240x128xf32, #tpu.memory_space<vmem_shared>>
    tpu.enqueue_indirect_dma source(%arg12 : memref<80x128xf32, #tpu.memory_space<vmem>>) target(%dma_start3A_80 : memref<10240x128xf32, #tpu.memory_space<vmem_shared>>) offsets(%arg9 : memref<80xi32, #tpu.memory_space<vmem>>) semaphore(%arg19 : memref<!tpu.dma_semaphore, #tpu.memory_space<semaphore_mem>>) {add = true}
    %dma_wait3A_81 = arith.constant 0 : i32
    %dma_wait3A_82 = arith.constant 0 : i32
    %dma_wait3A_83 = tpu.memref_slice %arg14[%dma_wait3A_81, %dma_wait3A_82] : memref<10240x128xf32, #tpu.memory_space<vmem_shared>> -> memref<10240x128xf32, #tpu.memory_space<vmem_shared>>
    tpu.wait_indirect_dma semaphore(%arg18 : memref<!tpu.dma_semaphore, #tpu.memory_space<semaphore_mem>>) src(%arg11 : memref<80x128xf32, #tpu.memory_space<vmem>>) dst(%dma_wait3A_83 : memref<10240x128xf32, #tpu.memory_space<vmem_shared>>)
    %dma_wait3A_84 = arith.constant 0 : i32
    %dma_wait3A_85 = arith.constant 0 : i32
    %dma_wait3A_86 = tpu.memref_slice %arg14[%dma_wait3A_84, %dma_wait3A_85] : memref<10240x128xf32, #tpu.memory_space<vmem_shared>> -> memref<10240x128xf32, #tpu.memory_space<vmem_shared>>
    tpu.wait_indirect_dma semaphore(%arg19 : memref<!tpu.dma_semaphore, #tpu.memory_space<semaphore_mem>>) src(%arg12 : memref<80x128xf32, #tpu.memory_space<vmem>>) dst(%dma_wait3A_86 : memref<10240x128xf32, #tpu.memory_space<vmem_shared>>)
    %dma_wait3A_87 = arith.constant 0 : i32
    %dma_wait3A_88 = arith.constant 0 : i32
    %dma_wait3A_89 = tpu.memref_slice %arg14[%dma_wait3A_87, %dma_wait3A_88] : memref<10240x128xf32, #tpu.memory_space<vmem_shared>> -> memref<10240x128xf32, #tpu.memory_space<vmem_shared>>
    tpu.wait_indirect_dma semaphore(%arg20 : memref<!tpu.dma_semaphore, #tpu.memory_space<semaphore_mem>>) src(%arg13 : memref<80x128xf32, #tpu.memory_space<vmem>>) dst(%dma_wait3A_89 : memref<10240x128xf32, #tpu.memory_space<vmem_shared>>)
    %barrier3A_90 = arith.constant 0 : index
    tpu.barrier barrier_id(%barrier3A_90)
    "tpu.region"() ({
      %run_scoped3A = tpu.sem_alloc : memref<!tpu.dma_semaphore, #tpu.memory_space<semaphore_mem>>
      %dma_start3A_91 = arith.constant 0 : i32
      %dma_start3A_92 = tpu.memref_slice %arg6[%arg0, %mul3A_2, %dma_start3A_91] : memref<2x10240x128xf32, #tpu.memory_space<hbm>> -> memref<1x640x128xf32, #tpu.memory_space<hbm>>
      %dma_start3A_93 = tpu.memref_squeeze %dma_start3A_92 : memref<1x640x128xf32, #tpu.memory_space<hbm>> -> memref<640x128xf32, #tpu.memory_space<hbm>>
      %dma_start3A_94 = arith.constant 0 : i32
      %dma_start3A_95 = tpu.memref_slice %arg14[%mul3A_2, %dma_start3A_94] : memref<10240x128xf32, #tpu.memory_space<vmem_shared>> -> memref<640x128xf32, #tpu.memory_space<vmem_shared>>
      tpu.enqueue_dma source(%dma_start3A_95 : memref<640x128xf32, #tpu.memory_space<vmem_shared>>) target(%dma_start3A_93 : memref<640x128xf32, #tpu.memory_space<hbm>>) target_semaphore(%run_scoped3A : memref<!tpu.dma_semaphore, #tpu.memory_space<semaphore_mem>>)
      %dma_wait3A_96 = arith.constant 0 : i32
      %dma_wait3A_97 = tpu.memref_slice %arg6[%arg0, %mul3A_2, %dma_wait3A_96] : memref<2x10240x128xf32, #tpu.memory_space<hbm>> -> memref<1x640x128xf32, #tpu.memory_space<hbm>>
      %dma_wait3A_98 = tpu.memref_squeeze %dma_wait3A_97 : memref<1x640x128xf32, #tpu.memory_space<hbm>> -> memref<640x128xf32, #tpu.memory_space<hbm>>
      %dma_wait3A_99 = arith.constant 0 : i32
      %dma_wait3A_100 = tpu.memref_slice %arg14[%mul3A_2, %dma_wait3A_99] : memref<10240x128xf32, #tpu.memory_space<vmem_shared>> -> memref<640x128xf32, #tpu.memory_space<vmem_shared>>
      tpu.wait_dma2 semaphore(%run_scoped3A : memref<!tpu.dma_semaphore, #tpu.memory_space<semaphore_mem>>) src(%dma_wait3A_100 : memref<640x128xf32, #tpu.memory_space<vmem_shared>>) dst(%dma_wait3A_98 : memref<640x128xf32, #tpu.memory_space<hbm>>)
      tpu.yield
    }) : () -> ()
    return
  }
}

#map = affine_map<(d0, d1) -> (0, 0)>
#map1 = affine_map<(d0, d1) -> (0, 0, 0)>
#map2 = affine_map<(d0, d1) -> (0)>
module attributes {stable_mosaic.version = 14 : i64} {
  func.func @_row_segsum_body(%arg0: i32, %arg1: i32, %arg2: memref<10000x128xf32, #tpu.memory_space<hbm>>, %arg3: memref<32x125x80xi32, #tpu.memory_space<hbm>>, %arg4: memref<320000xi32, #tpu.memory_space<hbm>>, %arg5: memref<640x128xf32, #tpu.memory_space<hbm>>, %arg6: memref<2x10240x128xf32, #tpu.memory_space<hbm>>, %arg7: memref<125x80xi32, #tpu.memory_space<vmem>>, %arg8: memref<80xi32, #tpu.memory_space<vmem>>, %arg9: memref<80xi32, #tpu.memory_space<vmem>>, %arg10: memref<80xi32, #tpu.memory_space<vmem>>, %arg11: memref<80x128xf32, #tpu.memory_space<vmem>>, %arg12: memref<80x128xf32, #tpu.memory_space<vmem>>, %arg13: memref<80x128xf32, #tpu.memory_space<vmem>>, %arg14: memref<10240x128xf32, #tpu.memory_space<vmem_shared>>, %arg15: memref<!tpu.dma_semaphore, #tpu.memory_space<semaphore_mem>>, %arg16: memref<!tpu.dma_semaphore, #tpu.memory_space<semaphore_mem>>, %arg17: memref<!tpu.dma_semaphore, #tpu.memory_space<semaphore_mem>>, %arg18: memref<!tpu.dma_semaphore, #tpu.memory_space<semaphore_mem>>, %arg19: memref<!tpu.dma_semaphore, #tpu.memory_space<semaphore_mem>>, %arg20: memref<!tpu.dma_semaphore, #tpu.memory_space<semaphore_mem>>, %arg21: memref<!tpu.dma_semaphore, #tpu.memory_space<semaphore_mem>>, %arg22: memref<!tpu.dma_semaphore, #tpu.memory_space<semaphore_mem>>, %arg23: memref<!tpu.dma_semaphore, #tpu.memory_space<semaphore_mem>>) attributes {dimension_semantics = [#tpu.dimension_semantics<core_parallel>, #tpu.dimension_semantics<subcore_parallel>], iteration_bounds = array<i64: 2, 16>, scalar_prefetch = 0 : i64, scratch_operands = 17 : i64, tpu.core_type = #tpu.core_type<sc_vector_subcore>, window_params = [{transform_indices = #map}, {transform_indices = #map1}, {transform_indices = #map2}, {transform_indices = #map}, {transform_indices = #map1}]} {
    %mul3A = arith.constant 2 : i32
    %mul3A_0 = arith.muli %arg1, %mul3A : i32
    %add3A = arith.addi %mul3A_0, %arg0 : i32
    %mul3A_1 = arith.constant 640 : i32
    %mul3A_2 = arith.muli %arg1, %mul3A_1 : i32
    "tpu.region"() ({
      %run_scoped3A = tpu.sem_alloc : memref<!tpu.dma_semaphore, #tpu.memory_space<semaphore_mem>>
      %dma_start3A_91 = arith.constant 0 : i32
      %dma_start3A_92 = tpu.memref_slice %arg14[%mul3A_2, %dma_start3A_91] : memref<10240x128xf32, #tpu.memory_space<vmem_shared>> -> memref<640x128xf32, #tpu.memory_space<vmem_shared>>
      tpu.enqueue_dma source(%arg5 : memref<640x128xf32, #tpu.memory_space<hbm>>) target(%dma_start3A_92 : memref<640x128xf32, #tpu.memory_space<vmem_shared>>) target_semaphore(%run_scoped3A : memref<!tpu.dma_semaphore, #tpu.memory_space<semaphore_mem>>)
      %dma_wait3A_93 = arith.constant 0 : i32
      %dma_wait3A_94 = tpu.memref_slice %arg14[%mul3A_2, %dma_wait3A_93] : memref<10240x128xf32, #tpu.memory_space<vmem_shared>> -> memref<640x128xf32, #tpu.memory_space<vmem_shared>>
      tpu.wait_dma2 semaphore(%run_scoped3A : memref<!tpu.dma_semaphore, #tpu.memory_space<semaphore_mem>>) src(%arg5 : memref<640x128xf32, #tpu.memory_space<hbm>>) dst(%dma_wait3A_94 : memref<640x128xf32, #tpu.memory_space<vmem_shared>>)
      tpu.yield
    }) : () -> ()
    "tpu.region"() ({
      %run_scoped3A = tpu.sem_alloc : memref<!tpu.dma_semaphore, #tpu.memory_space<semaphore_mem>>
      %dma_start3A_91 = arith.constant 0 : i32
      %dma_start3A_92 = arith.constant 0 : i32
      %dma_start3A_93 = tpu.memref_slice %arg3[%add3A, %dma_start3A_91, %dma_start3A_92] : memref<32x125x80xi32, #tpu.memory_space<hbm>> -> memref<1x125x80xi32, #tpu.memory_space<hbm>>
      %dma_start3A_94 = tpu.memref_squeeze %dma_start3A_93 : memref<1x125x80xi32, #tpu.memory_space<hbm>> -> memref<125x80xi32, #tpu.memory_space<hbm>>
      %dma_start3A_95 = arith.constant 0 : i32
      %dma_start3A_96 = arith.constant 0 : i32
      %dma_start3A_97 = tpu.memref_slice %arg3[%add3A, %dma_start3A_95, %dma_start3A_96] : memref<32x125x80xi32, #tpu.memory_space<hbm>> -> memref<1x125x80xi32, #tpu.memory_space<hbm>>
      %dma_start3A_98 = tpu.memref_squeeze %dma_start3A_97 : memref<1x125x80xi32, #tpu.memory_space<hbm>> -> memref<125x80xi32, #tpu.memory_space<hbm>>
      tpu.enqueue_dma source(%dma_start3A_98 : memref<125x80xi32, #tpu.memory_space<hbm>>) target(%arg7 : memref<125x80xi32, #tpu.memory_space<vmem>>) target_semaphore(%run_scoped3A : memref<!tpu.dma_semaphore, #tpu.memory_space<semaphore_mem>>)
      %dma_wait3A_99 = arith.constant 0 : i32
      %dma_wait3A_100 = arith.constant 0 : i32
      %dma_wait3A_101 = tpu.memref_slice %arg3[%add3A, %dma_wait3A_99, %dma_wait3A_100] : memref<32x125x80xi32, #tpu.memory_space<hbm>> -> memref<1x125x80xi32, #tpu.memory_space<hbm>>
      %dma_wait3A_102 = tpu.memref_squeeze %dma_wait3A_101 : memref<1x125x80xi32, #tpu.memory_space<hbm>> -> memref<125x80xi32, #tpu.memory_space<hbm>>
      %dma_wait3A_103 = arith.constant 0 : i32
      %dma_wait3A_104 = arith.constant 0 : i32
      %dma_wait3A_105 = tpu.memref_slice %arg3[%add3A, %dma_wait3A_103, %dma_wait3A_104] : memref<32x125x80xi32, #tpu.memory_space<hbm>> -> memref<1x125x80xi32, #tpu.memory_space<hbm>>
      %dma_wait3A_106 = tpu.memref_squeeze %dma_wait3A_105 : memref<1x125x80xi32, #tpu.memory_space<hbm>> -> memref<125x80xi32, #tpu.memory_space<hbm>>
      tpu.wait_dma2 semaphore(%run_scoped3A : memref<!tpu.dma_semaphore, #tpu.memory_space<semaphore_mem>>) src(%dma_wait3A_106 : memref<125x80xi32, #tpu.memory_space<hbm>>) dst(%arg7 : memref<125x80xi32, #tpu.memory_space<vmem>>)
      tpu.yield
    }) : () -> ()
    %barrier3A = arith.constant 0 : index
    tpu.barrier barrier_id(%barrier3A)
    %mul3A_3 = arith.constant 10000 : i32
    %mul3A_4 = arith.muli %add3A, %mul3A_3 : i32
    %add3A_5 = arith.constant 0 : i32
    %add3A_6 = arith.addi %mul3A_4, %add3A_5 : i32
    %multiple_of3A = tpu.assume_multiple %add3A_6, 8 : i32
    %dma_start3A = tpu.memref_slice %arg4[%multiple_of3A] : memref<320000xi32, #tpu.memory_space<hbm>> -> memref<80xi32, #tpu.memory_space<hbm>>
    %dma_start3A_7 = tpu.memref_slice %arg4[%multiple_of3A] : memref<320000xi32, #tpu.memory_space<hbm>> -> memref<80xi32, #tpu.memory_space<hbm>>
    tpu.enqueue_dma source(%dma_start3A_7 : memref<80xi32, #tpu.memory_space<hbm>>) target(%arg8 : memref<80xi32, #tpu.memory_space<vmem>>) target_semaphore(%arg21 : memref<!tpu.dma_semaphore, #tpu.memory_space<semaphore_mem>>)
    %dma_start3A_8 = arith.constant 0 : i32
    %dma_start3A_9 = arith.constant 0 : i32
    %dma_start3A_10 = tpu.memref_slice %arg7[%dma_start3A_8, %dma_start3A_9] : memref<125x80xi32, #tpu.memory_space<vmem>> -> memref<1x80xi32, #tpu.memory_space<vmem>>
    %dma_start3A_11 = tpu.memref_squeeze %dma_start3A_10 : memref<1x80xi32, #tpu.memory_space<vmem>> -> memref<80xi32, #tpu.memory_space<vmem>>
    %dma_start3A_12 = arith.constant 0 : i32
    %dma_start3A_13 = arith.constant 0 : i32
    %dma_start3A_14 = tpu.memref_slice %arg2[%dma_start3A_12, %dma_start3A_13] : memref<10000x128xf32, #tpu.memory_space<hbm>> -> memref<10000x128xf32, #tpu.memory_space<hbm>>
    tpu.enqueue_indirect_dma source(%dma_start3A_14 : memref<10000x128xf32, #tpu.memory_space<hbm>>) target(%arg11 : memref<80x128xf32, #tpu.memory_space<vmem>>) offsets(%dma_start3A_11 : memref<80xi32, #tpu.memory_space<vmem>>) semaphore(%arg15 : memref<!tpu.dma_semaphore, #tpu.memory_space<semaphore_mem>>)
    %mul3A_15 = arith.constant 10000 : i32
    %mul3A_16 = arith.muli %add3A, %mul3A_15 : i32
    %add3A_17 = arith.constant 80 : i32
    %add3A_18 = arith.addi %mul3A_16, %add3A_17 : i32
    %multiple_of3A_19 = tpu.assume_multiple %add3A_18, 8 : i32
    %dma_start3A_20 = tpu.memref_slice %arg4[%multiple_of3A_19] : memref<320000xi32, #tpu.memory_space<hbm>> -> memref<80xi32, #tpu.memory_space<hbm>>
    %dma_start3A_21 = tpu.memref_slice %arg4[%multiple_of3A_19] : memref<320000xi32, #tpu.memory_space<hbm>> -> memref<80xi32, #tpu.memory_space<hbm>>
    tpu.enqueue_dma source(%dma_start3A_21 : memref<80xi32, #tpu.memory_space<hbm>>) target(%arg9 : memref<80xi32, #tpu.memory_space<vmem>>) target_semaphore(%arg22 : memref<!tpu.dma_semaphore, #tpu.memory_space<semaphore_mem>>)
    %dma_start3A_22 = arith.constant 1 : i32
    %dma_start3A_23 = arith.constant 0 : i32
    %dma_start3A_24 = tpu.memref_slice %arg7[%dma_start3A_22, %dma_start3A_23] : memref<125x80xi32, #tpu.memory_space<vmem>> -> memref<1x80xi32, #tpu.memory_space<vmem>>
    %dma_start3A_25 = tpu.memref_squeeze %dma_start3A_24 : memref<1x80xi32, #tpu.memory_space<vmem>> -> memref<80xi32, #tpu.memory_space<vmem>>
    %dma_start3A_26 = arith.constant 0 : i32
    %dma_start3A_27 = arith.constant 0 : i32
    %dma_start3A_28 = tpu.memref_slice %arg2[%dma_start3A_26, %dma_start3A_27] : memref<10000x128xf32, #tpu.memory_space<hbm>> -> memref<10000x128xf32, #tpu.memory_space<hbm>>
    tpu.enqueue_indirect_dma source(%dma_start3A_28 : memref<10000x128xf32, #tpu.memory_space<hbm>>) target(%arg12 : memref<80x128xf32, #tpu.memory_space<vmem>>) offsets(%dma_start3A_25 : memref<80xi32, #tpu.memory_space<vmem>>) semaphore(%arg16 : memref<!tpu.dma_semaphore, #tpu.memory_space<semaphore_mem>>)
    %mul3A_29 = arith.constant 10000 : i32
    %mul3A_30 = arith.muli %add3A, %mul3A_29 : i32
    %add3A_31 = arith.constant 0 : i32
    %add3A_32 = arith.addi %mul3A_30, %add3A_31 : i32
    %multiple_of3A_33 = tpu.assume_multiple %add3A_32, 8 : i32
    %dma_wait3A = arith.constant 0 : i32
    %dma_wait3A_34 = arith.constant 0 : i32
    %dma_wait3A_35 = tpu.memref_slice %arg7[%dma_wait3A, %dma_wait3A_34] : memref<125x80xi32, #tpu.memory_space<vmem>> -> memref<1x80xi32, #tpu.memory_space<vmem>>
    %dma_wait3A_36 = tpu.memref_squeeze %dma_wait3A_35 : memref<1x80xi32, #tpu.memory_space<vmem>> -> memref<80xi32, #tpu.memory_space<vmem>>
    %dma_wait3A_37 = arith.constant 0 : i32
    %dma_wait3A_38 = arith.constant 0 : i32
    %dma_wait3A_39 = tpu.memref_slice %arg2[%dma_wait3A_37, %dma_wait3A_38] : memref<10000x128xf32, #tpu.memory_space<hbm>> -> memref<10000x128xf32, #tpu.memory_space<hbm>>
    tpu.wait_indirect_dma semaphore(%arg15 : memref<!tpu.dma_semaphore, #tpu.memory_space<semaphore_mem>>) src(%dma_wait3A_39 : memref<10000x128xf32, #tpu.memory_space<hbm>>) dst(%arg11 : memref<80x128xf32, #tpu.memory_space<vmem>>)
    %dma_wait3A_40 = tpu.memref_slice %arg4[%multiple_of3A_33] : memref<320000xi32, #tpu.memory_space<hbm>> -> memref<80xi32, #tpu.memory_space<hbm>>
    %dma_wait3A_41 = tpu.memref_slice %arg4[%multiple_of3A_33] : memref<320000xi32, #tpu.memory_space<hbm>> -> memref<80xi32, #tpu.memory_space<hbm>>
    tpu.wait_dma2 semaphore(%arg21 : memref<!tpu.dma_semaphore, #tpu.memory_space<semaphore_mem>>) src(%dma_wait3A_41 : memref<80xi32, #tpu.memory_space<hbm>>) dst(%arg8 : memref<80xi32, #tpu.memory_space<vmem>>)
    %dma_start3A_42 = arith.constant 0 : i32
    %dma_start3A_43 = arith.constant 0 : i32
    %dma_start3A_44 = tpu.memref_slice %arg14[%dma_start3A_42, %dma_start3A_43] : memref<10240x128xf32, #tpu.memory_space<vmem_shared>> -> memref<10240x128xf32, #tpu.memory_space<vmem_shared>>
    tpu.enqueue_indirect_dma source(%arg11 : memref<80x128xf32, #tpu.memory_space<vmem>>) target(%dma_start3A_44 : memref<10240x128xf32, #tpu.memory_space<vmem_shared>>) offsets(%arg8 : memref<80xi32, #tpu.memory_space<vmem>>) semaphore(%arg18 : memref<!tpu.dma_semaphore, #tpu.memory_space<semaphore_mem>>) {add = true}
    %mul3A_45 = arith.constant 10000 : i32
    %mul3A_46 = arith.muli %add3A, %mul3A_45 : i32
    %add3A_47 = arith.constant 160 : i32
    %add3A_48 = arith.addi %mul3A_46, %add3A_47 : i32
    %multiple_of3A_49 = tpu.assume_multiple %add3A_48, 8 : i32
    %dma_start3A_50 = tpu.memref_slice %arg4[%multiple_of3A_49] : memref<320000xi32, #tpu.memory_space<hbm>> -> memref<80xi32, #tpu.memory_space<hbm>>
    %dma_start3A_51 = tpu.memref_slice %arg4[%multiple_of3A_49] : memref<320000xi32, #tpu.memory_space<hbm>> -> memref<80xi32, #tpu.memory_space<hbm>>
    tpu.enqueue_dma source(%dma_start3A_51 : memref<80xi32, #tpu.memory_space<hbm>>) target(%arg10 : memref<80xi32, #tpu.memory_space<vmem>>) target_semaphore(%arg23 : memref<!tpu.dma_semaphore, #tpu.memory_space<semaphore_mem>>)
    %dma_start3A_52 = arith.constant 2 : i32
    %dma_start3A_53 = arith.constant 0 : i32
    %dma_start3A_54 = tpu.memref_slice %arg7[%dma_start3A_52, %dma_start3A_53] : memref<125x80xi32, #tpu.memory_space<vmem>> -> memref<1x80xi32, #tpu.memory_space<vmem>>
    %dma_start3A_55 = tpu.memref_squeeze %dma_start3A_54 : memref<1x80xi32, #tpu.memory_space<vmem>> -> memref<80xi32, #tpu.memory_space<vmem>>
    %dma_start3A_56 = arith.constant 0 : i32
    %dma_start3A_57 = arith.constant 0 : i32
    %dma_start3A_58 = tpu.memref_slice %arg2[%dma_start3A_56, %dma_start3A_57] : memref<10000x128xf32, #tpu.memory_space<hbm>> -> memref<10000x128xf32, #tpu.memory_space<hbm>>
    tpu.enqueue_indirect_dma source(%dma_start3A_58 : memref<10000x128xf32, #tpu.memory_space<hbm>>) target(%arg13 : memref<80x128xf32, #tpu.memory_space<vmem>>) offsets(%dma_start3A_55 : memref<80xi32, #tpu.memory_space<vmem>>) semaphore(%arg17 : memref<!tpu.dma_semaphore, #tpu.memory_space<semaphore_mem>>)
    %scan3A = arith.constant 0 : i32
    %scan3A_59 = arith.constant 0 : i32
    %scan3A_60 = arith.constant 41 : i32
    %scan3A_61 = arith.addi %scan3A_59, %scan3A_60 : i32
    %scan3A_62 = arith.constant 1 : i32
    scf.for %scan3A_91 = %scan3A_59 to %scan3A_61 step %scan3A_62  : i32 {
      %mul3A_92 = arith.constant 3 : i32
      %mul3A_93 = arith.muli %mul3A_92, %scan3A_91 : i32
      %add3A_94 = arith.constant 1 : i32
      %add3A_95 = arith.addi %mul3A_93, %add3A_94 : i32
      %add3A_96 = arith.constant 0 : i32
      %add3A_97 = arith.addi %add3A_95, %add3A_96 : i32
      %mul3A_98 = arith.constant 10000 : i32
      %mul3A_99 = arith.muli %add3A, %mul3A_98 : i32
      %mul3A_100 = arith.constant 80 : i32
      %mul3A_101 = arith.muli %add3A_97, %mul3A_100 : i32
      %add3A_102 = arith.addi %mul3A_99, %mul3A_101 : i32
      %multiple_of3A_103 = tpu.assume_multiple %add3A_102, 8 : i32
      %dma_wait3A_104 = arith.constant 0 : i32
      %dma_wait3A_105 = tpu.memref_slice %arg7[%add3A_97, %dma_wait3A_104] : memref<125x80xi32, #tpu.memory_space<vmem>> -> memref<1x80xi32, #tpu.memory_space<vmem>>
      %dma_wait3A_106 = tpu.memref_squeeze %dma_wait3A_105 : memref<1x80xi32, #tpu.memory_space<vmem>> -> memref<80xi32, #tpu.memory_space<vmem>>
      %dma_wait3A_107 = arith.constant 0 : i32
      %dma_wait3A_108 = arith.constant 0 : i32
      %dma_wait3A_109 = tpu.memref_slice %arg2[%dma_wait3A_107, %dma_wait3A_108] : memref<10000x128xf32, #tpu.memory_space<hbm>> -> memref<10000x128xf32, #tpu.memory_space<hbm>>
      tpu.wait_indirect_dma semaphore(%arg16 : memref<!tpu.dma_semaphore, #tpu.memory_space<semaphore_mem>>) src(%dma_wait3A_109 : memref<10000x128xf32, #tpu.memory_space<hbm>>) dst(%arg12 : memref<80x128xf32, #tpu.memory_space<vmem>>)
      %dma_wait3A_110 = tpu.memref_slice %arg4[%multiple_of3A_103] : memref<320000xi32, #tpu.memory_space<hbm>> -> memref<80xi32, #tpu.memory_space<hbm>>
      %dma_wait3A_111 = tpu.memref_slice %arg4[%multiple_of3A_103] : memref<320000xi32, #tpu.memory_space<hbm>> -> memref<80xi32, #tpu.memory_space<hbm>>
      tpu.wait_dma2 semaphore(%arg22 : memref<!tpu.dma_semaphore, #tpu.memory_space<semaphore_mem>>) src(%dma_wait3A_111 : memref<80xi32, #tpu.memory_space<hbm>>) dst(%arg9 : memref<80xi32, #tpu.memory_space<vmem>>)
      %dma_start3A_112 = arith.constant 0 : i32
      %dma_start3A_113 = arith.constant 0 : i32
      %dma_start3A_114 = tpu.memref_slice %arg14[%dma_start3A_112, %dma_start3A_113] : memref<10240x128xf32, #tpu.memory_space<vmem_shared>> -> memref<10240x128xf32, #tpu.memory_space<vmem_shared>>
      tpu.enqueue_indirect_dma source(%arg12 : memref<80x128xf32, #tpu.memory_space<vmem>>) target(%dma_start3A_114 : memref<10240x128xf32, #tpu.memory_space<vmem_shared>>) offsets(%arg9 : memref<80xi32, #tpu.memory_space<vmem>>) semaphore(%arg19 : memref<!tpu.dma_semaphore, #tpu.memory_space<semaphore_mem>>) {add = true}
      %add3A_115 = arith.constant 2 : i32
      %add3A_116 = arith.addi %add3A_97, %add3A_115 : i32
      %lt3A = arith.constant 125 : i32
      %lt3A_117 = arith.cmpi slt, %add3A_116, %lt3A : i32
      %convert_element_type3A = arith.extui %lt3A_117 : i1 to i32
      %cond3A = arith.constant 0 : i32
      %cond3A_118 = arith.cmpi ne, %convert_element_type3A, %cond3A : i32
      scf.if %cond3A_118 {
        %dma_wait3A_171 = arith.constant 0 : i32
        %dma_wait3A_172 = arith.constant 0 : i32
        %dma_wait3A_173 = tpu.memref_slice %arg14[%dma_wait3A_171, %dma_wait3A_172] : memref<10240x128xf32, #tpu.memory_space<vmem_shared>> -> memref<10240x128xf32, #tpu.memory_space<vmem_shared>>
        tpu.wait_indirect_dma semaphore(%arg18 : memref<!tpu.dma_semaphore, #tpu.memory_space<semaphore_mem>>) src(%arg11 : memref<80x128xf32, #tpu.memory_space<vmem>>) dst(%dma_wait3A_173 : memref<10240x128xf32, #tpu.memory_space<vmem_shared>>)
        %mul3A_174 = arith.constant 10000 : i32
        %mul3A_175 = arith.muli %add3A, %mul3A_174 : i32
        %mul3A_176 = arith.constant 80 : i32
        %mul3A_177 = arith.muli %add3A_116, %mul3A_176 : i32
        %add3A_178 = arith.addi %mul3A_175, %mul3A_177 : i32
        %multiple_of3A_179 = tpu.assume_multiple %add3A_178, 8 : i32
        %dma_start3A_180 = tpu.memref_slice %arg4[%multiple_of3A_179] : memref<320000xi32, #tpu.memory_space<hbm>> -> memref<80xi32, #tpu.memory_space<hbm>>
        %dma_start3A_181 = tpu.memref_slice %arg4[%multiple_of3A_179] : memref<320000xi32, #tpu.memory_space<hbm>> -> memref<80xi32, #tpu.memory_space<hbm>>
        tpu.enqueue_dma source(%dma_start3A_181 : memref<80xi32, #tpu.memory_space<hbm>>) target(%arg8 : memref<80xi32, #tpu.memory_space<vmem>>) target_semaphore(%arg21 : memref<!tpu.dma_semaphore, #tpu.memory_space<semaphore_mem>>)
        %dma_start3A_182 = arith.constant 0 : i32
        %dma_start3A_183 = tpu.memref_slice %arg7[%add3A_116, %dma_start3A_182] : memref<125x80xi32, #tpu.memory_space<vmem>> -> memref<1x80xi32, #tpu.memory_space<vmem>>
        %dma_start3A_184 = tpu.memref_squeeze %dma_start3A_183 : memref<1x80xi32, #tpu.memory_space<vmem>> -> memref<80xi32, #tpu.memory_space<vmem>>
        %dma_start3A_185 = arith.constant 0 : i32
        %dma_start3A_186 = arith.constant 0 : i32
        %dma_start3A_187 = tpu.memref_slice %arg2[%dma_start3A_185, %dma_start3A_186] : memref<10000x128xf32, #tpu.memory_space<hbm>> -> memref<10000x128xf32, #tpu.memory_space<hbm>>
        tpu.enqueue_indirect_dma source(%dma_start3A_187 : memref<10000x128xf32, #tpu.memory_space<hbm>>) target(%arg11 : memref<80x128xf32, #tpu.memory_space<vmem>>) offsets(%dma_start3A_184 : memref<80xi32, #tpu.memory_space<vmem>>) semaphore(%arg15 : memref<!tpu.dma_semaphore, #tpu.memory_space<semaphore_mem>>)
      } else {
      }
      %add3A_119 = arith.constant 1 : i32
      %add3A_120 = arith.addi %add3A_95, %add3A_119 : i32
      %mul3A_121 = arith.constant 10000 : i32
      %mul3A_122 = arith.muli %add3A, %mul3A_121 : i32
      %mul3A_123 = arith.constant 80 : i32
      %mul3A_124 = arith.muli %add3A_120, %mul3A_123 : i32
      %add3A_125 = arith.addi %mul3A_122, %mul3A_124 : i32
      %multiple_of3A_126 = tpu.assume_multiple %add3A_125, 8 : i32
      %dma_wait3A_127 = arith.constant 0 : i32
      %dma_wait3A_128 = tpu.memref_slice %arg7[%add3A_120, %dma_wait3A_127] : memref<125x80xi32, #tpu.memory_space<vmem>> -> memref<1x80xi32, #tpu.memory_space<vmem>>
      %dma_wait3A_129 = tpu.memref_squeeze %dma_wait3A_128 : memref<1x80xi32, #tpu.memory_space<vmem>> -> memref<80xi32, #tpu.memory_space<vmem>>
      %dma_wait3A_130 = arith.constant 0 : i32
      %dma_wait3A_131 = arith.constant 0 : i32
      %dma_wait3A_132 = tpu.memref_slice %arg2[%dma_wait3A_130, %dma_wait3A_131] : memref<10000x128xf32, #tpu.memory_space<hbm>> -> memref<10000x128xf32, #tpu.memory_space<hbm>>
      tpu.wait_indirect_dma semaphore(%arg17 : memref<!tpu.dma_semaphore, #tpu.memory_space<semaphore_mem>>) src(%dma_wait3A_132 : memref<10000x128xf32, #tpu.memory_space<hbm>>) dst(%arg13 : memref<80x128xf32, #tpu.memory_space<vmem>>)
      %dma_wait3A_133 = tpu.memref_slice %arg4[%multiple_of3A_126] : memref<320000xi32, #tpu.memory_space<hbm>> -> memref<80xi32, #tpu.memory_space<hbm>>
      %dma_wait3A_134 = tpu.memref_slice %arg4[%multiple_of3A_126] : memref<320000xi32, #tpu.memory_space<hbm>> -> memref<80xi32, #tpu.memory_space<hbm>>
      tpu.wait_dma2 semaphore(%arg23 : memref<!tpu.dma_semaphore, #tpu.memory_space<semaphore_mem>>) src(%dma_wait3A_134 : memref<80xi32, #tpu.memory_space<hbm>>) dst(%arg10 : memref<80xi32, #tpu.memory_space<vmem>>)
      %dma_start3A_135 = arith.constant 0 : i32
      %dma_start3A_136 = arith.constant 0 : i32
      %dma_start3A_137 = tpu.memref_slice %arg14[%dma_start3A_135, %dma_start3A_136] : memref<10240x128xf32, #tpu.memory_space<vmem_shared>> -> memref<10240x128xf32, #tpu.memory_space<vmem_shared>>
      tpu.enqueue_indirect_dma source(%arg13 : memref<80x128xf32, #tpu.memory_space<vmem>>) target(%dma_start3A_137 : memref<10240x128xf32, #tpu.memory_space<vmem_shared>>) offsets(%arg10 : memref<80xi32, #tpu.memory_space<vmem>>) semaphore(%arg20 : memref<!tpu.dma_semaphore, #tpu.memory_space<semaphore_mem>>) {add = true}
      %add3A_138 = arith.constant 2 : i32
      %add3A_139 = arith.addi %add3A_120, %add3A_138 : i32
      %lt3A_140 = arith.constant 125 : i32
      %lt3A_141 = arith.cmpi slt, %add3A_139, %lt3A_140 : i32
      %convert_element_type3A_142 = arith.extui %lt3A_141 : i1 to i32
      %cond3A_143 = arith.constant 0 : i32
      %cond3A_144 = arith.cmpi ne, %convert_element_type3A_142, %cond3A_143 : i32
      scf.if %cond3A_144 {
        %dma_wait3A_171 = arith.constant 0 : i32
        %dma_wait3A_172 = arith.constant 0 : i32
        %dma_wait3A_173 = tpu.memref_slice %arg14[%dma_wait3A_171, %dma_wait3A_172] : memref<10240x128xf32, #tpu.memory_space<vmem_shared>> -> memref<10240x128xf32, #tpu.memory_space<vmem_shared>>
        tpu.wait_indirect_dma semaphore(%arg19 : memref<!tpu.dma_semaphore, #tpu.memory_space<semaphore_mem>>) src(%arg12 : memref<80x128xf32, #tpu.memory_space<vmem>>) dst(%dma_wait3A_173 : memref<10240x128xf32, #tpu.memory_space<vmem_shared>>)
        %mul3A_174 = arith.constant 10000 : i32
        %mul3A_175 = arith.muli %add3A, %mul3A_174 : i32
        %mul3A_176 = arith.constant 80 : i32
        %mul3A_177 = arith.muli %add3A_139, %mul3A_176 : i32
        %add3A_178 = arith.addi %mul3A_175, %mul3A_177 : i32
        %multiple_of3A_179 = tpu.assume_multiple %add3A_178, 8 : i32
        %dma_start3A_180 = tpu.memref_slice %arg4[%multiple_of3A_179] : memref<320000xi32, #tpu.memory_space<hbm>> -> memref<80xi32, #tpu.memory_space<hbm>>
        %dma_start3A_181 = tpu.memref_slice %arg4[%multiple_of3A_179] : memref<320000xi32, #tpu.memory_space<hbm>> -> memref<80xi32, #tpu.memory_space<hbm>>
        tpu.enqueue_dma source(%dma_start3A_181 : memref<80xi32, #tpu.memory_space<hbm>>) target(%arg9 : memref<80xi32, #tpu.memory_space<vmem>>) target_semaphore(%arg22 : memref<!tpu.dma_semaphore, #tpu.memory_space<semaphore_mem>>)
        %dma_start3A_182 = arith.constant 0 : i32
        %dma_start3A_183 = tpu.memref_slice %arg7[%add3A_139, %dma_start3A_182] : memref<125x80xi32, #tpu.memory_space<vmem>> -> memref<1x80xi32, #tpu.memory_space<vmem>>
        %dma_start3A_184 = tpu.memref_squeeze %dma_start3A_183 : memref<1x80xi32, #tpu.memory_space<vmem>> -> memref<80xi32, #tpu.memory_space<vmem>>
        %dma_start3A_185 = arith.constant 0 : i32
        %dma_start3A_186 = arith.constant 0 : i32
        %dma_start3A_187 = tpu.memref_slice %arg2[%dma_start3A_185, %dma_start3A_186] : memref<10000x128xf32, #tpu.memory_space<hbm>> -> memref<10000x128xf32, #tpu.memory_space<hbm>>
        tpu.enqueue_indirect_dma source(%dma_start3A_187 : memref<10000x128xf32, #tpu.memory_space<hbm>>) target(%arg12 : memref<80x128xf32, #tpu.memory_space<vmem>>) offsets(%dma_start3A_184 : memref<80xi32, #tpu.memory_space<vmem>>) semaphore(%arg16 : memref<!tpu.dma_semaphore, #tpu.memory_space<semaphore_mem>>)
      } else {
      }
      %add3A_145 = arith.constant 2 : i32
      %add3A_146 = arith.addi %add3A_95, %add3A_145 : i32
      %mul3A_147 = arith.constant 10000 : i32
      %mul3A_148 = arith.muli %add3A, %mul3A_147 : i32
      %mul3A_149 = arith.constant 80 : i32
      %mul3A_150 = arith.muli %add3A_146, %mul3A_149 : i32
      %add3A_151 = arith.addi %mul3A_148, %mul3A_150 : i32
      %multiple_of3A_152 = tpu.assume_multiple %add3A_151, 8 : i32
      %dma_wait3A_153 = arith.constant 0 : i32
      %dma_wait3A_154 = tpu.memref_slice %arg7[%add3A_146, %dma_wait3A_153] : memref<125x80xi32, #tpu.memory_space<vmem>> -> memref<1x80xi32, #tpu.memory_space<vmem>>
      %dma_wait3A_155 = tpu.memref_squeeze %dma_wait3A_154 : memref<1x80xi32, #tpu.memory_space<vmem>> -> memref<80xi32, #tpu.memory_space<vmem>>
      %dma_wait3A_156 = arith.constant 0 : i32
      %dma_wait3A_157 = arith.constant 0 : i32
      %dma_wait3A_158 = tpu.memref_slice %arg2[%dma_wait3A_156, %dma_wait3A_157] : memref<10000x128xf32, #tpu.memory_space<hbm>> -> memref<10000x128xf32, #tpu.memory_space<hbm>>
      tpu.wait_indirect_dma semaphore(%arg15 : memref<!tpu.dma_semaphore, #tpu.memory_space<semaphore_mem>>) src(%dma_wait3A_158 : memref<10000x128xf32, #tpu.memory_space<hbm>>) dst(%arg11 : memref<80x128xf32, #tpu.memory_space<vmem>>)
      %dma_wait3A_159 = tpu.memref_slice %arg4[%multiple_of3A_152] : memref<320000xi32, #tpu.memory_space<hbm>> -> memref<80xi32, #tpu.memory_space<hbm>>
      %dma_wait3A_160 = tpu.memref_slice %arg4[%multiple_of3A_152] : memref<320000xi32, #tpu.memory_space<hbm>> -> memref<80xi32, #tpu.memory_space<hbm>>
      tpu.wait_dma2 semaphore(%arg21 : memref<!tpu.dma_semaphore, #tpu.memory_space<semaphore_mem>>) src(%dma_wait3A_160 : memref<80xi32, #tpu.memory_space<hbm>>) dst(%arg8 : memref<80xi32, #tpu.memory_space<vmem>>)
      %dma_start3A_161 = arith.constant 0 : i32
      %dma_start3A_162 = arith.constant 0 : i32
      %dma_start3A_163 = tpu.memref_slice %arg14[%dma_start3A_161, %dma_start3A_162] : memref<10240x128xf32, #tpu.memory_space<vmem_shared>> -> memref<10240x128xf32, #tpu.memory_space<vmem_shared>>
      tpu.enqueue_indirect_dma source(%arg11 : memref<80x128xf32, #tpu.memory_space<vmem>>) target(%dma_start3A_163 : memref<10240x128xf32, #tpu.memory_space<vmem_shared>>) offsets(%arg8 : memref<80xi32, #tpu.memory_space<vmem>>) semaphore(%arg18 : memref<!tpu.dma_semaphore, #tpu.memory_space<semaphore_mem>>) {add = true}
      %add3A_164 = arith.constant 2 : i32
      %add3A_165 = arith.addi %add3A_146, %add3A_164 : i32
      %lt3A_166 = arith.constant 125 : i32
      %lt3A_167 = arith.cmpi slt, %add3A_165, %lt3A_166 : i32
      %convert_element_type3A_168 = arith.extui %lt3A_167 : i1 to i32
      %cond3A_169 = arith.constant 0 : i32
      %cond3A_170 = arith.cmpi ne, %convert_element_type3A_168, %cond3A_169 : i32
      scf.if %cond3A_170 {
        %dma_wait3A_171 = arith.constant 0 : i32
        %dma_wait3A_172 = arith.constant 0 : i32
        %dma_wait3A_173 = tpu.memref_slice %arg14[%dma_wait3A_171, %dma_wait3A_172] : memref<10240x128xf32, #tpu.memory_space<vmem_shared>> -> memref<10240x128xf32, #tpu.memory_space<vmem_shared>>
        tpu.wait_indirect_dma semaphore(%arg20 : memref<!tpu.dma_semaphore, #tpu.memory_space<semaphore_mem>>) src(%arg13 : memref<80x128xf32, #tpu.memory_space<vmem>>) dst(%dma_wait3A_173 : memref<10240x128xf32, #tpu.memory_space<vmem_shared>>)
        %mul3A_174 = arith.constant 10000 : i32
        %mul3A_175 = arith.muli %add3A, %mul3A_174 : i32
        %mul3A_176 = arith.constant 80 : i32
        %mul3A_177 = arith.muli %add3A_165, %mul3A_176 : i32
        %add3A_178 = arith.addi %mul3A_175, %mul3A_177 : i32
        %multiple_of3A_179 = tpu.assume_multiple %add3A_178, 8 : i32
        %dma_start3A_180 = tpu.memref_slice %arg4[%multiple_of3A_179] : memref<320000xi32, #tpu.memory_space<hbm>> -> memref<80xi32, #tpu.memory_space<hbm>>
        %dma_start3A_181 = tpu.memref_slice %arg4[%multiple_of3A_179] : memref<320000xi32, #tpu.memory_space<hbm>> -> memref<80xi32, #tpu.memory_space<hbm>>
        tpu.enqueue_dma source(%dma_start3A_181 : memref<80xi32, #tpu.memory_space<hbm>>) target(%arg10 : memref<80xi32, #tpu.memory_space<vmem>>) target_semaphore(%arg23 : memref<!tpu.dma_semaphore, #tpu.memory_space<semaphore_mem>>)
        %dma_start3A_182 = arith.constant 0 : i32
        %dma_start3A_183 = tpu.memref_slice %arg7[%add3A_165, %dma_start3A_182] : memref<125x80xi32, #tpu.memory_space<vmem>> -> memref<1x80xi32, #tpu.memory_space<vmem>>
        %dma_start3A_184 = tpu.memref_squeeze %dma_start3A_183 : memref<1x80xi32, #tpu.memory_space<vmem>> -> memref<80xi32, #tpu.memory_space<vmem>>
        %dma_start3A_185 = arith.constant 0 : i32
        %dma_start3A_186 = arith.constant 0 : i32
        %dma_start3A_187 = tpu.memref_slice %arg2[%dma_start3A_185, %dma_start3A_186] : memref<10000x128xf32, #tpu.memory_space<hbm>> -> memref<10000x128xf32, #tpu.memory_space<hbm>>
        tpu.enqueue_indirect_dma source(%dma_start3A_187 : memref<10000x128xf32, #tpu.memory_space<hbm>>) target(%arg13 : memref<80x128xf32, #tpu.memory_space<vmem>>) offsets(%dma_start3A_184 : memref<80xi32, #tpu.memory_space<vmem>>) semaphore(%arg17 : memref<!tpu.dma_semaphore, #tpu.memory_space<semaphore_mem>>)
      } else {
      }
    }
    %scan3A_63 = arith.constant 41 : i32
    %mul3A_64 = arith.constant 10000 : i32
    %mul3A_65 = arith.muli %add3A, %mul3A_64 : i32
    %add3A_66 = arith.constant 9920 : i32
    %add3A_67 = arith.addi %mul3A_65, %add3A_66 : i32
    %multiple_of3A_68 = tpu.assume_multiple %add3A_67, 8 : i32
    %dma_wait3A_69 = arith.constant 124 : i32
    %dma_wait3A_70 = arith.constant 0 : i32
    %dma_wait3A_71 = tpu.memref_slice %arg7[%dma_wait3A_69, %dma_wait3A_70] : memref<125x80xi32, #tpu.memory_space<vmem>> -> memref<1x80xi32, #tpu.memory_space<vmem>>
    %dma_wait3A_72 = tpu.memref_squeeze %dma_wait3A_71 : memref<1x80xi32, #tpu.memory_space<vmem>> -> memref<80xi32, #tpu.memory_space<vmem>>
    %dma_wait3A_73 = arith.constant 0 : i32
    %dma_wait3A_74 = arith.constant 0 : i32
    %dma_wait3A_75 = tpu.memref_slice %arg2[%dma_wait3A_73, %dma_wait3A_74] : memref<10000x128xf32, #tpu.memory_space<hbm>> -> memref<10000x128xf32, #tpu.memory_space<hbm>>
    tpu.wait_indirect_dma semaphore(%arg16 : memref<!tpu.dma_semaphore, #tpu.memory_space<semaphore_mem>>) src(%dma_wait3A_75 : memref<10000x128xf32, #tpu.memory_space<hbm>>) dst(%arg12 : memref<80x128xf32, #tpu.memory_space<vmem>>)
    %dma_wait3A_76 = tpu.memref_slice %arg4[%multiple_of3A_68] : memref<320000xi32, #tpu.memory_space<hbm>> -> memref<80xi32, #tpu.memory_space<hbm>>
    %dma_wait3A_77 = tpu.memref_slice %arg4[%multiple_of3A_68] : memref<320000xi32, #tpu.memory_space<hbm>> -> memref<80xi32, #tpu.memory_space<hbm>>
    tpu.wait_dma2 semaphore(%arg22 : memref<!tpu.dma_semaphore, #tpu.memory_space<semaphore_mem>>) src(%dma_wait3A_77 : memref<80xi32, #tpu.memory_space<hbm>>) dst(%arg9 : memref<80xi32, #tpu.memory_space<vmem>>)
    %dma_start3A_78 = arith.constant 0 : i32
    %dma_start3A_79 = arith.constant 0 : i32
    %dma_start3A_80 = tpu.memref_slice %arg14[%dma_start3A_78, %dma_start3A_79] : memref<10240x128xf32, #tpu.memory_space<vmem_shared>> -> memref<10240x128xf32, #tpu.memory_space<vmem_shared>>
    tpu.enqueue_indirect_dma source(%arg12 : memref<80x128xf32, #tpu.memory_space<vmem>>) target(%dma_start3A_80 : memref<10240x128xf32, #tpu.memory_space<vmem_shared>>) offsets(%arg9 : memref<80xi32, #tpu.memory_space<vmem>>) semaphore(%arg19 : memref<!tpu.dma_semaphore, #tpu.memory_space<semaphore_mem>>) {add = true}
    %dma_wait3A_81 = arith.constant 0 : i32
    %dma_wait3A_82 = arith.constant 0 : i32
    %dma_wait3A_83 = tpu.memref_slice %arg14[%dma_wait3A_81, %dma_wait3A_82] : memref<10240x128xf32, #tpu.memory_space<vmem_shared>> -> memref<10240x128xf32, #tpu.memory_space<vmem_shared>>
    tpu.wait_indirect_dma semaphore(%arg18 : memref<!tpu.dma_semaphore, #tpu.memory_space<semaphore_mem>>) src(%arg11 : memref<80x128xf32, #tpu.memory_space<vmem>>) dst(%dma_wait3A_83 : memref<10240x128xf32, #tpu.memory_space<vmem_shared>>)
    %dma_wait3A_84 = arith.constant 0 : i32
    %dma_wait3A_85 = arith.constant 0 : i32
    %dma_wait3A_86 = tpu.memref_slice %arg14[%dma_wait3A_84, %dma_wait3A_85] : memref<10240x128xf32, #tpu.memory_space<vmem_shared>> -> memref<10240x128xf32, #tpu.memory_space<vmem_shared>>
    tpu.wait_indirect_dma semaphore(%arg19 : memref<!tpu.dma_semaphore, #tpu.memory_space<semaphore_mem>>) src(%arg12 : memref<80x128xf32, #tpu.memory_space<vmem>>) dst(%dma_wait3A_86 : memref<10240x128xf32, #tpu.memory_space<vmem_shared>>)
    %dma_wait3A_87 = arith.constant 0 : i32
    %dma_wait3A_88 = arith.constant 0 : i32
    %dma_wait3A_89 = tpu.memref_slice %arg14[%dma_wait3A_87, %dma_wait3A_88] : memref<10240x128xf32, #tpu.memory_space<vmem_shared>> -> memref<10240x128xf32, #tpu.memory_space<vmem_shared>>
    tpu.wait_indirect_dma semaphore(%arg20 : memref<!tpu.dma_semaphore, #tpu.memory_space<semaphore_mem>>) src(%arg13 : memref<80x128xf32, #tpu.memory_space<vmem>>) dst(%dma_wait3A_89 : memref<10240x128xf32, #tpu.memory_space<vmem_shared>>)
    %barrier3A_90 = arith.constant 0 : index
    tpu.barrier barrier_id(%barrier3A_90)
    "tpu.region"() ({
      %run_scoped3A = tpu.sem_alloc : memref<!tpu.dma_semaphore, #tpu.memory_space<semaphore_mem>>
      %dma_start3A_91 = arith.constant 0 : i32
      %dma_start3A_92 = tpu.memref_slice %arg6[%arg0, %mul3A_2, %dma_start3A_91] : memref<2x10240x128xf32, #tpu.memory_space<hbm>> -> memref<1x640x128xf32, #tpu.memory_space<hbm>>
      %dma_start3A_93 = tpu.memref_squeeze %dma_start3A_92 : memref<1x640x128xf32, #tpu.memory_space<hbm>> -> memref<640x128xf32, #tpu.memory_space<hbm>>
      %dma_start3A_94 = arith.constant 0 : i32
      %dma_start3A_95 = tpu.memref_slice %arg14[%mul3A_2, %dma_start3A_94] : memref<10240x128xf32, #tpu.memory_space<vmem_shared>> -> memref<640x128xf32, #tpu.memory_space<vmem_shared>>
      tpu.enqueue_dma source(%dma_start3A_95 : memref<640x128xf32, #tpu.memory_space<vmem_shared>>) target(%dma_start3A_93 : memref<640x128xf32, #tpu.memory_space<hbm>>) target_semaphore(%run_scoped3A : memref<!tpu.dma_semaphore, #tpu.memory_space<semaphore_mem>>)
      %dma_wait3A_96 = arith.constant 0 : i32
      %dma_wait3A_97 = tpu.memref_slice %arg6[%arg0, %mul3A_2, %dma_wait3A_96] : memref<2x10240x128xf32, #tpu.memory_space<hbm>> -> memref<1x640x128xf32, #tpu.memory_space<hbm>>
      %dma_wait3A_98 = tpu.memref_squeeze %dma_wait3A_97 : memref<1x640x128xf32, #tpu.memory_space<hbm>> -> memref<640x128xf32, #tpu.memory_space<hbm>>
      %dma_wait3A_99 = arith.constant 0 : i32
      %dma_wait3A_100 = tpu.memref_slice %arg14[%mul3A_2, %dma_wait3A_99] : memref<10240x128xf32, #tpu.memory_space<vmem_shared>> -> memref<640x128xf32, #tpu.memory_space<vmem_shared>>
      tpu.wait_dma2 semaphore(%run_scoped3A : memref<!tpu.dma_semaphore, #tpu.memory_space<semaphore_mem>>) src(%dma_wait3A_100 : memref<640x128xf32, #tpu.memory_space<vmem_shared>>) dst(%dma_wait3A_98 : memref<640x128xf32, #tpu.memory_space<hbm>>)
      tpu.yield
    }) : () -> ()
    return
  }
}

module attributes {stable_mosaic.version = 14 : i64} {
  func.func @_dense_body(%arg0: memref<2x10240x128xf32, #tpu.memory_space<vmem>>, %arg1: memref<10000x128xf32, #tpu.memory_space<vmem>>, %arg2: memref<128x128xf32, #tpu.memory_space<vmem>>, %arg3: memref<1x128xf32, #tpu.memory_space<vmem>>, %arg4: memref<128x128xf32, #tpu.memory_space<vmem>>, %arg5: memref<1x128xf32, #tpu.memory_space<vmem>>, %arg6: memref<1x128xf32, #tpu.memory_space<vmem>>, %arg7: memref<1x128xf32, #tpu.memory_space<vmem>>, %arg8: memref<10000x128xf32, #tpu.memory_space<vmem>>) attributes {dimension_semantics = [], scalar_prefetch = 0 : i64, scratch_operands = 0 : i64, tpu.core_type = #tpu.core_type<tc>} {
    %get3A = arith.constant 0 : index
    %get3A_0 = arith.constant 0 : index
    %get3A_1 = arith.constant 0 : index
    %get3A_2 = vector.load %arg0[%get3A, %get3A_0, %get3A_1] : memref<2x10240x128xf32, #tpu.memory_space<vmem>>, vector<1x10000x128xf32>
    %get3A_3 = vector.shape_cast %get3A_2 : vector<1x10000x128xf32> to vector<10000x128xf32>
    %get3A_4 = arith.constant 1 : index
    %get3A_5 = arith.constant 0 : index
    %get3A_6 = arith.constant 0 : index
    %get3A_7 = vector.load %arg0[%get3A_4, %get3A_5, %get3A_6] : memref<2x10240x128xf32, #tpu.memory_space<vmem>>, vector<1x10000x128xf32>
    %get3A_8 = vector.shape_cast %get3A_7 : vector<1x10000x128xf32> to vector<10000x128xf32>
    %add3A = arith.addf %get3A_3, %get3A_8 : vector<10000x128xf32>
    %get3A_9 = arith.constant 0 : index
    %get3A_10 = arith.constant 0 : index
    %get3A_11 = vector.load %arg1[%get3A_9, %get3A_10] : memref<10000x128xf32, #tpu.memory_space<vmem>>, vector<10000x128xf32>
    %get3A_12 = arith.constant 0 : index
    %get3A_13 = arith.constant 0 : index
    %get3A_14 = vector.load %arg2[%get3A_12, %get3A_13] : memref<128x128xf32, #tpu.memory_space<vmem>>, vector<128x128xf32>
    %dot_general3A = arith.constant dense<0.000000e+00> : vector<10000x128xf32>
    %dot_general3A_15 = tpu.matmul %add3A, %get3A_14, %dot_general3A {dimension_numbers = #tpu.dot_dimension_numbers<[1], [0], [0], [1], [0, 0, 1, 1], [], []>, transpose_lhs_hint = false} : vector<10000x128xf32>, vector<128x128xf32>, vector<10000x128xf32> -> vector<10000x128xf32>
    %get3A_16 = arith.constant 0 : index
    %get3A_17 = arith.constant 0 : index
    %get3A_18 = vector.load %arg3[%get3A_16, %get3A_17] : memref<1x128xf32, #tpu.memory_space<vmem>>, vector<1x128xf32>
    %add3A_19 = vector.broadcast %get3A_18 : vector<1x128xf32> to vector<10000x128xf32>
    %add3A_20 = arith.addf %dot_general3A_15, %add3A_19 : vector<10000x128xf32>
    %get3A_21 = arith.constant 0 : index
    %get3A_22 = arith.constant 0 : index
    %get3A_23 = vector.load %arg4[%get3A_21, %get3A_22] : memref<128x128xf32, #tpu.memory_space<vmem>>, vector<128x128xf32>
    %dot_general3A_24 = arith.constant dense<0.000000e+00> : vector<10000x128xf32>
    %dot_general3A_25 = tpu.matmul %get3A_11, %get3A_23, %dot_general3A_24 {dimension_numbers = #tpu.dot_dimension_numbers<[1], [0], [0], [1], [0, 0, 1, 1], [], []>, transpose_lhs_hint = false} : vector<10000x128xf32>, vector<128x128xf32>, vector<10000x128xf32> -> vector<10000x128xf32>
    %add3A_26 = arith.addf %add3A_20, %dot_general3A_25 : vector<10000x128xf32>
    %reduce_sum3A = arith.constant dense<0.000000e+00> : vector<128xf32>
    %reduce_sum3A_27 = vector.multi_reduction <add>, %add3A_26, %reduce_sum3A [0] : vector<10000x128xf32> to vector<128xf32>
    %broadcast_in_dim3A = vector.shape_cast %reduce_sum3A_27 : vector<128xf32> to vector<1x128xf32>
    %div3A = arith.constant 1.000000e+04 : f32
    %div3A_28 = vector.broadcast %div3A : f32 to vector<1x128xf32>
    %div3A_29 = arith.divf %broadcast_in_dim3A, %div3A_28 : vector<1x128xf32>
    %sub3A = vector.broadcast %div3A_29 : vector<1x128xf32> to vector<10000x128xf32>
    %sub3A_30 = arith.subf %add3A_26, %sub3A : vector<10000x128xf32>
    %mul3A = arith.mulf %sub3A_30, %sub3A_30 : vector<10000x128xf32>
    %reduce_sum3A_31 = arith.constant dense<0.000000e+00> : vector<128xf32>
    %reduce_sum3A_32 = vector.multi_reduction <add>, %mul3A, %reduce_sum3A_31 [0] : vector<10000x128xf32> to vector<128xf32>
    %broadcast_in_dim3A_33 = vector.shape_cast %reduce_sum3A_32 : vector<128xf32> to vector<1x128xf32>
    %div3A_34 = arith.constant 1.000000e+04 : f32
    %div3A_35 = vector.broadcast %div3A_34 : f32 to vector<1x128xf32>
    %div3A_36 = arith.divf %broadcast_in_dim3A_33, %div3A_35 : vector<1x128xf32>
    %get3A_37 = arith.constant 0 : index
    %get3A_38 = arith.constant 0 : index
    %get3A_39 = vector.load %arg5[%get3A_37, %get3A_38] : memref<1x128xf32, #tpu.memory_space<vmem>>, vector<1x128xf32>
    %mul3A_40 = vector.broadcast %get3A_39 : vector<1x128xf32> to vector<10000x128xf32>
    %mul3A_41 = arith.mulf %mul3A_40, %sub3A_30 : vector<10000x128xf32>
    %add3A_42 = arith.constant 9.99999974E-6 : f32
    %add3A_43 = vector.broadcast %add3A_42 : f32 to vector<1x128xf32>
    %add3A_44 = arith.addf %div3A_36, %add3A_43 : vector<1x128xf32>
    %rsqrt3A = math.rsqrt %add3A_44 : vector<1x128xf32>
    %mul3A_45 = vector.broadcast %rsqrt3A : vector<1x128xf32> to vector<10000x128xf32>
    %mul3A_46 = arith.mulf %mul3A_41, %mul3A_45 : vector<10000x128xf32>
    %get3A_47 = arith.constant 0 : index
    %get3A_48 = arith.constant 0 : index
    %get3A_49 = vector.load %arg6[%get3A_47, %get3A_48] : memref<1x128xf32, #tpu.memory_space<vmem>>, vector<1x128xf32>
    %add3A_50 = vector.broadcast %get3A_49 : vector<1x128xf32> to vector<10000x128xf32>
    %add3A_51 = arith.addf %mul3A_46, %add3A_50 : vector<10000x128xf32>
    %max3A = arith.constant 0.000000e+00 : f32
    %max3A_52 = vector.broadcast %max3A : f32 to vector<10000x128xf32>
    %max3A_53 = arith.maximumf %add3A_51, %max3A_52 : vector<10000x128xf32>
    %get3A_54 = arith.constant 0 : index
    %get3A_55 = arith.constant 0 : index
    %get3A_56 = vector.load %arg7[%get3A_54, %get3A_55] : memref<1x128xf32, #tpu.memory_space<vmem>>, vector<1x128xf32>
    %add3A_57 = vector.broadcast %get3A_56 : vector<1x128xf32> to vector<10000x128xf32>
    %add3A_58 = arith.addf %max3A_53, %add3A_57 : vector<10000x128xf32>
    %swap3A = arith.constant 0 : index
    %swap3A_59 = arith.constant 0 : index
    %swap3A_60 = vector.load %arg8[%swap3A, %swap3A_59] : memref<10000x128xf32, #tpu.memory_space<vmem>>, vector<10000x128xf32>
    tpu.vector_store %arg8[%swap3A, %swap3A_59], %add3A_58 {strides = array<i32>} : memref<10000x128xf32, #tpu.memory_space<vmem>>, vector<10000x128xf32>,
    return
  }
}

module attributes {stable_mosaic.version = 14 : i64} {
  func.func @_pre_body(%arg0: memref<10000x128xf32, #tpu.memory_space<vmem>>, %arg1: memref<1x128xf32, #tpu.memory_space<vmem>>, %arg2: memref<10000x128xf32, #tpu.memory_space<vmem>>) attributes {dimension_semantics = [], scalar_prefetch = 0 : i64, scratch_operands = 0 : i64, tpu.core_type = #tpu.core_type<tc>} {
    %get3A = arith.constant 0 : index
    %get3A_0 = arith.constant 0 : index
    %get3A_1 = vector.load %arg0[%get3A, %get3A_0] : memref<10000x128xf32, #tpu.memory_space<vmem>>, vector<10000x128xf32>
    %get3A_2 = arith.constant 0 : index
    %get3A_3 = arith.constant 0 : index
    %get3A_4 = vector.load %arg1[%get3A_2, %get3A_3] : memref<1x128xf32, #tpu.memory_space<vmem>>, vector<1x128xf32>
    %add3A = vector.broadcast %get3A_4 : vector<1x128xf32> to vector<10000x128xf32>
    %add3A_5 = arith.addf %get3A_1, %add3A : vector<10000x128xf32>
    %swap3A = arith.constant 0 : index
    %swap3A_6 = arith.constant 0 : index
    %swap3A_7 = vector.load %arg2[%swap3A, %swap3A_6] : memref<10000x128xf32, #tpu.memory_space<vmem>>, vector<10000x128xf32>
    tpu.vector_store %arg2[%swap3A, %swap3A_6], %add3A_5 {strides = array<i32>} : memref<10000x128xf32, #tpu.memory_space<vmem>>, vector<10000x128xf32>,
    return
  }
}

module attributes {stable_mosaic.version = 14 : i64} {
  func.func @_dense_last_body(%arg0: memref<2x10240x128xf32, #tpu.memory_space<vmem>>, %arg1: memref<10000x128xf32, #tpu.memory_space<vmem>>, %arg2: memref<128x128xf32, #tpu.memory_space<vmem>>, %arg3: memref<1x128xf32, #tpu.memory_space<vmem>>, %arg4: memref<128x128xf32, #tpu.memory_space<vmem>>, %arg5: memref<1x128xf32, #tpu.memory_space<vmem>>, %arg6: memref<1x128xf32, #tpu.memory_space<vmem>>, %arg7: memref<128x1xf32, #tpu.memory_space<vmem>>, %arg8: memref<128x1xf32, #tpu.memory_space<vmem>>, %arg9: memref<10000x128xf32, #tpu.memory_space<vmem>>, %arg10: memref<10000x1xf32, #tpu.memory_space<vmem>>, %arg11: memref<10000x1xf32, #tpu.memory_space<vmem>>) attributes {dimension_semantics = [], scalar_prefetch = 0 : i64, scratch_operands = 0 : i64, tpu.core_type = #tpu.core_type<tc>} {
    %get3A = arith.constant 0 : index
    %get3A_0 = arith.constant 0 : index
    %get3A_1 = arith.constant 0 : index
    %get3A_2 = vector.load %arg0[%get3A, %get3A_0, %get3A_1] : memref<2x10240x128xf32, #tpu.memory_space<vmem>>, vector<1x10000x128xf32>
    %get3A_3 = vector.shape_cast %get3A_2 : vector<1x10000x128xf32> to vector<10000x128xf32>
    %get3A_4 = arith.constant 1 : index
    %get3A_5 = arith.constant 0 : index
    %get3A_6 = arith.constant 0 : index
    %get3A_7 = vector.load %arg0[%get3A_4, %get3A_5, %get3A_6] : memref<2x10240x128xf32, #tpu.memory_space<vmem>>, vector<1x10000x128xf32>
    %get3A_8 = vector.shape_cast %get3A_7 : vector<1x10000x128xf32> to vector<10000x128xf32>
    %add3A = arith.addf %get3A_3, %get3A_8 : vector<10000x128xf32>
    %get3A_9 = arith.constant 0 : index
    %get3A_10 = arith.constant 0 : index
    %get3A_11 = vector.load %arg1[%get3A_9, %get3A_10] : memref<10000x128xf32, #tpu.memory_space<vmem>>, vector<10000x128xf32>
    %get3A_12 = arith.constant 0 : index
    %get3A_13 = arith.constant 0 : index
    %get3A_14 = vector.load %arg2[%get3A_12, %get3A_13] : memref<128x128xf32, #tpu.memory_space<vmem>>, vector<128x128xf32>
    %dot_general3A = arith.constant dense<0.000000e+00> : vector<10000x128xf32>
    %dot_general3A_15 = tpu.matmul %add3A, %get3A_14, %dot_general3A {dimension_numbers = #tpu.dot_dimension_numbers<[1], [0], [0], [1], [0, 0, 1, 1], [], []>, transpose_lhs_hint = false} : vector<10000x128xf32>, vector<128x128xf32>, vector<10000x128xf32> -> vector<10000x128xf32>
    %get3A_16 = arith.constant 0 : index
    %get3A_17 = arith.constant 0 : index
    %get3A_18 = vector.load %arg3[%get3A_16, %get3A_17] : memref<1x128xf32, #tpu.memory_space<vmem>>, vector<1x128xf32>
    %add3A_19 = vector.broadcast %get3A_18 : vector<1x128xf32> to vector<10000x128xf32>
    %add3A_20 = arith.addf %dot_general3A_15, %add3A_19 : vector<10000x128xf32>
    %get3A_21 = arith.constant 0 : index
    %get3A_22 = arith.constant 0 : index
    %get3A_23 = vector.load %arg4[%get3A_21, %get3A_22] : memref<128x128xf32, #tpu.memory_space<vmem>>, vector<128x128xf32>
    %dot_general3A_24 = arith.constant dense<0.000000e+00> : vector<10000x128xf32>
    %dot_general3A_25 = tpu.matmul %get3A_11, %get3A_23, %dot_general3A_24 {dimension_numbers = #tpu.dot_dimension_numbers<[1], [0], [0], [1], [0, 0, 1, 1], [], []>, transpose_lhs_hint = false} : vector<10000x128xf32>, vector<128x128xf32>, vector<10000x128xf32> -> vector<10000x128xf32>
    %add3A_26 = arith.addf %add3A_20, %dot_general3A_25 : vector<10000x128xf32>
    %reduce_sum3A = arith.constant dense<0.000000e+00> : vector<128xf32>
    %reduce_sum3A_27 = vector.multi_reduction <add>, %add3A_26, %reduce_sum3A [0] : vector<10000x128xf32> to vector<128xf32>
    %broadcast_in_dim3A = vector.shape_cast %reduce_sum3A_27 : vector<128xf32> to vector<1x128xf32>
    %div3A = arith.constant 1.000000e+04 : f32
    %div3A_28 = vector.broadcast %div3A : f32 to vector<1x128xf32>
    %div3A_29 = arith.divf %broadcast_in_dim3A, %div3A_28 : vector<1x128xf32>
    %sub3A = vector.broadcast %div3A_29 : vector<1x128xf32> to vector<10000x128xf32>
    %sub3A_30 = arith.subf %add3A_26, %sub3A : vector<10000x128xf32>
    %mul3A = arith.mulf %sub3A_30, %sub3A_30 : vector<10000x128xf32>
    %reduce_sum3A_31 = arith.constant dense<0.000000e+00> : vector<128xf32>
    %reduce_sum3A_32 = vector.multi_reduction <add>, %mul3A, %reduce_sum3A_31 [0] : vector<10000x128xf32> to vector<128xf32>
    %broadcast_in_dim3A_33 = vector.shape_cast %reduce_sum3A_32 : vector<128xf32> to vector<1x128xf32>
    %div3A_34 = arith.constant 1.000000e+04 : f32
    %div3A_35 = vector.broadcast %div3A_34 : f32 to vector<1x128xf32>
    %div3A_36 = arith.divf %broadcast_in_dim3A_33, %div3A_35 : vector<1x128xf32>
    %get3A_37 = arith.constant 0 : index
    %get3A_38 = arith.constant 0 : index
    %get3A_39 = vector.load %arg5[%get3A_37, %get3A_38] : memref<1x128xf32, #tpu.memory_space<vmem>>, vector<1x128xf32>
    %mul3A_40 = vector.broadcast %get3A_39 : vector<1x128xf32> to vector<10000x128xf32>
    %mul3A_41 = arith.mulf %mul3A_40, %sub3A_30 : vector<10000x128xf32>
    %add3A_42 = arith.constant 9.99999974E-6 : f32
    %add3A_43 = vector.broadcast %add3A_42 : f32 to vector<1x128xf32>
    %add3A_44 = arith.addf %div3A_36, %add3A_43 : vector<1x128xf32>
    %rsqrt3A = math.rsqrt %add3A_44 : vector<1x128xf32>
    %mul3A_45 = vector.broadcast %rsqrt3A : vector<1x128xf32> to vector<10000x128xf32>
    %mul3A_46 = arith.mulf %mul3A_41, %mul3A_45 : vector<10000x128xf32>
    %get3A_47 = arith.constant 0 : index
    %get3A_48 = arith.constant 0 : index
    %get3A_49 = vector.load %arg6[%get3A_47, %get3A_48] : memref<1x128xf32, #tpu.memory_space<vmem>>, vector<1x128xf32>
    %add3A_50 = vector.broadcast %get3A_49 : vector<1x128xf32> to vector<10000x128xf32>
    %add3A_51 = arith.addf %mul3A_46, %add3A_50 : vector<10000x128xf32>
    %max3A = arith.constant 0.000000e+00 : f32
    %max3A_52 = vector.broadcast %max3A : f32 to vector<10000x128xf32>
    %max3A_53 = arith.maximumf %add3A_51, %max3A_52 : vector<10000x128xf32>
    %swap3A = arith.constant 0 : index
    %swap3A_54 = arith.constant 0 : index
    %swap3A_55 = vector.load %arg9[%swap3A, %swap3A_54] : memref<10000x128xf32, #tpu.memory_space<vmem>>, vector<10000x128xf32>
    tpu.vector_store %arg9[%swap3A, %swap3A_54], %max3A_53 {strides = array<i32>} : memref<10000x128xf32, #tpu.memory_space<vmem>>, vector<10000x128xf32>,
    %get3A_56 = arith.constant 0 : index
    %get3A_57 = arith.constant 0 : index
    %get3A_58 = vector.load %arg7[%get3A_56, %get3A_57] : memref<128x1xf32, #tpu.memory_space<vmem>>, vector<128x1xf32>
    %dot_general3A_59 = arith.constant dense<0.000000e+00> : vector<10000x1xf32>
    %dot_general3A_60 = tpu.matmul %max3A_53, %get3A_58, %dot_general3A_59 {dimension_numbers = #tpu.dot_dimension_numbers<[1], [0], [0], [1], [0, 0, 1, 1], [], []>, transpose_lhs_hint = false} : vector<10000x128xf32>, vector<128x1xf32>, vector<10000x1xf32> -> vector<10000x1xf32>
    %swap3A_61 = arith.constant 0 : index
    %swap3A_62 = arith.constant 0 : index
    %swap3A_63 = vector.load %arg10[%swap3A_61, %swap3A_62] : memref<10000x1xf32, #tpu.memory_space<vmem>>, vector<10000x1xf32>
    tpu.vector_store %arg10[%swap3A_61, %swap3A_62], %dot_general3A_60 {strides = array<i32>} : memref<10000x1xf32, #tpu.memory_space<vmem>>, vector<10000x1xf32>,
    %get3A_64 = arith.constant 0 : index
    %get3A_65 = arith.constant 0 : index
    %get3A_66 = vector.load %arg8[%get3A_64, %get3A_65] : memref<128x1xf32, #tpu.memory_space<vmem>>, vector<128x1xf32>
    %dot_general3A_67 = arith.constant dense<0.000000e+00> : vector<10000x1xf32>
    %dot_general3A_68 = tpu.matmul %max3A_53, %get3A_66, %dot_general3A_67 {dimension_numbers = #tpu.dot_dimension_numbers<[1], [0], [0], [1], [0, 0, 1, 1], [], []>, transpose_lhs_hint = false} : vector<10000x128xf32>, vector<128x1xf32>, vector<10000x1xf32> -> vector<10000x1xf32>
    %swap3A_69 = arith.constant 0 : index
    %swap3A_70 = arith.constant 0 : index
    %swap3A_71 = vector.load %arg11[%swap3A_69, %swap3A_70] : memref<10000x1xf32, #tpu.memory_space<vmem>>, vector<10000x1xf32>
    tpu.vector_store %arg11[%swap3A_69, %swap3A_70], %dot_general3A_68 {strides = array<i32>} : memref<10000x1xf32, #tpu.memory_space<vmem>>, vector<10000x1xf32>,
    return
  }
}

module attributes {stable_mosaic.version = 14 : i64} {
  func.func @_final_body(%arg0: memref<32x10000xf32, #tpu.memory_space<vmem>>, %arg1: memref<1x10000xf32, #tpu.memory_space<vmem>>, %arg2: memref<1x1xf32, #tpu.memory_space<vmem>>, %arg3: memref<10000x128xf32, #tpu.memory_space<vmem>>, %arg4: memref<128x20xf32, #tpu.memory_space<vmem>>, %arg5: memref<20xf32, #tpu.memory_space<vmem>>, %arg6: memref<1x20xf32, #tpu.memory_space<vmem>>) attributes {dimension_semantics = [], scalar_prefetch = 0 : i64, scratch_operands = 0 : i64, tpu.core_type = #tpu.core_type<tc>} {
    %get3A = arith.constant 0 : index
    %get3A_0 = arith.constant 0 : index
    %get3A_1 = vector.load %arg0[%get3A, %get3A_0] : memref<32x10000xf32, #tpu.memory_space<vmem>>, vector<32x10000xf32>
    %reduce_sum3A = arith.constant dense<0.000000e+00> : vector<10000xf32>
    %reduce_sum3A_2 = vector.multi_reduction <add>, %get3A_1, %reduce_sum3A [0] : vector<32x10000xf32> to vector<10000xf32>
    %broadcast_in_dim3A = vector.shape_cast %reduce_sum3A_2 : vector<10000xf32> to vector<1x10000xf32>
    %get3A_3 = arith.constant 0 : index
    %get3A_4 = arith.constant 0 : index
    %get3A_5 = vector.load %arg1[%get3A_3, %get3A_4] : memref<1x10000xf32, #tpu.memory_space<vmem>>, vector<1x10000xf32>
    %add3A = arith.addf %broadcast_in_dim3A, %get3A_5 : vector<1x10000xf32>
    %get3A_6 = arith.constant 0 : index
    %get3A_7 = arith.constant 0 : index
    %get3A_8 = vector.load %arg2[%get3A_6, %get3A_7] : memref<1x1xf32, #tpu.memory_space<vmem>>, vector<1x1xf32>
    %add3A_9 = vector.broadcast %get3A_8 : vector<1x1xf32> to vector<1x10000xf32>
    %add3A_10 = arith.addf %add3A, %add3A_9 : vector<1x10000xf32>
    %reduce_max3A = vector.shape_cast %add3A_10 : vector<1x10000xf32> to vector<1x1x10000xf32>
    %reduce_max3A_11 = arith.constant dense<0xFF800000> : vector<1xf32>
    %reduce_max3A_12 = vector.multi_reduction <maximumf>, %reduce_max3A, %reduce_max3A_11 [1, 2] : vector<1x1x10000xf32> to vector<1xf32>
    %reduce_max3A_13 = vector.shape_cast %reduce_max3A_12 : vector<1xf32> to vector<1x1x1xf32>
    %reduce_max3A_14 = vector.extract %reduce_max3A_13[0, 0, 0] : f32 from vector<1x1x1xf32>
    %iota3A = tpu.iota {dimensions = array<i32: 1>} : vector<1x10000xi32>
    %eq3A = vector.broadcast %reduce_max3A_14 : f32 to vector<1x10000xf32>
    %eq3A_15 = arith.cmpf oeq, %add3A_10, %eq3A : vector<1x10000xf32>
    %jit3A = arith.constant 10000 : i32
    %broadcast_in_dim3A_16 = vector.broadcast %jit3A : i32 to vector<1x10000xi32>
    %select_n3A = arith.select %eq3A_15, %iota3A, %broadcast_in_dim3A_16 : vector<1x10000xi1>, vector<1x10000xi32>
    %reduce_min3A = vector.shape_cast %select_n3A : vector<1x10000xi32> to vector<1x1x10000xi32>
    %reduce_min3A_17 = arith.constant dense<2147483647> : vector<1xi32>
    %reduce_min3A_18 = vector.multi_reduction <minsi>, %reduce_min3A, %reduce_min3A_17 [1, 2] : vector<1x1x10000xi32> to vector<1xi32>
    %reduce_min3A_19 = vector.shape_cast %reduce_min3A_18 : vector<1xi32> to vector<1x1x1xi32>
    %reduce_min3A_20 = vector.extract %reduce_min3A_19[0, 0, 0] : i32 from vector<1x1x1xi32>
    %get3A_21 = arith.index_cast %reduce_min3A_20 : i32 to index
    %get3A_22 = arith.constant 0 : index
    %get3A_23 = vector.load %arg3[%get3A_21, %get3A_22] : memref<10000x128xf32, #tpu.memory_space<vmem>>, vector<1x128xf32>
    %tanh3A = math.tanh %reduce_max3A_14 : f32
    %mul3A = vector.broadcast %tanh3A : f32 to vector<1x128xf32>
    %mul3A_24 = arith.mulf %get3A_23, %mul3A : vector<1x128xf32>
    %get3A_25 = arith.constant 0 : index
    %get3A_26 = arith.constant 0 : index
    %get3A_27 = vector.load %arg4[%get3A_25, %get3A_26] : memref<128x20xf32, #tpu.memory_space<vmem>>, vector<128x20xf32>
    %dot_general3A = arith.constant dense<0.000000e+00> : vector<1x20xf32>
    %dot_general3A_28 = tpu.matmul %mul3A_24, %get3A_27, %dot_general3A {dimension_numbers = #tpu.dot_dimension_numbers<[1], [0], [0], [1], [0, 0, 1, 1], [], []>, transpose_lhs_hint = false} : vector<1x128xf32>, vector<128x20xf32>, vector<1x20xf32> -> vector<1x20xf32>
    %get3A_29 = arith.constant 0 : index
    %get3A_30 = vector.load %arg5[%get3A_29] : memref<20xf32, #tpu.memory_space<vmem>>, vector<20xf32>
    %broadcast_in_dim3A_31 = vector.shape_cast %get3A_30 : vector<20xf32> to vector<1x20xf32>
    %add3A_32 = arith.addf %dot_general3A_28, %broadcast_in_dim3A_31 : vector<1x20xf32>
    %swap3A = arith.constant 0 : index
    %swap3A_33 = arith.constant 0 : index
    %swap3A_34 = vector.load %arg6[%swap3A, %swap3A_33] : memref<1x20xf32, #tpu.memory_space<vmem>>, vector<1x20xf32>
    tpu.vector_store %arg6[%swap3A, %swap3A_33], %add3A_32 {strides = array<i32>} : memref<1x20xf32, #tpu.memory_space<vmem>>, vector<1x20xf32>,
    return
  }
}

</mosaic_0001>

<sc_bundles>
// kernel: kernel.11.cloned.1.call-start
scs
__scs_entry_jumppad:
0x0: {  	(pc) =	sbr.rel $0x88, $3  }
0x1: {  	(tag) =	ssettag $0x0;
	lr =	simm.s32 $0x1  }
0x2: {  	[smem:$0x3F88] =	sst lr;
	_ =	strace $0xD0000000  }
0x3: {  	_ = 	snop  }
0x4: {  	_ = 	snop  }
0x5: {  	_ = 	snop  }
0x6: {  	_ = 	snop  }
0x7: {  	_ = 	snop  }
__scs_overlays_trampoline_lowered:
0x8: {  	[smem:$0x3F97] =	sst s0  }
0x9: {  	[smem:$0x3F98] =	sst s1  }
0xa: {  	[smem:$0x3F99] =	sst s2  }
0xb: {  	[smem:$0x3F9A] =	sst s3  }
0xc: {  	[smem:$0x3F9B] =	sst s4  }
0xd: {  	[smem:$0x3F9C] =	sst s5  }
0xe: {  	[smem:$0x3F9D] =	sst s6  }
0xf: {  	[smem:$0x3F9E] =	sst s7  }
0x10: {  	[smem:$0x3F9F] =	sst s8  }
0x11: {  	[smem:$0x3FA0] =	sst s9;
	s0 =	simm.s32 @!p0 $0x0  }
0x12: {  	s1 =	sld [smem:$0x3F86];
	s0 =	simm.s32 @p0 $0x1  }
0x13: {  	[smem:$0x3FA1] =	sst s0;
	s0 =	simm.s32 @!p1 $0x0  }
0x14: {  	s2 =	sld [smem:$0x3F85];
	s0 =	simm.s32 @p1 $0x1  }
0x15: {  	[smem:$0x3FA2] =	sst s0;
	s0 =	simm.s32 @!p2 $0x0  }
0x16: {  	s3 =	sld [smem:$0x3FDB];
	s0 =	simm.s32 @p2 $0x1  }
0x17: {  	s4 =	simm.s32 $0x1BF5;
	[smem:$0x3FA4] =	sst s0  }
0x18: {  	s0 =	sld [smem:$0x3F87];
	_ =	swait.ge [sflag:s4], $0x0  }
0x19: {  	s7 =	sld [smem:$0x3F88]  }
0x1a: {  	s8 =	sadd.s32 $0xFFFFE003, lr  }
0x1b: {  	s9 =	sadd.s32 $0xFFFFFEF7, lr;
	s5 =	simm.s32 $0xFFFFFFFF;
	p2 =	slt.u32 s8, $0xFFFFF086  }
0x1c: {  	p1 =	slt.u32 s9, $0xF7A;
	s5 =	simm.s32 @!p2 $0x0  }
0x1d: {  	s5 =	simm.s32 @p1 $0x1;
	p0 =	seq.s32 s7, s2  }
0x1e: {  	s7 =	smul.u32 @!p0 $0xF7A, s2;
	p2 =	seq.s32 @!p0 s5, $0x0  }
0x1f: {  	s9 =	smul.u32 $0xF7A, s1;
	s8 =	simm.s32 @!p0 $0x1BF5;
	p2 =	por !p2, p0  }
0x20: {  	[sflag:s8] =	ssyncset.s32 @!p0 $0xFFFFF086;
	s6 =	sadd.s32 @!p0 s3, s7;
	s7 =	simm.s32 @!p0 $0x108  }
0x21: {  	s3 =	sadd.s32 s3, s9;
	s6 =	sadd.s32 @!p0 $0x88, s6;
	s7 =	simm.s32 @p2 $0x1082  }
0x22: {  	[simem:s7], [sflag:s8] =	dma.local @!p0 [hbm:s6], $0xF7A  }
0x23: {  	s9 =	sor.u32 $0xD0000000, s2;
	s6 =	simm.s32 $0x108;
	_ =	swait.ge @!p0 [sflag:s8], $0x0  }
0x24: {  	s3 =	sadd.s32 $0x88, s3;
	s6 =	simm.s32 @!p1 $0x1082;
	[sflag:s4] =	ssyncset.s32 $0xFFFFF086  }
0x25: {  	[simem:s6], [sflag:s4] =	dma.local [hbm:s3], $0xF7A  }
0x26: {  	[smem:$0x3F88] =	sst s1;
	(tag) =	ssettag s2;
	_ =	strace s9  }
0x27: {  	s1 =	sld [smem:$0x3F98]  }
0x28: {  	s2 =	sld [smem:$0x3F99]  }
0x29: {  	s4 =	sld [smem:$0x3F9B]  }
0x2a: {  	p0 =	seq.s32 s5, $0x0;
	s5 =	sld [smem:$0x3F9C]  }
0x2b: {  	s6 =	sld [smem:$0x3F9D]  }
0x2c: {  	s7 =	sld [smem:$0x3F9E]  }
0x2d: {  	s3 =	simm.s32 $0x108;
	s8 =	sld [smem:$0x3F9F]  }
0x2e: {  	s3 =	simm.s32 @!p0 $0x1082;
	s9 =	sld [smem:$0x3FA0]  }
0x2f: {  	lr =	sadd.s32 s0, s3;
	s0 =	sld [smem:$0x3F97]  }
0x30: {  	s3 =	sld [smem:$0x3F9A]  }
0x31: {  	[smem:$0x3FA3] =	sst s10  }
0x32: {  	s10 =	sld [smem:$0x3FA1];
	_ =	sdelay $0x3  }
0x33: {  	p0 =	seq.s32 s10, $0x1;
	s10 =	sld [smem:$0x3FA3];
	_ =	sdelay $0x3  }
0x34: {  	[smem:$0x3FA3] =	sst s10  }
0x35: {  	s10 =	sld [smem:$0x3FA2];
	_ =	sdelay $0x3  }
0x36: {  	p1 =	seq.s32 s10, $0x1;
	s10 =	sld [smem:$0x3FA3];
	_ =	sdelay $0x3  }
0x37: {  	[smem:$0x3FA3] =	sst s10  }
0x38: {  	s10 =	sld [smem:$0x3FA4]  }
0x39: {  	_ = 	snop;
	(pc) =	sbr.ind lr, $3  }
0x3a: {  	_ = 	snop  }
0x3b: {  	_ = 	snop  }
0x3c: {  	p2 =	seq.s32 s10, $0x1;
	s10 =	sld [smem:$0x3FA3]  }
0x3d: {  	_ =	shalt  }
0x3e: {  	_ =	shalt  }
0x3f: {  	_ =	shalt  }
0x40: {  	_ =	shalt  }
0x41: {  	_ =	shalt  }
0x42: {  	_ =	shalt  }
0x43: {  	_ =	shalt  }
0x44: {  	_ =	shalt  }
0x45: {  	_ =	shalt  }
0x46: {  	_ =	shalt  }
0x47: {  	_ =	shalt  }
0x48: {  	_ =	shalt  }
0x49: {  	_ =	shalt  }
0x4a: {  	_ =	shalt  }
0x4b: {  	_ =	shalt  }
0x4c: {  	_ =	shalt  }
0x4d: {  	_ =	shalt  }
0x4e: {  	_ =	shalt  }
0x4f: {  	_ =	shalt  }
0x50: {  	_ =	shalt  }
0x51: {  	_ =	shalt  }
0x52: {  	_ =	shalt  }
0x53: {  	_ =	shalt  }
0x54: {  	_ =	shalt  }
0x55: {  	_ =	shalt  }
0x56: {  	_ =	shalt  }
0x57: {  	_ =	shalt  }
0x58: {  	_ =	shalt  }
0x59: {  	_ =	shalt  }
0x5a: {  	_ =	shalt  }
0x5b: {  	_ =	shalt  }
0x5c: {  	_ =	shalt  }
0x5d: {  	_ =	shalt  }
0x5e: {  	_ =	shalt  }
0x5f: {  	_ =	shalt  }
0x60: {  	_ =	shalt  }
0x61: {  	_ =	shalt  }
0x62: {  	_ =	shalt  }
0x63: {  	_ =	shalt  }
0x64: {  	_ =	shalt  }
0x65: {  	_ =	shalt  }
0x66: {  	_ =	shalt  }
0x67: {  	_ =	shalt  }
0x68: {  	_ =	shalt  }
0x69: {  	_ =	shalt  }
0x6a: {  	_ =	shalt  }
0x6b: {  	_ =	shalt  }
0x6c: {  	_ =	shalt  }
0x6d: {  	_ =	shalt  }
0x6e: {  	_ =	shalt  }
0x6f: {  	_ =	shalt  }
0x70: {  	_ =	shalt  }
0x71: {  	_ =	shalt  }
0x72: {  	_ =	shalt  }
0x73: {  	_ =	shalt  }
0x74: {  	_ =	shalt  }
0x75: {  	_ =	shalt  }
0x76: {  	_ =	shalt  }
0x77: {  	_ =	shalt  }
0x78: {  	_ =	shalt  }
0x79: {  	_ =	shalt  }
0x7a: {  	_ =	shalt  }
0x7b: {  	_ =	shalt  }
0x7c: {  	_ =	shalt  }
0x7d: {  	_ =	shalt  }
0x7e: {  	_ =	shalt  }
0x7f: {  	_ =	shalt  }
0x80: {  	_ =	shalt  }
0x81: {  	_ =	shalt  }
0x82: {  	_ =	shalt  }
0x83: {  	_ =	shalt  }
0x84: {  	_ =	shalt  }
0x85: {  	_ =	shalt  }
0x86: {  	_ =	shalt  }
0x87: {  	_ =	shalt  }
.Lfunc_end0:
.L_simem_size_0:
called_computation_lowered:
.L_overlay_start_0:
0x88: {  	s2 =	sld [smem:$0x3FD9]  }
0x89: {  	s3 =	sld [smem:$0x3FFE];
	_ =	sdelay $0x1  }
0x8a: {  	s1 =	srdreg.scid  }
0x8b: {  	s0 =	sand.u32 $0x1, s1  }
0x8c: {  	s16 =	sshll.u32 s0, $0xA;
	s2 =	sadd.s32 s3, s2  }
0x8d: {  	s2 =	sadd.s32 s2, s16  }
0x8e: {  	[smem:$0x3FAF] =	sst s2  }
0x8f: {  	_ = 	snop  }
0x90: {  	(tm) =	ssettm $0x1  }
0x91: {  	s17 =	sld [smem:$0x3FFB];
	_ =	sdelay $0x3  }
0x92: {  	_ =	strace s17  }
0x93: {  	s2 =	sld [smem:$0x3FFC];
	_ =	sdelay $0x3  }
0x94: {  	_ =	strace s2  }
0x95: {  	s2 =	sld [smem:$0x3FFD];
	_ =	sdelay $0x3  }
0x96: {  	_ =	strace s2  }
0x97: {  	_ =	strace $0x8FFFFFFF  }
0x98: {  	s18 =	sld [smem:$0x3FDB];
	_ =	sdelay $0x1  }
0x99: {  	s19 =	simm.s32 $_scs_section_size  }
0x9a: {  	s4 =	simm.s32 $_size__tile_overlayer_lowered;
	s5 =	simm.s32 $_tile_overlayer_lowered  }
0x9b: {  	s22 =	simm.s32 $0x1BFF;
	s21 =	sshll.u32 s5, $0x1;
	s2 =	sadd.s32 s19, s18  }
0x9c: {  	s6 =	simm.s32 $0x0;
	s20 =	sshll.u32 s4, $0x1;
	s4 =	sadd.s32 s21, s2  }
0x9d: {  	[timem:s6], [sflag:s22] =	dma.local [hbm:s4], s20  }
0x9e: {  	_ =	swait.ge [sflag:s22], s20  }
0x9f: {  	s3 =	ssub.s32 $0x0, s20;
	[sflag:s22] =	ssyncset.done $0x0  }
0xa0: {  	[sflag:s22] =	ssyncadd.s32 s3;
	_ =	sdelay $0x1  }
0xa1: {  	s23 =	simm.s32 $0x1B8B  }
0xa2: {  	_ =	swait.ge [sflag:s23], $0x1  }
0xa3: {  	[sflag:s23] =	ssyncset.done $0x0  }
0xa4: {  	s25 =	simm.s32 $0x1B8E;
	s24 =	sld [smem:$0x3FFE];
	[sflag:s23] =	ssyncadd.s32 $0xFFFFFFFF  }
0xa5: {  	s26 =	simm.s32 $execute0_lowered;
	[smem:$0x3FD2] =	sst s25  }
0xa6: {  	s4 =	sshll.u32 s26, $0x1;
	_ =	strace $0x80000046;
	[dreg:$0x1] =	wrdreg $0xFFFFFFFF  }
0xa7: {  	s28 =	simm.s32 $_size_execute0_lowered;
	s2 =	sadd.s32 s2, s4;
	[dreg:$0x0] =	wrdreg $0x0  }
0xa8: {  	s4 =	sshll.u32 s28, $0x1;
	[dreg:$0x2] =	wrdreg s2  }
0xa9: {  	[dreg:$0x3] =	wrdreg s4  }
0xaa: {  	[dreg:$0x4] =	wrdreg $0xC0  }
0xab: {  	_ =	task [dreg:s6], $0x5FFFF  }
0xac: {  	[dreg:$0x1] =	wrdreg $0xFFFFFFFF  }
0xad: {  	[dreg:$0x0] =	wrdreg $0x60  }
0xae: {  	[dreg:$0x2] =	wrdreg s24  }
0xaf: {  	[dreg:$0x3] =	wrdreg $0xB9800  }
0xb0: {  	[dreg:$0x4] =	wrdreg $0x9  }
0xb1: {  	_ =	task.clear_ibuf [dreg:s6], $0x5FFFF;
	_ =	strace $0x90000046  }
0xb2: {  	s29 =	simm.s32 $0x9;
	_ =	strace $0x80000048  }
0xb3: {  	_ =	swait.ge [sflag:s29], $0x1  }
0xb4: {  	[sflag:s29] =	ssyncadd.s32 $0xFFFFFFFF  }
0xb5: {  	_ =	strace $0x90000048  }
0xb6: {  	_ =	sfence  }
0xb7: {  	s30 =	sld [smem:$0x0];
	_ =	sdelay $0x2  }
0xb8: {  	s31 =	sshll.u32 s1, $0xD;
	s1 =	sshrl.u32 s1, $0x2  }
0xb9: {  	s3 =	sand.u32 $0x4000, s31;
	s1 =	sadd.s32 s1, s30  }
0xba: {  	s0 =	sor.u32 s3, s0;
	s1 =	sshll.u32 s1, $0x11  }
0xbb: {  	s0 =	sor.u32 s1, s0  }
0xbc: {  	s0 =	sadd.s32 $0x8F2B, s0  }
0xbd: {  	[sflag:s0] =	ssyncadd.remote.s32 $0x1  }
0xbe: {  	_ =	sfence.sel $0xFFFF  }
0xbf: {  	[dreg:$0x0] =	wrdreg $0xFFFFFFFF;
	(pc) =	sbr.abs _section_cstart, $3  }
0xc0: {  	[dreg:$0x1] =	wrdreg $0xFFFFFFFF  }
0xc1: {  	_ =	task.clear_ibuf [dreg:s6], $0x2FFFF;
	_ =	strace $0x9FFFFFFF  }
0xc2: {  	(tm) =	ssettm $0x7FFFFFFF  }
0xc3: {  	_ =	shalt  }
tec
execute0_lowered:
.L_overlay_start_1:
0x0: {  	(tag) =	ssettag $0x1  }
0x1: {  	s0 =	rddreg [dreg:$0x0]  }
0x2: {  	s2 =	rddreg [dreg:$0x1];
	s3 =	simm.s32 $0x0  }
0x3: {  	s1 =	srdreg.scid;
	s12 =	stileid.u32;
	s28 =	simm.s32 $0x1  }
0x4: {  	s29 =	simm.s32 $0x7;
	s30 =	simm.s32 $0x4100;
	s31 =	simm.s32 $0x4  }
0x5: {  	[smem:$0x7FF] =	sst s3;
	s1 =	sand.u32 $0x1, s1;
	s8 =	smul.u32 $0x14000, s12  }
0x6: {  	s4 =	sshll.u32 s12, $0x1;
	s10 =	sadd.s32 $0x4F200, s0;
	s25 =	smul.u32 $0x50000, s12  }
0x7: {  	s14 =	smul.u32 $0x4E20, s12;
	s15 =	sshll.u32 s12, $0x6;
	s12 =	simm.s32 $0x0  }
0x8: {  	_ =	strace $0x80000047;
	s6 =	sor.u32 s1, s4;
	s7 =	smul.u32 $0x140000, s1  }
0x9: {  	s4 =	sadd.s32 $0x28000, s0;
	[dreg:$0x3] =	wrdreg s10;
	s24 =	ssub.s32 $0x2, s1  }
0xa: {  	s1 =	smul.u32 $0x2710, s1;
	s10 =	simm.s32 $0x5;
	s5 =	sshll.u32 s6, $0xB  }
0xb: {  	s11 =	sshrl.u32 s24, $0x1;
	s6 =	smul.u32 $0x2710, s6;
	s13 =	sshrl.u32 s25, $0x2  }
0xc: {  	s9 =	sadd.s32 s5, s0;
	s5 =	sadd.s32 $0x4400, s0;
	s7 =	sadd.s32 s8, s7  }
0xd: {  	s26 =	ssub.s32 s24, s11;
	s8 =	sadd.s32 s13, s2;
	s13 =	sor.u32 $0x1C0A, s15  }
0xe: {  	s20 =	sadd.s32 s1, s14;
	s11 =	simm.s32 $0x6;
	s7 =	sshrl.u32 s7, $0x3  }
0xf: {  	s6 =	sshrl.u32 s6, $0x3;
	s17 =	sadd.s32 $0x18000, s9;
	s21 =	smax.u32 s26, $0x1  }
0x10: {  	s22 =	sadd.s32 $0x190, s20;
	s23 =	sadd.s32 $0x140, s20;
	[dreg:$0x5] =	wrdreg s17  }
0x11: {  	s9 =	simm.s32 $0x9;
	s16 =	sadd.s32 s5, s6;
	[dreg:$0x9] =	wrdreg s21  }
0x12: {  	s0 =	sadd.s32 s7, s0;
	s18 =	sadd.s32 $0xA, s16;
	[dreg:$0x4] =	wrdreg s16  }
0x13: {  	s1 =	sshrl.u32 s22, $0x3;
	s19 =	sadd.s32 $0x14, s16;
	[dreg:$0x6] =	wrdreg s18  }
0x14: {  	s6 =	sshrl.u32 s23, $0x3;
	s0 =	sadd.s32 $0x51A00, s0;
	[dreg:$0x7] =	wrdreg s19  }
0x15: {  	s21 =	simm.s32 $0x4000;
	s24 =	sadd.s32 $0x4CE, s16;
	[dreg:$0x8] =	wrdreg s0  }
0x16: {  	s22 =	simm.s32 $0x50;
	s25 =	sadd.s32 $0x4D8, s16;
	[dreg:$0xa] =	wrdreg s24  }
0x17: {  	s23 =	simm.s32 $0x4180;
	s1 =	sadd.s32 s1, s5;
	[dreg:$0xb] =	wrdreg s25  }
0x18: {  	s26 =	sadd.s32 s6, s5;
	s6 =	simm.s32 $0x3;
	[dreg:$0xc] =	wrdreg s1  }
0x19: {  	[dreg:$0xd] =	wrdreg s26;
	s18 =	sadd.s32 $0xF0, s20;
	s19 =	sshrl.u32 s8, $0x3  }
0x1a: {  	s20 =	simm.s32 $0xA;
	s24 =	simm.s32 $0x4080;
	s26 =	simm.s32 $0x6980  }
0x1b: {  	s0 =	simm.s32 $0x9180;
	s1 =	simm.s32 $0x2;
	s25 =	simm.s32 $0x8  }
.LBB2_1:
0x1c: {  	s7 =	rddreg [dreg:$0x3]  }
0x1d: {  	[spmem:s19], [sflag:s13] =	dma.local [hbm:s7], $0x2800  }
0x1e: {  	_ =	swait.ge [sflag:s20], $0x2800  }
0x1f: {  	[sflag:s20] =	ssyncset.done $0x0  }
0x20: {  	s16 =	rddreg [dreg:$0x5];
	[sflag:s20] =	ssyncadd.s32 $0xFFFFD800  }
0x21: {  	[tilespmem:s3], [sflag:$0xA] =	stream.linear.gather [hbm4b:s16+s3], $0x3E80, $0x38;
	[tilespmem:$0x1F980] =	vst v63  }
0x22: {  	_ =	swait.ge [sflag:s20], $0x3E80  }
0x23: {  	[sflag:s20] =	ssyncset.done $0x0  }
0x24: {  	[sflag:s20] =	ssyncadd.s32 $0xFFFFC180  }
0x25: {  	[bflag:$0x0] =	sbarrier.arrive $0xFFFF  }
0x26: {  	s8 =	rddreg [dreg:$0x4]  }
0x27: {  	[tilespmem:s21], [sflag:$0x7] =	stream.linear.gather [hbm4b:s8+s3], $0x50, $0x38;
	[tilespmem:$0x1F980] =	vst v63  }
0x28: {  	_ = 	snop  }
0x29: {  	[tilespmem:s23], [sflag:$0x1] =	stream.indirect.gather [hbm4b:s4+s22], $0x80, s3, s22, $0xb8;
	[tilespmem:$0x1F980] =	vst v63  }
0x2a: {  	s17 =	smov.u32 s13;
	s13 =	rddreg [dreg:$0x6]  }
0x2b: {  	[tilespmem:s24], [sflag:$0x8] =	stream.linear.gather [hbm4b:s13+s3], $0x50, $0x38;
	[tilespmem:$0x1F980] =	vst v63  }
0x2c: {  	s14 =	simm.s32 $0x80  }
0x2d: {  	[tilespmem:s26], [sflag:$0x2] =	stream.indirect.gather [hbm4b:s4+s22], $0x80, s14, s22, $0xb8;
	[tilespmem:$0x1F980] =	vst v63  }
0x2e: {  	_ =	swait.ge [sflag:s28], $0x2800  }
0x2f: {  	[sflag:s28] =	ssyncset.done $0x0  }
0x30: {  	[sflag:s28] =	ssyncadd.s32 $0xFFFFD800  }
0x31: {  	_ =	swait.ge [sflag:s29], $0x50  }
0x32: {  	[sflag:s29] =	ssyncset.done $0x0  }
0x33: {  	[sflag:s29] =	ssyncadd.s32 $0xFFFFFFB0  }
0x34: {  	[spmem:s2] =	stream.indirect.scatter.add.f32 [tilespmem:s23], [sflag:$0x4], $0x80, s21, s22, $0xb8;
	[tilespmem:$0x1F980] =	vst v63  }
0x35: {  	s15 =	rddreg [dreg:$0x7]  }
0x36: {  	[tilespmem:s30], [sflag:$0x9] =	stream.linear.gather [hbm4b:s15+s3], $0x50, $0x38;
	[tilespmem:$0x1F980] =	vst v63  }
0x37: {  	s16 =	simm.s32 $0x100  }
0x38: {  	[tilespmem:s0], [sflag:$0x3] =	stream.indirect.gather [hbm4b:s4+s22], $0x80, s16, s22, $0xb8;
	[tilespmem:$0x1F980] =	vst v63  }
0x39: {  	_ =	swait.ge [sflag:s1], $0x2800  }
0x3a: {  	[sflag:s1] =	ssyncset.done $0x0  }
0x3b: {  	[sflag:s1] =	ssyncadd.s32 $0xFFFFD800  }
0x3c: {  	_ =	swait.ge [sflag:s25], $0x50  }
0x3d: {  	[sflag:s25] =	ssyncset.done $0x0  }
0x3e: {  	[sflag:s25] =	ssyncadd.s32 $0xFFFFFFB0  }
0x3f: {  	[spmem:s2] =	stream.indirect.scatter.add.f32 [tilespmem:s26], [sflag:$0x5], $0x80, s24, s22, $0xb8;
	[tilespmem:$0x1F980] =	vst v63  }
0x40: {  	_ =	swait.ge [sflag:s31], $0x2800  }
0x41: {  	s8 =	sshrl.u32 s18, $0x3;
	[sflag:s31] =	ssyncset.done $0x0  }
0x42: {  	s7 =	sadd.s32 s5, s8;
	[sflag:s31] =	ssyncadd.s32 $0xFFFFD800  }
0x43: {  	[tilespmem:s21], [sflag:$0x7] =	stream.linear.gather [hbm4b:s7+s3], $0x50, $0x38;
	[tilespmem:$0x1F980] =	vst v63  }
0x44: {  	s13 =	simm.s32 $0x180  }
0x45: {  	[tilespmem:s23], [sflag:$0x1] =	stream.indirect.gather [hbm4b:s4+s22], $0x80, s13, s22, $0xb8;
	[tilespmem:$0x1F980] =	vst v63  }
0x46: {  	_ =	swait.ge [sflag:s6], $0x2800  }
0x47: {  	[sflag:s6] =	ssyncset.done $0x0  }
0x48: {  	[sflag:s6] =	ssyncadd.s32 $0xFFFFD800  }
0x49: {  	_ =	swait.ge [sflag:s9], $0x50  }
0x4a: {  	[sflag:s9] =	ssyncset.done $0x0  }
0x4b: {  	[sflag:s9] =	ssyncadd.s32 $0xFFFFFFB0  }
0x4c: {  	[spmem:s2] =	stream.indirect.scatter.add.f32 [tilespmem:s0], [sflag:$0x6], $0x80, s30, s22, $0xb8;
	[tilespmem:$0x1F980] =	vst v63  }
0x4d: {  	_ =	swait.ge [sflag:s10], $0x2800  }
0x4e: {  	[sflag:s10] =	ssyncset.done $0x0  }
0x4f: {  	s16 =	rddreg [dreg:$0xd];
	[sflag:s10] =	ssyncadd.s32 $0xFFFFD800  }
0x50: {  	[tilespmem:s24], [sflag:$0x8] =	stream.linear.gather [hbm4b:s16+s3], $0x50, $0x38;
	[tilespmem:$0x1F980] =	vst v63  }
0x51: {  	s14 =	simm.s32 $0x200  }
0x52: {  	[tilespmem:s26], [sflag:$0x2] =	stream.indirect.gather [hbm4b:s4+s22], $0x80, s14, s22, $0xb8;
	[tilespmem:$0x1F980] =	vst v63  }
0x53: {  	_ =	swait.ge [sflag:s28], $0x2800  }
0x54: {  	[sflag:s28] =	ssyncset.done $0x0  }
0x55: {  	[sflag:s28] =	ssyncadd.s32 $0xFFFFD800  }
0x56: {  	_ =	swait.ge [sflag:s29], $0x50  }
0x57: {  	[sflag:s29] =	ssyncset.done $0x0  }
0x58: {  	[sflag:s29] =	ssyncadd.s32 $0xFFFFFFB0  }
0x59: {  	[spmem:s2] =	stream.indirect.scatter.add.f32 [tilespmem:s23], [sflag:$0x4], $0x80, s21, s22, $0xb8;
	[tilespmem:$0x1F980] =	vst v63  }
0x5a: {  	_ =	swait.ge [sflag:s11], $0x2800  }
0x5b: {  	s8 =	simm.s32 $0x280;
	[sflag:s11] =	ssyncset.done $0x0  }
0x5c: {  	s13 =	simm.s32 $0x600;
	s15 =	rddreg [dreg:$0xc];
	[sflag:s11] =	ssyncadd.s32 $0xFFFFD800  }
0x5d: {  	[tilespmem:s30], [sflag:$0x9] =	stream.linear.gather [hbm4b:s15+s3], $0x50, $0x38;
	[tilespmem:$0x1F980] =	vst v63  }
0x5e: {  	s7 =	sadd.s32 $0x1E, s16;
	s14 =	sadd.s32 $0xF0, s18;
	s15 =	sadd.s32 $0x1E, s15  }
.LBB2_2:
0x5f: {  	[tilespmem:s0], [sflag:$0x3] =	stream.indirect.gather [hbm4b:s4+s22], $0x80, s8, s22, $0xb8;
	[tilespmem:$0x1F980] =	vst v63  }
0x60: {  	s8 =	smov.u32 s13  }
0x61: {  	p0 =	sne.s32 s13, $0xEA00;
	s13 =	sadd.s32 $0x600, s13;
	_ =	swait.ge [sflag:s1], $0x2800  }
0x62: {  	[sflag:s1] =	ssyncset.done $0x0  }
0x63: {  	[sflag:s1] =	ssyncadd.s32 $0xFFFFD800  }
0x64: {  	_ =	swait.ge [sflag:s25], $0x50  }
0x65: {  	[sflag:s25] =	ssyncset.done $0x0  }
0x66: {  	[sflag:s25] =	ssyncadd.s32 $0xFFFFFFB0  }
0x67: {  	[spmem:s2] =	stream.indirect.scatter.add.f32 [tilespmem:s26], [sflag:$0x5], $0x80, s24, s22, $0xb8;
	[tilespmem:$0x1F980] =	vst v63  }
0x68: {  	_ =	swait.ge [sflag:s31], $0x2800  }
0x69: {  	s16 =	sshrl.u32 s14, $0x3;
	[sflag:s31] =	ssyncset.done $0x0  }
0x6a: {  	s16 =	sadd.s32 s5, s16;
	s8 =	sshra.s32 s8, $0x2;
	[sflag:s31] =	ssyncadd.s32 $0xFFFFD800  }
0x6b: {  	[tilespmem:s21], [sflag:$0x7] =	stream.linear.gather [hbm4b:s16+s3], $0x50, $0x38;
	[tilespmem:$0x1F980] =	vst v63  }
0x6c: {  	s16 =	sadd.s32 $0x180, s8  }
0x6d: {  	[tilespmem:s23], [sflag:$0x1] =	stream.indirect.gather [hbm4b:s4+s22], $0x80, s16, s22, $0xb8;
	[tilespmem:$0x1F980] =	vst v63  }
0x6e: {  	_ =	swait.ge [sflag:s6], $0x2800  }
0x6f: {  	[sflag:s6] =	ssyncset.done $0x0  }
0x70: {  	[sflag:s6] =	ssyncadd.s32 $0xFFFFD800  }
0x71: {  	_ =	swait.ge [sflag:s9], $0x50  }
0x72: {  	[sflag:s9] =	ssyncset.done $0x0  }
0x73: {  	[sflag:s9] =	ssyncadd.s32 $0xFFFFFFB0  }
0x74: {  	[spmem:s2] =	stream.indirect.scatter.add.f32 [tilespmem:s0], [sflag:$0x6], $0x80, s30, s22, $0xb8;
	[tilespmem:$0x1F980] =	vst v63  }
0x75: {  	_ =	swait.ge [sflag:s10], $0x2800  }
0x76: {  	[sflag:s10] =	ssyncset.done $0x0  }
0x77: {  	[sflag:s10] =	ssyncadd.s32 $0xFFFFD800  }
0x78: {  	[tilespmem:s24], [sflag:$0x8] =	stream.linear.gather [hbm4b:s7+s3], $0x50, $0x38;
	[tilespmem:$0x1F980] =	vst v63  }
0x79: {  	s16 =	sadd.s32 $0x200, s8  }
0x7a: {  	[tilespmem:s26], [sflag:$0x2] =	stream.indirect.gather [hbm4b:s4+s22], $0x80, s16, s22, $0xb8;
	[tilespmem:$0x1F980] =	vst v63  }
0x7b: {  	_ =	swait.ge [sflag:s28], $0x2800  }
0x7c: {  	[sflag:s28] =	ssyncset.done $0x0  }
0x7d: {  	[sflag:s28] =	ssyncadd.s32 $0xFFFFD800  }
0x7e: {  	_ =	swait.ge [sflag:s29], $0x50  }
0x7f: {  	[sflag:s29] =	ssyncset.done $0x0  }
0x80: {  	[sflag:s29] =	ssyncadd.s32 $0xFFFFFFB0  }
0x81: {  	[spmem:s2] =	stream.indirect.scatter.add.f32 [tilespmem:s23], [sflag:$0x4], $0x80, s21, s22, $0xb8;
	[tilespmem:$0x1F980] =	vst v63  }
.Ltmp0:
0x82: {  	_ =	swait.ge [sflag:s11], $0x2800;
	(pc) =	sbr.rel @p0 .LBB2_2-.Ltmp0, $4  }
0x83: {  	[sflag:s11] =	ssyncset.done $0x0  }
0x84: {  	s14 =	sadd.s32 $0xF0, s14;
	[sflag:s11] =	ssyncadd.s32 $0xFFFFD800  }
0x85: {  	[tilespmem:s30], [sflag:$0x9] =	stream.linear.gather [hbm4b:s15+s3], $0x50, $0x38;
	[tilespmem:$0x1F980] =	vst v63  }
0x86: {  	s8 =	sadd.s32 $0x280, s8;
	s7 =	sadd.s32 $0x1E, s7;
	s15 =	sadd.s32 $0x1E, s15  }
0x87: {  	[tilespmem:s0], [sflag:$0x3] =	stream.indirect.gather [hbm4b:s4+s22], $0x80, s8, s22, $0xb8;
	[tilespmem:$0x1F980] =	vst v63  }
0x88: {  	_ =	swait.ge [sflag:s1], $0x2800  }
0x89: {  	[sflag:s1] =	ssyncset.done $0x0  }
0x8a: {  	[sflag:s1] =	ssyncadd.s32 $0xFFFFD800  }
0x8b: {  	_ =	swait.ge [sflag:s25], $0x50  }
0x8c: {  	[sflag:s25] =	ssyncset.done $0x0  }
0x8d: {  	[sflag:s25] =	ssyncadd.s32 $0xFFFFFFB0  }
0x8e: {  	[spmem:s2] =	stream.indirect.scatter.add.f32 [tilespmem:s26], [sflag:$0x5], $0x80, s24, s22, $0xb8;
	[tilespmem:$0x1F980] =	vst v63  }
0x8f: {  	_ =	swait.ge [sflag:s31], $0x2800  }
0x90: {  	[sflag:s31] =	ssyncset.done $0x0  }
0x91: {  	s7 =	rddreg [dreg:$0xa];
	[sflag:s31] =	ssyncadd.s32 $0xFFFFD800  }
0x92: {  	[tilespmem:s21], [sflag:$0x7] =	stream.linear.gather [hbm4b:s7+s3], $0x50, $0x38;
	[tilespmem:$0x1F980] =	vst v63  }
0x93: {  	s13 =	simm.s32 $0x3D80  }
0x94: {  	[tilespmem:s23], [sflag:$0x1] =	stream.indirect.gather [hbm4b:s4+s22], $0x80, s13, s22, $0xb8;
	[tilespmem:$0x1F980] =	vst v63  }
0x95: {  	_ =	swait.ge [sflag:s6], $0x2800  }
0x96: {  	[sflag:s6] =	ssyncset.done $0x0  }
0x97: {  	[sflag:s6] =	ssyncadd.s32 $0xFFFFD800  }
0x98: {  	_ =	swait.ge [sflag:s9], $0x50  }
0x99: {  	[sflag:s9] =	ssyncset.done $0x0  }
0x9a: {  	[sflag:s9] =	ssyncadd.s32 $0xFFFFFFB0  }
0x9b: {  	[spmem:s2] =	stream.indirect.scatter.add.f32 [tilespmem:s0], [sflag:$0x6], $0x80, s30, s22, $0xb8;
	[tilespmem:$0x1F980] =	vst v63  }
0x9c: {  	_ =	swait.ge [sflag:s10], $0x2800  }
0x9d: {  	[sflag:s10] =	ssyncset.done $0x0  }
0x9e: {  	s14 =	rddreg [dreg:$0xb];
	[sflag:s10] =	ssyncadd.s32 $0xFFFFD800  }
0x9f: {  	[tilespmem:s24], [sflag:$0x8] =	stream.linear.gather [hbm4b:s14+s3], $0x50, $0x38;
	[tilespmem:$0x1F980] =	vst v63  }
0xa0: {  	s15 =	simm.s32 $0x3E00  }
0xa1: {  	[tilespmem:s26], [sflag:$0x2] =	stream.indirect.gather [hbm4b:s4+s22], $0x80, s15, s22, $0xb8;
	[tilespmem:$0x1F980] =	vst v63  }
0xa2: {  	_ =	swait.ge [sflag:s28], $0x2800  }
0xa3: {  	[sflag:s28] =	ssyncset.done $0x0  }
0xa4: {  	[sflag:s28] =	ssyncadd.s32 $0xFFFFD800  }
0xa5: {  	_ =	swait.ge [sflag:s29], $0x50  }
0xa6: {  	[sflag:s29] =	ssyncset.done $0x0  }
0xa7: {  	[sflag:s29] =	ssyncadd.s32 $0xFFFFFFB0  }
0xa8: {  	[spmem:s2] =	stream.indirect.scatter.add.f32 [tilespmem:s23], [sflag:$0x4], $0x80, s21, s22, $0xb8;
	[tilespmem:$0x1F980] =	vst v63  }
0xa9: {  	_ =	swait.ge [sflag:s1], $0x2800  }
0xaa: {  	[sflag:s1] =	ssyncset.done $0x0  }
0xab: {  	[sflag:s1] =	ssyncadd.s32 $0xFFFFD800  }
0xac: {  	_ =	swait.ge [sflag:s25], $0x50  }
0xad: {  	[sflag:s25] =	ssyncset.done $0x0  }
0xae: {  	[sflag:s25] =	ssyncadd.s32 $0xFFFFFFB0  }
0xaf: {  	[spmem:s2] =	stream.indirect.scatter.add.f32 [tilespmem:s26], [sflag:$0x5], $0x80, s24, s22, $0xb8;
	[tilespmem:$0x1F980] =	vst v63  }
0xb0: {  	_ =	swait.ge [sflag:s31], $0x2800  }
0xb1: {  	[sflag:s31] =	ssyncset.done $0x0  }
0xb2: {  	[sflag:s31] =	ssyncadd.s32 $0xFFFFD800  }
0xb3: {  	_ =	swait.ge [sflag:s10], $0x2800  }
0xb4: {  	[sflag:s10] =	ssyncset.done $0x0  }
0xb5: {  	[sflag:s10] =	ssyncadd.s32 $0xFFFFD800  }
0xb6: {  	_ =	swait.ge [sflag:s11], $0x2800  }
0xb7: {  	[sflag:s11] =	ssyncset.done $0x0  }
0xb8: {  	[sflag:s11] =	ssyncadd.s32 $0xFFFFD800  }
0xb9: {  	[bflag:$0x0] =	sbarrier.arrive $0xFFFF  }
0xba: {  	s16 =	rddreg [dreg:$0x8]  }
0xbb: {  	[hbm:s16], [sflag:s17] =	dma.local [spmem:s19], $0x2800  }
0xbc: {  	_ =	swait.ge [sflag:s20], $0x2800  }
0xbd: {  	s12 =	sadd.s32 $0x1, s12;
	s13 =	smov.u32 s17;
	s17 =	rddreg [dreg:$0x9]  }
0xbe: {  	p0 =	sne.s32 s12, s17  }
.Ltmp1:
0xbf: {  	_ = 	snop;
	(pc) =	sbr.rel @p0 .LBB2_1-.Ltmp1, $3  }
0xc0: {  	_ =	sdelay $0x1  }
0xc1: {  	[sflag:s20] =	ssyncset.done $0x0  }
0xc2: {  	[sflag:s20] =	ssyncadd.s32 $0xFFFFD800  }
0xc3: {  	_ =	sfence.sel $0x180000  }
0xc4: {  	[bflag:$0x0] =	sbarrier.arrive $0xFFFF  }
0xc5: {  	_ =	strace $0x90000047  }
0xc6: {  	s0 =	stileid.u32;
	[bflag:$0x2] =	sbarrier.arrive $0xFFFF  }
0xc7: {  	p0 =	sne.s32 s0, $0x0;
	s0 =	rddreg [dreg:$0x2]  }
0xc8: {  	s0 =	sadd.s32 @!p0 $0x100000, s0  }
0xc9: {  	[sflag:s0] =	ssyncadd.tile.s32 @!p0 $0x1;
	_ =	shalt  }
.Lfunc_end2:
_tile_overlayer_lowered:
.L_overlay_start_2:
0xca: {  	(tag) =	ssettag $0x2  }
0xcb: {  	s0 =	rddreg [dreg:$0x0];
	s2 =	stileid.u32  }
0xcc: {  	s1 =	rddreg [dreg:$0x1];
	p0 =	sne.s32 s2, $0x0  }
0xcd: {  	s3 =	rddreg [dreg:$0x2];
	[bflag:$0x3] =	sbarrier.arrive $0xFFFF;
	s2 =	simm.s32 @!p0 $0x1C0A  }
0xce: {  	[timem:s3], [sflag:s2] =	dma.local @!p0 [hbm:s0], s1  }
0xcf: {  	s0 =	simm.s32 @!p0 $0xA  }
0xd0: {  	_ =	swait.ge @!p0 [sflag:s0], s1  }
0xd1: {  	s1 =	ssub.s32 @!p0 $0x0, s1;
	[sflag:s0] =	ssyncset.done @!p0 $0x0  }
0xd2: {  	[sflag:s0] =	ssyncadd.s32 @!p0 s1  }
0xd3: {  	[bflag:$0x3] =	sbarrier.arrive $0xFFFF  }
0xd4: {  	_ =	shalt  }

// kernel: kernel.14.cloned.1.call-start
scs
__scs_entry_jumppad:
0x0: {  	(pc) =	sbr.rel $0x88, $3  }
0x1: {  	(tag) =	ssettag $0x0;
	lr =	simm.s32 $0x1  }
0x2: {  	[smem:$0x3F88] =	sst lr;
	_ =	strace $0xD0000000  }
0x3: {  	_ = 	snop  }
0x4: {  	_ = 	snop  }
0x5: {  	_ = 	snop  }
0x6: {  	_ = 	snop  }
0x7: {  	_ = 	snop  }
__scs_overlays_trampoline_lowered:
0x8: {  	[smem:$0x3F97] =	sst s0  }
0x9: {  	[smem:$0x3F98] =	sst s1  }
0xa: {  	[smem:$0x3F99] =	sst s2  }
0xb: {  	[smem:$0x3F9A] =	sst s3  }
0xc: {  	[smem:$0x3F9B] =	sst s4  }
0xd: {  	[smem:$0x3F9C] =	sst s5  }
0xe: {  	[smem:$0x3F9D] =	sst s6  }
0xf: {  	[smem:$0x3F9E] =	sst s7  }
0x10: {  	[smem:$0x3F9F] =	sst s8  }
0x11: {  	[smem:$0x3FA0] =	sst s9;
	s0 =	simm.s32 @!p0 $0x0  }
0x12: {  	s1 =	sld [smem:$0x3F86];
	s0 =	simm.s32 @p0 $0x1  }
0x13: {  	[smem:$0x3FA1] =	sst s0;
	s0 =	simm.s32 @!p1 $0x0  }
0x14: {  	s2 =	sld [smem:$0x3F85];
	s0 =	simm.s32 @p1 $0x1  }
0x15: {  	[smem:$0x3FA2] =	sst s0;
	s0 =	simm.s32 @!p2 $0x0  }
0x16: {  	s3 =	sld [smem:$0x3FDB];
	s0 =	simm.s32 @p2 $0x1  }
0x17: {  	s4 =	simm.s32 $0x1BF5;
	[smem:$0x3FA4] =	sst s0  }
0x18: {  	s0 =	sld [smem:$0x3F87];
	_ =	swait.ge [sflag:s4], $0x0  }
0x19: {  	s7 =	sld [smem:$0x3F88]  }
0x1a: {  	s8 =	sadd.s32 $0xFFFFE003, lr  }
0x1b: {  	s9 =	sadd.s32 $0xFFFFFEF7, lr;
	s5 =	simm.s32 $0xFFFFFFFF;
	p2 =	slt.u32 s8, $0xFFFFF086  }
0x1c: {  	p1 =	slt.u32 s9, $0xF7A;
	s5 =	simm.s32 @!p2 $0x0  }
0x1d: {  	s5 =	simm.s32 @p1 $0x1;
	p0 =	seq.s32 s7, s2  }
0x1e: {  	s7 =	smul.u32 @!p0 $0xF7A, s2;
	p2 =	seq.s32 @!p0 s5, $0x0  }
0x1f: {  	s9 =	smul.u32 $0xF7A, s1;
	s8 =	simm.s32 @!p0 $0x1BF5;
	p2 =	por !p2, p0  }
0x20: {  	[sflag:s8] =	ssyncset.s32 @!p0 $0xFFFFF086;
	s6 =	sadd.s32 @!p0 s3, s7;
	s7 =	simm.s32 @!p0 $0x108  }
0x21: {  	s3 =	sadd.s32 s3, s9;
	s6 =	sadd.s32 @!p0 $0x88, s6;
	s7 =	simm.s32 @p2 $0x1082  }
0x22: {  	[simem:s7], [sflag:s8] =	dma.local @!p0 [hbm:s6], $0xF7A  }
0x23: {  	s9 =	sor.u32 $0xD0000000, s2;
	s6 =	simm.s32 $0x108;
	_ =	swait.ge @!p0 [sflag:s8], $0x0  }
0x24: {  	s3 =	sadd.s32 $0x88, s3;
	s6 =	simm.s32 @!p1 $0x1082;
	[sflag:s4] =	ssyncset.s32 $0xFFFFF086  }
0x25: {  	[simem:s6], [sflag:s4] =	dma.local [hbm:s3], $0xF7A  }
0x26: {  	[smem:$0x3F88] =	sst s1;
	(tag) =	ssettag s2;
	_ =	strace s9  }
0x27: {  	s1 =	sld [smem:$0x3F98]  }
0x28: {  	s2 =	sld [smem:$0x3F99]  }
0x29: {  	s4 =	sld [smem:$0x3F9B]  }
0x2a: {  	p0 =	seq.s32 s5, $0x0;
	s5 =	sld [smem:$0x3F9C]  }
0x2b: {  	s6 =	sld [smem:$0x3F9D]  }
0x2c: {  	s7 =	sld [smem:$0x3F9E]  }
0x2d: {  	s3 =	simm.s32 $0x108;
	s8 =	sld [smem:$0x3F9F]  }
0x2e: {  	s3 =	simm.s32 @!p0 $0x1082;
	s9 =	sld [smem:$0x3FA0]  }
0x2f: {  	lr =	sadd.s32 s0, s3;
	s0 =	sld [smem:$0x3F97]  }
0x30: {  	s3 =	sld [smem:$0x3F9A]  }
0x31: {  	[smem:$0x3FA3] =	sst s10  }
0x32: {  	s10 =	sld [smem:$0x3FA1];
	_ =	sdelay $0x3  }
0x33: {  	p0 =	seq.s32 s10, $0x1;
	s10 =	sld [smem:$0x3FA3];
	_ =	sdelay $0x3  }
0x34: {  	[smem:$0x3FA3] =	sst s10  }
0x35: {  	s10 =	sld [smem:$0x3FA2];
	_ =	sdelay $0x3  }
0x36: {  	p1 =	seq.s32 s10, $0x1;
	s10 =	sld [smem:$0x3FA3];
	_ =	sdelay $0x3  }
0x37: {  	[smem:$0x3FA3] =	sst s10  }
0x38: {  	s10 =	sld [smem:$0x3FA4]  }
0x39: {  	_ = 	snop;
	(pc) =	sbr.ind lr, $3  }
0x3a: {  	_ = 	snop  }
0x3b: {  	_ = 	snop  }
0x3c: {  	p2 =	seq.s32 s10, $0x1;
	s10 =	sld [smem:$0x3FA3]  }
0x3d: {  	_ =	shalt  }
0x3e: {  	_ =	shalt  }
0x3f: {  	_ =	shalt  }
0x40: {  	_ =	shalt  }
0x41: {  	_ =	shalt  }
0x42: {  	_ =	shalt  }
0x43: {  	_ =	shalt  }
0x44: {  	_ =	shalt  }
0x45: {  	_ =	shalt  }
0x46: {  	_ =	shalt  }
0x47: {  	_ =	shalt  }
0x48: {  	_ =	shalt  }
0x49: {  	_ =	shalt  }
0x4a: {  	_ =	shalt  }
0x4b: {  	_ =	shalt  }
0x4c: {  	_ =	shalt  }
0x4d: {  	_ =	shalt  }
0x4e: {  	_ =	shalt  }
0x4f: {  	_ =	shalt  }
0x50: {  	_ =	shalt  }
0x51: {  	_ =	shalt  }
0x52: {  	_ =	shalt  }
0x53: {  	_ =	shalt  }
0x54: {  	_ =	shalt  }
0x55: {  	_ =	shalt  }
0x56: {  	_ =	shalt  }
0x57: {  	_ =	shalt  }
0x58: {  	_ =	shalt  }
0x59: {  	_ =	shalt  }
0x5a: {  	_ =	shalt  }
0x5b: {  	_ =	shalt  }
0x5c: {  	_ =	shalt  }
0x5d: {  	_ =	shalt  }
0x5e: {  	_ =	shalt  }
0x5f: {  	_ =	shalt  }
0x60: {  	_ =	shalt  }
0x61: {  	_ =	shalt  }
0x62: {  	_ =	shalt  }
0x63: {  	_ =	shalt  }
0x64: {  	_ =	shalt  }
0x65: {  	_ =	shalt  }
0x66: {  	_ =	shalt  }
0x67: {  	_ =	shalt  }
0x68: {  	_ =	shalt  }
0x69: {  	_ =	shalt  }
0x6a: {  	_ =	shalt  }
0x6b: {  	_ =	shalt  }
0x6c: {  	_ =	shalt  }
0x6d: {  	_ =	shalt  }
0x6e: {  	_ =	shalt  }
0x6f: {  	_ =	shalt  }
0x70: {  	_ =	shalt  }
0x71: {  	_ =	shalt  }
0x72: {  	_ =	shalt  }
0x73: {  	_ =	shalt  }
0x74: {  	_ =	shalt  }
0x75: {  	_ =	shalt  }
0x76: {  	_ =	shalt  }
0x77: {  	_ =	shalt  }
0x78: {  	_ =	shalt  }
0x79: {  	_ =	shalt  }
0x7a: {  	_ =	shalt  }
0x7b: {  	_ =	shalt  }
0x7c: {  	_ =	shalt  }
0x7d: {  	_ =	shalt  }
0x7e: {  	_ =	shalt  }
0x7f: {  	_ =	shalt  }
0x80: {  	_ =	shalt  }
0x81: {  	_ =	shalt  }
0x82: {  	_ =	shalt  }
0x83: {  	_ =	shalt  }
0x84: {  	_ =	shalt  }
0x85: {  	_ =	shalt  }
0x86: {  	_ =	shalt  }
0x87: {  	_ =	shalt  }
.Lfunc_end0:
.L_simem_size_0:
called_computation.1_lowered:
.L_overlay_start_0:
0x88: {  	s2 =	sld [smem:$0x3FD9]  }
0x89: {  	s3 =	sld [smem:$0x3FFE];
	_ =	sdelay $0x1  }
0x8a: {  	s1 =	srdreg.scid  }
0x8b: {  	s0 =	sand.u32 $0x1, s1  }
0x8c: {  	s16 =	sshll.u32 s0, $0xA;
	s2 =	sadd.s32 s3, s2  }
0x8d: {  	s2 =	sadd.s32 s2, s16  }
0x8e: {  	[smem:$0x3FAF] =	sst s2  }
0x8f: {  	_ = 	snop  }
0x90: {  	(tm) =	ssettm $0x1  }
0x91: {  	s17 =	sld [smem:$0x3FFB];
	_ =	sdelay $0x3  }
0x92: {  	_ =	strace s17  }
0x93: {  	s2 =	sld [smem:$0x3FFC];
	_ =	sdelay $0x3  }
0x94: {  	_ =	strace s2  }
0x95: {  	s2 =	sld [smem:$0x3FFD];
	_ =	sdelay $0x3  }
0x96: {  	_ =	strace s2  }
0x97: {  	_ =	strace $0x8FFFFFFF  }
0x98: {  	s18 =	sld [smem:$0x3FDB];
	_ =	sdelay $0x1  }
0x99: {  	s19 =	simm.s32 $_scs_section_size  }
0x9a: {  	s4 =	simm.s32 $_size__tile_overlayer_lowered;
	s5 =	simm.s32 $_tile_overlayer_lowered  }
0x9b: {  	s22 =	simm.s32 $0x1BFF;
	s21 =	sshll.u32 s5, $0x1;
	s2 =	sadd.s32 s19, s18  }
0x9c: {  	s6 =	simm.s32 $0x0;
	s20 =	sshll.u32 s4, $0x1;
	s4 =	sadd.s32 s21, s2  }
0x9d: {  	[timem:s6], [sflag:s22] =	dma.local [hbm:s4], s20  }
0x9e: {  	_ =	swait.ge [sflag:s22], s20  }
0x9f: {  	s3 =	ssub.s32 $0x0, s20;
	[sflag:s22] =	ssyncset.done $0x0  }
0xa0: {  	[sflag:s22] =	ssyncadd.s32 s3;
	_ =	sdelay $0x1  }
0xa1: {  	s23 =	simm.s32 $0x1B8B  }
0xa2: {  	_ =	swait.ge [sflag:s23], $0x1  }
0xa3: {  	[sflag:s23] =	ssyncset.done $0x0  }
0xa4: {  	s25 =	simm.s32 $0x1B8E;
	s24 =	sld [smem:$0x3FFE];
	[sflag:s23] =	ssyncadd.s32 $0xFFFFFFFF  }
0xa5: {  	s26 =	simm.s32 $execute0_lowered;
	[smem:$0x3FD2] =	sst s25  }
0xa6: {  	s4 =	sshll.u32 s26, $0x1;
	_ =	strace $0x80000049;
	[dreg:$0x1] =	wrdreg $0xFFFFFFFF  }
0xa7: {  	s28 =	simm.s32 $_size_execute0_lowered;
	s2 =	sadd.s32 s2, s4;
	[dreg:$0x0] =	wrdreg $0x0  }
0xa8: {  	s4 =	sshll.u32 s28, $0x1;
	[dreg:$0x2] =	wrdreg s2  }
0xa9: {  	[dreg:$0x3] =	wrdreg s4  }
0xaa: {  	[dreg:$0x4] =	wrdreg $0xC0  }
0xab: {  	_ =	task [dreg:s6], $0x5FFFF  }
0xac: {  	[dreg:$0x1] =	wrdreg $0xFFFFFFFF  }
0xad: {  	[dreg:$0x0] =	wrdreg $0x60  }
0xae: {  	[dreg:$0x2] =	wrdreg s24  }
0xaf: {  	[dreg:$0x3] =	wrdreg $0xB9800  }
0xb0: {  	[dreg:$0x4] =	wrdreg $0x9  }
0xb1: {  	_ =	task.clear_ibuf [dreg:s6], $0x5FFFF;
	_ =	strace $0x90000049  }
0xb2: {  	s29 =	simm.s32 $0x9;
	_ =	strace $0x8000004B  }
0xb3: {  	_ =	swait.ge [sflag:s29], $0x1  }
0xb4: {  	[sflag:s29] =	ssyncadd.s32 $0xFFFFFFFF  }
0xb5: {  	_ =	strace $0x9000004B  }
0xb6: {  	_ =	sfence  }
0xb7: {  	s30 =	sld [smem:$0x0];
	_ =	sdelay $0x2  }
0xb8: {  	s31 =	sshll.u32 s1, $0xD;
	s1 =	sshrl.u32 s1, $0x2  }
0xb9: {  	s3 =	sand.u32 $0x4000, s31;
	s1 =	sadd.s32 s1, s30  }
0xba: {  	s0 =	sor.u32 s3, s0;
	s1 =	sshll.u32 s1, $0x11  }
0xbb: {  	s0 =	sor.u32 s1, s0  }
0xbc: {  	s0 =	sadd.s32 $0x8F2B, s0  }
0xbd: {  	[sflag:s0] =	ssyncadd.remote.s32 $0x1  }
0xbe: {  	_ =	sfence.sel $0xFFFF  }
0xbf: {  	[dreg:$0x0] =	wrdreg $0xFFFFFFFF;
	(pc) =	sbr.abs _section_cstart, $3  }
0xc0: {  	[dreg:$0x1] =	wrdreg $0xFFFFFFFF  }
0xc1: {  	_ =	task.clear_ibuf [dreg:s6], $0x2FFFF;
	_ =	strace $0x9FFFFFFF  }
0xc2: {  	(tm) =	ssettm $0x7FFFFFFF  }
0xc3: {  	_ =	shalt  }
tec
execute0_lowered:
.L_overlay_start_1:
0x0: {  	(tag) =	ssettag $0x1  }
0x1: {  	s0 =	rddreg [dreg:$0x0]  }
0x2: {  	s2 =	rddreg [dreg:$0x1];
	s3 =	simm.s32 $0x0  }
0x3: {  	s1 =	srdreg.scid;
	s12 =	stileid.u32;
	s28 =	simm.s32 $0x1  }
0x4: {  	s29 =	simm.s32 $0x7;
	s30 =	simm.s32 $0x4100;
	s31 =	simm.s32 $0x4  }
0x5: {  	[smem:$0x7FF] =	sst s3;
	s1 =	sand.u32 $0x1, s1;
	s8 =	smul.u32 $0x14000, s12  }
0x6: {  	s4 =	sshll.u32 s12, $0x1;
	s10 =	sadd.s32 $0x4F200, s0;
	s25 =	smul.u32 $0x50000, s12  }
0x7: {  	s14 =	smul.u32 $0x4E20, s12;
	s15 =	sshll.u32 s12, $0x6;
	s12 =	simm.s32 $0x0  }
0x8: {  	_ =	strace $0x8000004A;
	s6 =	sor.u32 s1, s4;
	s7 =	smul.u32 $0x140000, s1  }
0x9: {  	s4 =	sadd.s32 $0x28000, s0;
	[dreg:$0x3] =	wrdreg s10;
	s24 =	ssub.s32 $0x2, s1  }
0xa: {  	s1 =	smul.u32 $0x2710, s1;
	s10 =	simm.s32 $0x5;
	s5 =	sshll.u32 s6, $0xB  }
0xb: {  	s11 =	sshrl.u32 s24, $0x1;
	s6 =	smul.u32 $0x2710, s6;
	s13 =	sshrl.u32 s25, $0x2  }
0xc: {  	s9 =	sadd.s32 s5, s0;
	s5 =	sadd.s32 $0x4400, s0;
	s7 =	sadd.s32 s8, s7  }
0xd: {  	s26 =	ssub.s32 s24, s11;
	s8 =	sadd.s32 s13, s2;
	s13 =	sor.u32 $0x1C0A, s15  }
0xe: {  	s20 =	sadd.s32 s1, s14;
	s11 =	simm.s32 $0x6;
	s7 =	sshrl.u32 s7, $0x3  }
0xf: {  	s6 =	sshrl.u32 s6, $0x3;
	s17 =	sadd.s32 $0x18000, s9;
	s21 =	smax.u32 s26, $0x1  }
0x10: {  	s22 =	sadd.s32 $0x190, s20;
	s23 =	sadd.s32 $0x140, s20;
	[dreg:$0x5] =	wrdreg s17  }
0x11: {  	s9 =	simm.s32 $0x9;
	s16 =	sadd.s32 s5, s6;
	[dreg:$0x9] =	wrdreg s21  }
0x12: {  	s0 =	sadd.s32 s7, s0;
	s18 =	sadd.s32 $0xA, s16;
	[dreg:$0x4] =	wrdreg s16  }
0x13: {  	s1 =	sshrl.u32 s22, $0x3;
	s19 =	sadd.s32 $0x14, s16;
	[dreg:$0x6] =	wrdreg s18  }
0x14: {  	s6 =	sshrl.u32 s23, $0x3;
	s0 =	sadd.s32 $0x51A00, s0;
	[dreg:$0x7] =	wrdreg s19  }
0x15: {  	s21 =	simm.s32 $0x4000;
	s24 =	sadd.s32 $0x4CE, s16;
	[dreg:$0x8] =	wrdreg s0  }
0x16: {  	s22 =	simm.s32 $0x50;
	s25 =	sadd.s32 $0x4D8, s16;
	[dreg:$0xa] =	wrdreg s24  }
0x17: {  	s23 =	simm.s32 $0x4180;
	s1 =	sadd.s32 s1, s5;
	[dreg:$0xb] =	wrdreg s25  }
0x18: {  	s26 =	sadd.s32 s6, s5;
	s6 =	simm.s32 $0x3;
	[dreg:$0xc] =	wrdreg s1  }
0x19: {  	[dreg:$0xd] =	wrdreg s26;
	s18 =	sadd.s32 $0xF0, s20;
	s19 =	sshrl.u32 s8, $0x3  }
0x1a: {  	s20 =	simm.s32 $0xA;
	s24 =	simm.s32 $0x4080;
	s26 =	simm.s32 $0x6980  }
0x1b: {  	s0 =	simm.s32 $0x9180;
	s1 =	simm.s32 $0x2;
	s25 =	simm.s32 $0x8  }
.LBB2_1:
0x1c: {  	s7 =	rddreg [dreg:$0x3]  }
0x1d: {  	[spmem:s19], [sflag:s13] =	dma.local [hbm:s7], $0x2800  }
0x1e: {  	_ =	swait.ge [sflag:s20], $0x2800  }
0x1f: {  	[sflag:s20] =	ssyncset.done $0x0  }
0x20: {  	s16 =	rddreg [dreg:$0x5];
	[sflag:s20] =	ssyncadd.s32 $0xFFFFD800  }
0x21: {  	[tilespmem:s3], [sflag:$0xA] =	stream.linear.gather [hbm4b:s16+s3], $0x3E80, $0x38;
	[tilespmem:$0x1F980] =	vst v63  }
0x22: {  	_ =	swait.ge [sflag:s20], $0x3E80  }
0x23: {  	[sflag:s20] =	ssyncset.done $0x0  }
0x24: {  	[sflag:s20] =	ssyncadd.s32 $0xFFFFC180  }
0x25: {  	[bflag:$0x0] =	sbarrier.arrive $0xFFFF  }
0x26: {  	s8 =	rddreg [dreg:$0x4]  }
0x27: {  	[tilespmem:s21], [sflag:$0x7] =	stream.linear.gather [hbm4b:s8+s3], $0x50, $0x38;
	[tilespmem:$0x1F980] =	vst v63  }
0x28: {  	_ = 	snop  }
0x29: {  	[tilespmem:s23], [sflag:$0x1] =	stream.indirect.gather [hbm4b:s4+s22], $0x80, s3, s22, $0xb8;
	[tilespmem:$0x1F980] =	vst v63  }
0x2a: {  	s17 =	smov.u32 s13;
	s13 =	rddreg [dreg:$0x6]  }
0x2b: {  	[tilespmem:s24], [sflag:$0x8] =	stream.linear.gather [hbm4b:s13+s3], $0x50, $0x38;
	[tilespmem:$0x1F980] =	vst v63  }
0x2c: {  	s14 =	simm.s32 $0x80  }
0x2d: {  	[tilespmem:s26], [sflag:$0x2] =	stream.indirect.gather [hbm4b:s4+s22], $0x80, s14, s22, $0xb8;
	[tilespmem:$0x1F980] =	vst v63  }
0x2e: {  	_ =	swait.ge [sflag:s28], $0x2800  }
0x2f: {  	[sflag:s28] =	ssyncset.done $0x0  }
0x30: {  	[sflag:s28] =	ssyncadd.s32 $0xFFFFD800  }
0x31: {  	_ =	swait.ge [sflag:s29], $0x50  }
0x32: {  	[sflag:s29] =	ssyncset.done $0x0  }
0x33: {  	[sflag:s29] =	ssyncadd.s32 $0xFFFFFFB0  }
0x34: {  	[spmem:s2] =	stream.indirect.scatter.add.f32 [tilespmem:s23], [sflag:$0x4], $0x80, s21, s22, $0xb8;
	[tilespmem:$0x1F980] =	vst v63  }
0x35: {  	s15 =	rddreg [dreg:$0x7]  }
0x36: {  	[tilespmem:s30], [sflag:$0x9] =	stream.linear.gather [hbm4b:s15+s3], $0x50, $0x38;
	[tilespmem:$0x1F980] =	vst v63  }
0x37: {  	s16 =	simm.s32 $0x100  }
0x38: {  	[tilespmem:s0], [sflag:$0x3] =	stream.indirect.gather [hbm4b:s4+s22], $0x80, s16, s22, $0xb8;
	[tilespmem:$0x1F980] =	vst v63  }
0x39: {  	_ =	swait.ge [sflag:s1], $0x2800  }
0x3a: {  	[sflag:s1] =	ssyncset.done $0x0  }
0x3b: {  	[sflag:s1] =	ssyncadd.s32 $0xFFFFD800  }
0x3c: {  	_ =	swait.ge [sflag:s25], $0x50  }
0x3d: {  	[sflag:s25] =	ssyncset.done $0x0  }
0x3e: {  	[sflag:s25] =	ssyncadd.s32 $0xFFFFFFB0  }
0x3f: {  	[spmem:s2] =	stream.indirect.scatter.add.f32 [tilespmem:s26], [sflag:$0x5], $0x80, s24, s22, $0xb8;
	[tilespmem:$0x1F980] =	vst v63  }
0x40: {  	_ =	swait.ge [sflag:s31], $0x2800  }
0x41: {  	s8 =	sshrl.u32 s18, $0x3;
	[sflag:s31] =	ssyncset.done $0x0  }
0x42: {  	s7 =	sadd.s32 s5, s8;
	[sflag:s31] =	ssyncadd.s32 $0xFFFFD800  }
0x43: {  	[tilespmem:s21], [sflag:$0x7] =	stream.linear.gather [hbm4b:s7+s3], $0x50, $0x38;
	[tilespmem:$0x1F980] =	vst v63  }
0x44: {  	s13 =	simm.s32 $0x180  }
0x45: {  	[tilespmem:s23], [sflag:$0x1] =	stream.indirect.gather [hbm4b:s4+s22], $0x80, s13, s22, $0xb8;
	[tilespmem:$0x1F980] =	vst v63  }
0x46: {  	_ =	swait.ge [sflag:s6], $0x2800  }
0x47: {  	[sflag:s6] =	ssyncset.done $0x0  }
0x48: {  	[sflag:s6] =	ssyncadd.s32 $0xFFFFD800  }
0x49: {  	_ =	swait.ge [sflag:s9], $0x50  }
0x4a: {  	[sflag:s9] =	ssyncset.done $0x0  }
0x4b: {  	[sflag:s9] =	ssyncadd.s32 $0xFFFFFFB0  }
0x4c: {  	[spmem:s2] =	stream.indirect.scatter.add.f32 [tilespmem:s0], [sflag:$0x6], $0x80, s30, s22, $0xb8;
	[tilespmem:$0x1F980] =	vst v63  }
0x4d: {  	_ =	swait.ge [sflag:s10], $0x2800  }
0x4e: {  	[sflag:s10] =	ssyncset.done $0x0  }
0x4f: {  	s16 =	rddreg [dreg:$0xd];
	[sflag:s10] =	ssyncadd.s32 $0xFFFFD800  }
0x50: {  	[tilespmem:s24], [sflag:$0x8] =	stream.linear.gather [hbm4b:s16+s3], $0x50, $0x38;
	[tilespmem:$0x1F980] =	vst v63  }
0x51: {  	s14 =	simm.s32 $0x200  }
0x52: {  	[tilespmem:s26], [sflag:$0x2] =	stream.indirect.gather [hbm4b:s4+s22], $0x80, s14, s22, $0xb8;
	[tilespmem:$0x1F980] =	vst v63  }
0x53: {  	_ =	swait.ge [sflag:s28], $0x2800  }
0x54: {  	[sflag:s28] =	ssyncset.done $0x0  }
0x55: {  	[sflag:s28] =	ssyncadd.s32 $0xFFFFD800  }
0x56: {  	_ =	swait.ge [sflag:s29], $0x50  }
0x57: {  	[sflag:s29] =	ssyncset.done $0x0  }
0x58: {  	[sflag:s29] =	ssyncadd.s32 $0xFFFFFFB0  }
0x59: {  	[spmem:s2] =	stream.indirect.scatter.add.f32 [tilespmem:s23], [sflag:$0x4], $0x80, s21, s22, $0xb8;
	[tilespmem:$0x1F980] =	vst v63  }
0x5a: {  	_ =	swait.ge [sflag:s11], $0x2800  }
0x5b: {  	s8 =	simm.s32 $0x280;
	[sflag:s11] =	ssyncset.done $0x0  }
0x5c: {  	s13 =	simm.s32 $0x600;
	s15 =	rddreg [dreg:$0xc];
	[sflag:s11] =	ssyncadd.s32 $0xFFFFD800  }
0x5d: {  	[tilespmem:s30], [sflag:$0x9] =	stream.linear.gather [hbm4b:s15+s3], $0x50, $0x38;
	[tilespmem:$0x1F980] =	vst v63  }
0x5e: {  	s7 =	sadd.s32 $0x1E, s16;
	s14 =	sadd.s32 $0xF0, s18;
	s15 =	sadd.s32 $0x1E, s15  }
.LBB2_2:
0x5f: {  	[tilespmem:s0], [sflag:$0x3] =	stream.indirect.gather [hbm4b:s4+s22], $0x80, s8, s22, $0xb8;
	[tilespmem:$0x1F980] =	vst v63  }
0x60: {  	s8 =	smov.u32 s13  }
0x61: {  	p0 =	sne.s32 s13, $0xEA00;
	s13 =	sadd.s32 $0x600, s13;
	_ =	swait.ge [sflag:s1], $0x2800  }
0x62: {  	[sflag:s1] =	ssyncset.done $0x0  }
0x63: {  	[sflag:s1] =	ssyncadd.s32 $0xFFFFD800  }
0x64: {  	_ =	swait.ge [sflag:s25], $0x50  }
0x65: {  	[sflag:s25] =	ssyncset.done $0x0  }
0x66: {  	[sflag:s25] =	ssyncadd.s32 $0xFFFFFFB0  }
0x67: {  	[spmem:s2] =	stream.indirect.scatter.add.f32 [tilespmem:s26], [sflag:$0x5], $0x80, s24, s22, $0xb8;
	[tilespmem:$0x1F980] =	vst v63  }
0x68: {  	_ =	swait.ge [sflag:s31], $0x2800  }
0x69: {  	s16 =	sshrl.u32 s14, $0x3;
	[sflag:s31] =	ssyncset.done $0x0  }
0x6a: {  	s16 =	sadd.s32 s5, s16;
	s8 =	sshra.s32 s8, $0x2;
	[sflag:s31] =	ssyncadd.s32 $0xFFFFD800  }
0x6b: {  	[tilespmem:s21], [sflag:$0x7] =	stream.linear.gather [hbm4b:s16+s3], $0x50, $0x38;
	[tilespmem:$0x1F980] =	vst v63  }
0x6c: {  	s16 =	sadd.s32 $0x180, s8  }
0x6d: {  	[tilespmem:s23], [sflag:$0x1] =	stream.indirect.gather [hbm4b:s4+s22], $0x80, s16, s22, $0xb8;
	[tilespmem:$0x1F980] =	vst v63  }
0x6e: {  	_ =	swait.ge [sflag:s6], $0x2800  }
0x6f: {  	[sflag:s6] =	ssyncset.done $0x0  }
0x70: {  	[sflag:s6] =	ssyncadd.s32 $0xFFFFD800  }
0x71: {  	_ =	swait.ge [sflag:s9], $0x50  }
0x72: {  	[sflag:s9] =	ssyncset.done $0x0  }
0x73: {  	[sflag:s9] =	ssyncadd.s32 $0xFFFFFFB0  }
0x74: {  	[spmem:s2] =	stream.indirect.scatter.add.f32 [tilespmem:s0], [sflag:$0x6], $0x80, s30, s22, $0xb8;
	[tilespmem:$0x1F980] =	vst v63  }
0x75: {  	_ =	swait.ge [sflag:s10], $0x2800  }
0x76: {  	[sflag:s10] =	ssyncset.done $0x0  }
0x77: {  	[sflag:s10] =	ssyncadd.s32 $0xFFFFD800  }
0x78: {  	[tilespmem:s24], [sflag:$0x8] =	stream.linear.gather [hbm4b:s7+s3], $0x50, $0x38;
	[tilespmem:$0x1F980] =	vst v63  }
0x79: {  	s16 =	sadd.s32 $0x200, s8  }
0x7a: {  	[tilespmem:s26], [sflag:$0x2] =	stream.indirect.gather [hbm4b:s4+s22], $0x80, s16, s22, $0xb8;
	[tilespmem:$0x1F980] =	vst v63  }
0x7b: {  	_ =	swait.ge [sflag:s28], $0x2800  }
0x7c: {  	[sflag:s28] =	ssyncset.done $0x0  }
0x7d: {  	[sflag:s28] =	ssyncadd.s32 $0xFFFFD800  }
0x7e: {  	_ =	swait.ge [sflag:s29], $0x50  }
0x7f: {  	[sflag:s29] =	ssyncset.done $0x0  }
0x80: {  	[sflag:s29] =	ssyncadd.s32 $0xFFFFFFB0  }
0x81: {  	[spmem:s2] =	stream.indirect.scatter.add.f32 [tilespmem:s23], [sflag:$0x4], $0x80, s21, s22, $0xb8;
	[tilespmem:$0x1F980] =	vst v63  }
.Ltmp0:
0x82: {  	_ =	swait.ge [sflag:s11], $0x2800;
	(pc) =	sbr.rel @p0 .LBB2_2-.Ltmp0, $4  }
0x83: {  	[sflag:s11] =	ssyncset.done $0x0  }
0x84: {  	s14 =	sadd.s32 $0xF0, s14;
	[sflag:s11] =	ssyncadd.s32 $0xFFFFD800  }
0x85: {  	[tilespmem:s30], [sflag:$0x9] =	stream.linear.gather [hbm4b:s15+s3], $0x50, $0x38;
	[tilespmem:$0x1F980] =	vst v63  }
0x86: {  	s8 =	sadd.s32 $0x280, s8;
	s7 =	sadd.s32 $0x1E, s7;
	s15 =	sadd.s32 $0x1E, s15  }
0x87: {  	[tilespmem:s0], [sflag:$0x3] =	stream.indirect.gather [hbm4b:s4+s22], $0x80, s8, s22, $0xb8;
	[tilespmem:$0x1F980] =	vst v63  }
0x88: {  	_ =	swait.ge [sflag:s1], $0x2800  }
0x89: {  	[sflag:s1] =	ssyncset.done $0x0  }
0x8a: {  	[sflag:s1] =	ssyncadd.s32 $0xFFFFD800  }
0x8b: {  	_ =	swait.ge [sflag:s25], $0x50  }
0x8c: {  	[sflag:s25] =	ssyncset.done $0x0  }
0x8d: {  	[sflag:s25] =	ssyncadd.s32 $0xFFFFFFB0  }
0x8e: {  	[spmem:s2] =	stream.indirect.scatter.add.f32 [tilespmem:s26], [sflag:$0x5], $0x80, s24, s22, $0xb8;
	[tilespmem:$0x1F980] =	vst v63  }
0x8f: {  	_ =	swait.ge [sflag:s31], $0x2800  }
0x90: {  	[sflag:s31] =	ssyncset.done $0x0  }
0x91: {  	s7 =	rddreg [dreg:$0xa];
	[sflag:s31] =	ssyncadd.s32 $0xFFFFD800  }
0x92: {  	[tilespmem:s21], [sflag:$0x7] =	stream.linear.gather [hbm4b:s7+s3], $0x50, $0x38;
	[tilespmem:$0x1F980] =	vst v63  }
0x93: {  	s13 =	simm.s32 $0x3D80  }
0x94: {  	[tilespmem:s23], [sflag:$0x1] =	stream.indirect.gather [hbm4b:s4+s22], $0x80, s13, s22, $0xb8;
	[tilespmem:$0x1F980] =	vst v63  }
0x95: {  	_ =	swait.ge [sflag:s6], $0x2800  }
0x96: {  	[sflag:s6] =	ssyncset.done $0x0  }
0x97: {  	[sflag:s6] =	ssyncadd.s32 $0xFFFFD800  }
0x98: {  	_ =	swait.ge [sflag:s9], $0x50  }
0x99: {  	[sflag:s9] =	ssyncset.done $0x0  }
0x9a: {  	[sflag:s9] =	ssyncadd.s32 $0xFFFFFFB0  }
0x9b: {  	[spmem:s2] =	stream.indirect.scatter.add.f32 [tilespmem:s0], [sflag:$0x6], $0x80, s30, s22, $0xb8;
	[tilespmem:$0x1F980] =	vst v63  }
0x9c: {  	_ =	swait.ge [sflag:s10], $0x2800  }
0x9d: {  	[sflag:s10] =	ssyncset.done $0x0  }
0x9e: {  	s14 =	rddreg [dreg:$0xb];
	[sflag:s10] =	ssyncadd.s32 $0xFFFFD800  }
0x9f: {  	[tilespmem:s24], [sflag:$0x8] =	stream.linear.gather [hbm4b:s14+s3], $0x50, $0x38;
	[tilespmem:$0x1F980] =	vst v63  }
0xa0: {  	s15 =	simm.s32 $0x3E00  }
0xa1: {  	[tilespmem:s26], [sflag:$0x2] =	stream.indirect.gather [hbm4b:s4+s22], $0x80, s15, s22, $0xb8;
	[tilespmem:$0x1F980] =	vst v63  }
0xa2: {  	_ =	swait.ge [sflag:s28], $0x2800  }
0xa3: {  	[sflag:s28] =	ssyncset.done $0x0  }
0xa4: {  	[sflag:s28] =	ssyncadd.s32 $0xFFFFD800  }
0xa5: {  	_ =	swait.ge [sflag:s29], $0x50  }
0xa6: {  	[sflag:s29] =	ssyncset.done $0x0  }
0xa7: {  	[sflag:s29] =	ssyncadd.s32 $0xFFFFFFB0  }
0xa8: {  	[spmem:s2] =	stream.indirect.scatter.add.f32 [tilespmem:s23], [sflag:$0x4], $0x80, s21, s22, $0xb8;
	[tilespmem:$0x1F980] =	vst v63  }
0xa9: {  	_ =	swait.ge [sflag:s1], $0x2800  }
0xaa: {  	[sflag:s1] =	ssyncset.done $0x0  }
0xab: {  	[sflag:s1] =	ssyncadd.s32 $0xFFFFD800  }
0xac: {  	_ =	swait.ge [sflag:s25], $0x50  }
0xad: {  	[sflag:s25] =	ssyncset.done $0x0  }
0xae: {  	[sflag:s25] =	ssyncadd.s32 $0xFFFFFFB0  }
0xaf: {  	[spmem:s2] =	stream.indirect.scatter.add.f32 [tilespmem:s26], [sflag:$0x5], $0x80, s24, s22, $0xb8;
	[tilespmem:$0x1F980] =	vst v63  }
0xb0: {  	_ =	swait.ge [sflag:s31], $0x2800  }
0xb1: {  	[sflag:s31] =	ssyncset.done $0x0  }
0xb2: {  	[sflag:s31] =	ssyncadd.s32 $0xFFFFD800  }
0xb3: {  	_ =	swait.ge [sflag:s10], $0x2800  }
0xb4: {  	[sflag:s10] =	ssyncset.done $0x0  }
0xb5: {  	[sflag:s10] =	ssyncadd.s32 $0xFFFFD800  }
0xb6: {  	_ =	swait.ge [sflag:s11], $0x2800  }
0xb7: {  	[sflag:s11] =	ssyncset.done $0x0  }
0xb8: {  	[sflag:s11] =	ssyncadd.s32 $0xFFFFD800  }
0xb9: {  	[bflag:$0x0] =	sbarrier.arrive $0xFFFF  }
0xba: {  	s16 =	rddreg [dreg:$0x8]  }
0xbb: {  	[hbm:s16], [sflag:s17] =	dma.local [spmem:s19], $0x2800  }
0xbc: {  	_ =	swait.ge [sflag:s20], $0x2800  }
0xbd: {  	s12 =	sadd.s32 $0x1, s12;
	s13 =	smov.u32 s17;
	s17 =	rddreg [dreg:$0x9]  }
0xbe: {  	p0 =	sne.s32 s12, s17  }
.Ltmp1:
0xbf: {  	_ = 	snop;
	(pc) =	sbr.rel @p0 .LBB2_1-.Ltmp1, $3  }
0xc0: {  	_ =	sdelay $0x1  }
0xc1: {  	[sflag:s20] =	ssyncset.done $0x0  }
0xc2: {  	[sflag:s20] =	ssyncadd.s32 $0xFFFFD800  }
0xc3: {  	_ =	sfence.sel $0x180000  }
0xc4: {  	[bflag:$0x0] =	sbarrier.arrive $0xFFFF  }
0xc5: {  	_ =	strace $0x9000004A  }
0xc6: {  	s0 =	stileid.u32;
	[bflag:$0x2] =	sbarrier.arrive $0xFFFF  }
0xc7: {  	p0 =	sne.s32 s0, $0x0;
	s0 =	rddreg [dreg:$0x2]  }
0xc8: {  	s0 =	sadd.s32 @!p0 $0x100000, s0  }
0xc9: {  	[sflag:s0] =	ssyncadd.tile.s32 @!p0 $0x1;
	_ =	shalt  }
.Lfunc_end2:
_tile_overlayer_lowered:
.L_overlay_start_2:
0xca: {  	(tag) =	ssettag $0x2  }
0xcb: {  	s0 =	rddreg [dreg:$0x0];
	s2 =	stileid.u32  }
0xcc: {  	s1 =	rddreg [dreg:$0x1];
	p0 =	sne.s32 s2, $0x0  }
0xcd: {  	s3 =	rddreg [dreg:$0x2];
	[bflag:$0x3] =	sbarrier.arrive $0xFFFF;
	s2 =	simm.s32 @!p0 $0x1C0A  }
0xce: {  	[timem:s3], [sflag:s2] =	dma.local @!p0 [hbm:s0], s1  }
0xcf: {  	s0 =	simm.s32 @!p0 $0xA  }
0xd0: {  	_ =	swait.ge @!p0 [sflag:s0], s1  }
0xd1: {  	s1 =	ssub.s32 @!p0 $0x0, s1;
	[sflag:s0] =	ssyncset.done @!p0 $0x0  }
0xd2: {  	[sflag:s0] =	ssyncadd.s32 @!p0 s1  }
0xd3: {  	[bflag:$0x3] =	sbarrier.arrive $0xFFFF  }
0xd4: {  	_ =	shalt  }

// kernel: kernel.17.cloned.1.call-start
scs
__scs_entry_jumppad:
0x0: {  	(pc) =	sbr.rel $0x88, $3  }
0x1: {  	(tag) =	ssettag $0x0;
	lr =	simm.s32 $0x1  }
0x2: {  	[smem:$0x3F88] =	sst lr;
	_ =	strace $0xD0000000  }
0x3: {  	_ = 	snop  }
0x4: {  	_ = 	snop  }
0x5: {  	_ = 	snop  }
0x6: {  	_ = 	snop  }
0x7: {  	_ = 	snop  }
__scs_overlays_trampoline_lowered:
0x8: {  	[smem:$0x3F97] =	sst s0  }
0x9: {  	[smem:$0x3F98] =	sst s1  }
0xa: {  	[smem:$0x3F99] =	sst s2  }
0xb: {  	[smem:$0x3F9A] =	sst s3  }
0xc: {  	[smem:$0x3F9B] =	sst s4  }
0xd: {  	[smem:$0x3F9C] =	sst s5  }
0xe: {  	[smem:$0x3F9D] =	sst s6  }
0xf: {  	[smem:$0x3F9E] =	sst s7  }
0x10: {  	[smem:$0x3F9F] =	sst s8  }
0x11: {  	[smem:$0x3FA0] =	sst s9;
	s0 =	simm.s32 @!p0 $0x0  }
0x12: {  	s1 =	sld [smem:$0x3F86];
	s0 =	simm.s32 @p0 $0x1  }
0x13: {  	[smem:$0x3FA1] =	sst s0;
	s0 =	simm.s32 @!p1 $0x0  }
0x14: {  	s2 =	sld [smem:$0x3F85];
	s0 =	simm.s32 @p1 $0x1  }
0x15: {  	[smem:$0x3FA2] =	sst s0;
	s0 =	simm.s32 @!p2 $0x0  }
0x16: {  	s3 =	sld [smem:$0x3FDB];
	s0 =	simm.s32 @p2 $0x1  }
0x17: {  	s4 =	simm.s32 $0x1BF5;
	[smem:$0x3FA4] =	sst s0  }
0x18: {  	s0 =	sld [smem:$0x3F87];
	_ =	swait.ge [sflag:s4], $0x0  }
0x19: {  	s7 =	sld [smem:$0x3F88]  }
0x1a: {  	s8 =	sadd.s32 $0xFFFFE003, lr  }
0x1b: {  	s9 =	sadd.s32 $0xFFFFFEF7, lr;
	s5 =	simm.s32 $0xFFFFFFFF;
	p2 =	slt.u32 s8, $0xFFFFF086  }
0x1c: {  	p1 =	slt.u32 s9, $0xF7A;
	s5 =	simm.s32 @!p2 $0x0  }
0x1d: {  	s5 =	simm.s32 @p1 $0x1;
	p0 =	seq.s32 s7, s2  }
0x1e: {  	s7 =	smul.u32 @!p0 $0xF7A, s2;
	p2 =	seq.s32 @!p0 s5, $0x0  }
0x1f: {  	s9 =	smul.u32 $0xF7A, s1;
	s8 =	simm.s32 @!p0 $0x1BF5;
	p2 =	por !p2, p0  }
0x20: {  	[sflag:s8] =	ssyncset.s32 @!p0 $0xFFFFF086;
	s6 =	sadd.s32 @!p0 s3, s7;
	s7 =	simm.s32 @!p0 $0x108  }
0x21: {  	s3 =	sadd.s32 s3, s9;
	s6 =	sadd.s32 @!p0 $0x88, s6;
	s7 =	simm.s32 @p2 $0x1082  }
0x22: {  	[simem:s7], [sflag:s8] =	dma.local @!p0 [hbm:s6], $0xF7A  }
0x23: {  	s9 =	sor.u32 $0xD0000000, s2;
	s6 =	simm.s32 $0x108;
	_ =	swait.ge @!p0 [sflag:s8], $0x0  }
0x24: {  	s3 =	sadd.s32 $0x88, s3;
	s6 =	simm.s32 @!p1 $0x1082;
	[sflag:s4] =	ssyncset.s32 $0xFFFFF086  }
0x25: {  	[simem:s6], [sflag:s4] =	dma.local [hbm:s3], $0xF7A  }
0x26: {  	[smem:$0x3F88] =	sst s1;
	(tag) =	ssettag s2;
	_ =	strace s9  }
0x27: {  	s1 =	sld [smem:$0x3F98]  }
0x28: {  	s2 =	sld [smem:$0x3F99]  }
0x29: {  	s4 =	sld [smem:$0x3F9B]  }
0x2a: {  	p0 =	seq.s32 s5, $0x0;
	s5 =	sld [smem:$0x3F9C]  }
0x2b: {  	s6 =	sld [smem:$0x3F9D]  }
0x2c: {  	s7 =	sld [smem:$0x3F9E]  }
0x2d: {  	s3 =	simm.s32 $0x108;
	s8 =	sld [smem:$0x3F9F]  }
0x2e: {  	s3 =	simm.s32 @!p0 $0x1082;
	s9 =	sld [smem:$0x3FA0]  }
0x2f: {  	lr =	sadd.s32 s0, s3;
	s0 =	sld [smem:$0x3F97]  }
0x30: {  	s3 =	sld [smem:$0x3F9A]  }
0x31: {  	[smem:$0x3FA3] =	sst s10  }
0x32: {  	s10 =	sld [smem:$0x3FA1];
	_ =	sdelay $0x3  }
0x33: {  	p0 =	seq.s32 s10, $0x1;
	s10 =	sld [smem:$0x3FA3];
	_ =	sdelay $0x3  }
0x34: {  	[smem:$0x3FA3] =	sst s10  }
0x35: {  	s10 =	sld [smem:$0x3FA2];
	_ =	sdelay $0x3  }
0x36: {  	p1 =	seq.s32 s10, $0x1;
	s10 =	sld [smem:$0x3FA3];
	_ =	sdelay $0x3  }
0x37: {  	[smem:$0x3FA3] =	sst s10  }
0x38: {  	s10 =	sld [smem:$0x3FA4]  }
0x39: {  	_ = 	snop;
	(pc) =	sbr.ind lr, $3  }
0x3a: {  	_ = 	snop  }
0x3b: {  	_ = 	snop  }
0x3c: {  	p2 =	seq.s32 s10, $0x1;
	s10 =	sld [smem:$0x3FA3]  }
0x3d: {  	_ =	shalt  }
0x3e: {  	_ =	shalt  }
0x3f: {  	_ =	shalt  }
0x40: {  	_ =	shalt  }
0x41: {  	_ =	shalt  }
0x42: {  	_ =	shalt  }
0x43: {  	_ =	shalt  }
0x44: {  	_ =	shalt  }
0x45: {  	_ =	shalt  }
0x46: {  	_ =	shalt  }
0x47: {  	_ =	shalt  }
0x48: {  	_ =	shalt  }
0x49: {  	_ =	shalt  }
0x4a: {  	_ =	shalt  }
0x4b: {  	_ =	shalt  }
0x4c: {  	_ =	shalt  }
0x4d: {  	_ =	shalt  }
0x4e: {  	_ =	shalt  }
0x4f: {  	_ =	shalt  }
0x50: {  	_ =	shalt  }
0x51: {  	_ =	shalt  }
0x52: {  	_ =	shalt  }
0x53: {  	_ =	shalt  }
0x54: {  	_ =	shalt  }
0x55: {  	_ =	shalt  }
0x56: {  	_ =	shalt  }
0x57: {  	_ =	shalt  }
0x58: {  	_ =	shalt  }
0x59: {  	_ =	shalt  }
0x5a: {  	_ =	shalt  }
0x5b: {  	_ =	shalt  }
0x5c: {  	_ =	shalt  }
0x5d: {  	_ =	shalt  }
0x5e: {  	_ =	shalt  }
0x5f: {  	_ =	shalt  }
0x60: {  	_ =	shalt  }
0x61: {  	_ =	shalt  }
0x62: {  	_ =	shalt  }
0x63: {  	_ =	shalt  }
0x64: {  	_ =	shalt  }
0x65: {  	_ =	shalt  }
0x66: {  	_ =	shalt  }
0x67: {  	_ =	shalt  }
0x68: {  	_ =	shalt  }
0x69: {  	_ =	shalt  }
0x6a: {  	_ =	shalt  }
0x6b: {  	_ =	shalt  }
0x6c: {  	_ =	shalt  }
0x6d: {  	_ =	shalt  }
0x6e: {  	_ =	shalt  }
0x6f: {  	_ =	shalt  }
0x70: {  	_ =	shalt  }
0x71: {  	_ =	shalt  }
0x72: {  	_ =	shalt  }
0x73: {  	_ =	shalt  }
0x74: {  	_ =	shalt  }
0x75: {  	_ =	shalt  }
0x76: {  	_ =	shalt  }
0x77: {  	_ =	shalt  }
0x78: {  	_ =	shalt  }
0x79: {  	_ =	shalt  }
0x7a: {  	_ =	shalt  }
0x7b: {  	_ =	shalt  }
0x7c: {  	_ =	shalt  }
0x7d: {  	_ =	shalt  }
0x7e: {  	_ =	shalt  }
0x7f: {  	_ =	shalt  }
0x80: {  	_ =	shalt  }
0x81: {  	_ =	shalt  }
0x82: {  	_ =	shalt  }
0x83: {  	_ =	shalt  }
0x84: {  	_ =	shalt  }
0x85: {  	_ =	shalt  }
0x86: {  	_ =	shalt  }
0x87: {  	_ =	shalt  }
.Lfunc_end0:
.L_simem_size_0:
called_computation.2_lowered:
.L_overlay_start_0:
0x88: {  	s2 =	sld [smem:$0x3FD9]  }
0x89: {  	s3 =	sld [smem:$0x3FFE];
	_ =	sdelay $0x1  }
0x8a: {  	s1 =	srdreg.scid  }
0x8b: {  	s0 =	sand.u32 $0x1, s1  }
0x8c: {  	s16 =	sshll.u32 s0, $0xA;
	s2 =	sadd.s32 s3, s2  }
0x8d: {  	s2 =	sadd.s32 s2, s16  }
0x8e: {  	[smem:$0x3FAF] =	sst s2  }
0x8f: {  	_ = 	snop  }
0x90: {  	(tm) =	ssettm $0x1  }
0x91: {  	s17 =	sld [smem:$0x3FFB];
	_ =	sdelay $0x3  }
0x92: {  	_ =	strace s17  }
0x93: {  	s2 =	sld [smem:$0x3FFC];
	_ =	sdelay $0x3  }
0x94: {  	_ =	strace s2  }
0x95: {  	s2 =	sld [smem:$0x3FFD];
	_ =	sdelay $0x3  }
0x96: {  	_ =	strace s2  }
0x97: {  	_ =	strace $0x8FFFFFFF  }
0x98: {  	s18 =	sld [smem:$0x3FDB];
	_ =	sdelay $0x1  }
0x99: {  	s19 =	simm.s32 $_scs_section_size  }
0x9a: {  	s4 =	simm.s32 $_size__tile_overlayer_lowered;
	s5 =	simm.s32 $_tile_overlayer_lowered  }
0x9b: {  	s22 =	simm.s32 $0x1BFF;
	s21 =	sshll.u32 s5, $0x1;
	s2 =	sadd.s32 s19, s18  }
0x9c: {  	s6 =	simm.s32 $0x0;
	s20 =	sshll.u32 s4, $0x1;
	s4 =	sadd.s32 s21, s2  }
0x9d: {  	[timem:s6], [sflag:s22] =	dma.local [hbm:s4], s20  }
0x9e: {  	_ =	swait.ge [sflag:s22], s20  }
0x9f: {  	s3 =	ssub.s32 $0x0, s20;
	[sflag:s22] =	ssyncset.done $0x0  }
0xa0: {  	[sflag:s22] =	ssyncadd.s32 s3;
	_ =	sdelay $0x1  }
0xa1: {  	s23 =	simm.s32 $0x1B8B  }
0xa2: {  	_ =	swait.ge [sflag:s23], $0x1  }
0xa3: {  	[sflag:s23] =	ssyncset.done $0x0  }
0xa4: {  	s25 =	simm.s32 $0x1B8E;
	s24 =	sld [smem:$0x3FFE];
	[sflag:s23] =	ssyncadd.s32 $0xFFFFFFFF  }
0xa5: {  	s26 =	simm.s32 $execute0_lowered;
	[smem:$0x3FD2] =	sst s25  }
0xa6: {  	s4 =	sshll.u32 s26, $0x1;
	_ =	strace $0x8000004C;
	[dreg:$0x1] =	wrdreg $0xFFFFFFFF  }
0xa7: {  	s28 =	simm.s32 $_size_execute0_lowered;
	s2 =	sadd.s32 s2, s4;
	[dreg:$0x0] =	wrdreg $0x0  }
0xa8: {  	s4 =	sshll.u32 s28, $0x1;
	[dreg:$0x2] =	wrdreg s2  }
0xa9: {  	[dreg:$0x3] =	wrdreg s4  }
0xaa: {  	[dreg:$0x4] =	wrdreg $0xC0  }
0xab: {  	_ =	task [dreg:s6], $0x5FFFF  }
0xac: {  	[dreg:$0x1] =	wrdreg $0xFFFFFFFF  }
0xad: {  	[dreg:$0x0] =	wrdreg $0x60  }
0xae: {  	[dreg:$0x2] =	wrdreg s24  }
0xaf: {  	[dreg:$0x3] =	wrdreg $0xB9800  }
0xb0: {  	[dreg:$0x4] =	wrdreg $0x9  }
0xb1: {  	_ =	task.clear_ibuf [dreg:s6], $0x5FFFF;
	_ =	strace $0x9000004C  }
0xb2: {  	s29 =	simm.s32 $0x9;
	_ =	strace $0x8000004E  }
0xb3: {  	_ =	swait.ge [sflag:s29], $0x1  }
0xb4: {  	[sflag:s29] =	ssyncadd.s32 $0xFFFFFFFF  }
0xb5: {  	_ =	strace $0x9000004E  }
0xb6: {  	_ =	sfence  }
0xb7: {  	s30 =	sld [smem:$0x0];
	_ =	sdelay $0x2  }
0xb8: {  	s31 =	sshll.u32 s1, $0xD;
	s1 =	sshrl.u32 s1, $0x2  }
0xb9: {  	s3 =	sand.u32 $0x4000, s31;
	s1 =	sadd.s32 s1, s30  }
0xba: {  	s0 =	sor.u32 s3, s0;
	s1 =	sshll.u32 s1, $0x11  }
0xbb: {  	s0 =	sor.u32 s1, s0  }
0xbc: {  	s0 =	sadd.s32 $0x8F2B, s0  }
0xbd: {  	[sflag:s0] =	ssyncadd.remote.s32 $0x1  }
0xbe: {  	_ =	sfence.sel $0xFFFF  }
0xbf: {  	[dreg:$0x0] =	wrdreg $0xFFFFFFFF;
	(pc) =	sbr.abs _section_cstart, $3  }
0xc0: {  	[dreg:$0x1] =	wrdreg $0xFFFFFFFF  }
0xc1: {  	_ =	task.clear_ibuf [dreg:s6], $0x2FFFF;
	_ =	strace $0x9FFFFFFF  }
0xc2: {  	(tm) =	ssettm $0x7FFFFFFF  }
0xc3: {  	_ =	shalt  }
tec
execute0_lowered:
.L_overlay_start_1:
0x0: {  	(tag) =	ssettag $0x1  }
0x1: {  	s0 =	rddreg [dreg:$0x0]  }
0x2: {  	s2 =	rddreg [dreg:$0x1];
	s3 =	simm.s32 $0x0  }
0x3: {  	s1 =	srdreg.scid;
	s12 =	stileid.u32;
	s28 =	simm.s32 $0x1  }
0x4: {  	s29 =	simm.s32 $0x7;
	s30 =	simm.s32 $0x4100;
	s31 =	simm.s32 $0x4  }
0x5: {  	[smem:$0x7FF] =	sst s3;
	s1 =	sand.u32 $0x1, s1;
	s8 =	smul.u32 $0x14000, s12  }
0x6: {  	s4 =	sshll.u32 s12, $0x1;
	s10 =	sadd.s32 $0x4F200, s0;
	s25 =	smul.u32 $0x50000, s12  }
0x7: {  	s14 =	smul.u32 $0x4E20, s12;
	s15 =	sshll.u32 s12, $0x6;
	s12 =	simm.s32 $0x0  }
0x8: {  	_ =	strace $0x8000004D;
	s6 =	sor.u32 s1, s4;
	s7 =	smul.u32 $0x140000, s1  }
0x9: {  	s4 =	sadd.s32 $0x28000, s0;
	[dreg:$0x3] =	wrdreg s10;
	s24 =	ssub.s32 $0x2, s1  }
0xa: {  	s1 =	smul.u32 $0x2710, s1;
	s10 =	simm.s32 $0x5;
	s5 =	sshll.u32 s6, $0xB  }
0xb: {  	s11 =	sshrl.u32 s24, $0x1;
	s6 =	smul.u32 $0x2710, s6;
	s13 =	sshrl.u32 s25, $0x2  }
0xc: {  	s9 =	sadd.s32 s5, s0;
	s5 =	sadd.s32 $0x4400, s0;
	s7 =	sadd.s32 s8, s7  }
0xd: {  	s26 =	ssub.s32 s24, s11;
	s8 =	sadd.s32 s13, s2;
	s13 =	sor.u32 $0x1C0A, s15  }
0xe: {  	s20 =	sadd.s32 s1, s14;
	s11 =	simm.s32 $0x6;
	s7 =	sshrl.u32 s7, $0x3  }
0xf: {  	s6 =	sshrl.u32 s6, $0x3;
	s17 =	sadd.s32 $0x18000, s9;
	s21 =	smax.u32 s26, $0x1  }
0x10: {  	s22 =	sadd.s32 $0x190, s20;
	s23 =	sadd.s32 $0x140, s20;
	[dreg:$0x5] =	wrdreg s17  }
0x11: {  	s9 =	simm.s32 $0x9;
	s16 =	sadd.s32 s5, s6;
	[dreg:$0x9] =	wrdreg s21  }
0x12: {  	s0 =	sadd.s32 s7, s0;
	s18 =	sadd.s32 $0xA, s16;
	[dreg:$0x4] =	wrdreg s16  }
0x13: {  	s1 =	sshrl.u32 s22, $0x3;
	s19 =	sadd.s32 $0x14, s16;
	[dreg:$0x6] =	wrdreg s18  }
0x14: {  	s6 =	sshrl.u32 s23, $0x3;
	s0 =	sadd.s32 $0x51A00, s0;
	[dreg:$0x7] =	wrdreg s19  }
0x15: {  	s21 =	simm.s32 $0x4000;
	s24 =	sadd.s32 $0x4CE, s16;
	[dreg:$0x8] =	wrdreg s0  }
0x16: {  	s22 =	simm.s32 $0x50;
	s25 =	sadd.s32 $0x4D8, s16;
	[dreg:$0xa] =	wrdreg s24  }
0x17: {  	s23 =	simm.s32 $0x4180;
	s1 =	sadd.s32 s1, s5;
	[dreg:$0xb] =	wrdreg s25  }
0x18: {  	s26 =	sadd.s32 s6, s5;
	s6 =	simm.s32 $0x3;
	[dreg:$0xc] =	wrdreg s1  }
0x19: {  	[dreg:$0xd] =	wrdreg s26;
	s18 =	sadd.s32 $0xF0, s20;
	s19 =	sshrl.u32 s8, $0x3  }
0x1a: {  	s20 =	simm.s32 $0xA;
	s24 =	simm.s32 $0x4080;
	s26 =	simm.s32 $0x6980  }
0x1b: {  	s0 =	simm.s32 $0x9180;
	s1 =	simm.s32 $0x2;
	s25 =	simm.s32 $0x8  }
.LBB2_1:
0x1c: {  	s7 =	rddreg [dreg:$0x3]  }
0x1d: {  	[spmem:s19], [sflag:s13] =	dma.local [hbm:s7], $0x2800  }
0x1e: {  	_ =	swait.ge [sflag:s20], $0x2800  }
0x1f: {  	[sflag:s20] =	ssyncset.done $0x0  }
0x20: {  	s16 =	rddreg [dreg:$0x5];
	[sflag:s20] =	ssyncadd.s32 $0xFFFFD800  }
0x21: {  	[tilespmem:s3], [sflag:$0xA] =	stream.linear.gather [hbm4b:s16+s3], $0x3E80, $0x38;
	[tilespmem:$0x1F980] =	vst v63  }
0x22: {  	_ =	swait.ge [sflag:s20], $0x3E80  }
0x23: {  	[sflag:s20] =	ssyncset.done $0x0  }
0x24: {  	[sflag:s20] =	ssyncadd.s32 $0xFFFFC180  }
0x25: {  	[bflag:$0x0] =	sbarrier.arrive $0xFFFF  }
0x26: {  	s8 =	rddreg [dreg:$0x4]  }
0x27: {  	[tilespmem:s21], [sflag:$0x7] =	stream.linear.gather [hbm4b:s8+s3], $0x50, $0x38;
	[tilespmem:$0x1F980] =	vst v63  }
0x28: {  	_ = 	snop  }
0x29: {  	[tilespmem:s23], [sflag:$0x1] =	stream.indirect.gather [hbm4b:s4+s22], $0x80, s3, s22, $0xb8;
	[tilespmem:$0x1F980] =	vst v63  }
0x2a: {  	s17 =	smov.u32 s13;
	s13 =	rddreg [dreg:$0x6]  }
0x2b: {  	[tilespmem:s24], [sflag:$0x8] =	stream.linear.gather [hbm4b:s13+s3], $0x50, $0x38;
	[tilespmem:$0x1F980] =	vst v63  }
0x2c: {  	s14 =	simm.s32 $0x80  }
0x2d: {  	[tilespmem:s26], [sflag:$0x2] =	stream.indirect.gather [hbm4b:s4+s22], $0x80, s14, s22, $0xb8;
	[tilespmem:$0x1F980] =	vst v63  }
0x2e: {  	_ =	swait.ge [sflag:s28], $0x2800  }
0x2f: {  	[sflag:s28] =	ssyncset.done $0x0  }
0x30: {  	[sflag:s28] =	ssyncadd.s32 $0xFFFFD800  }
0x31: {  	_ =	swait.ge [sflag:s29], $0x50  }
0x32: {  	[sflag:s29] =	ssyncset.done $0x0  }
0x33: {  	[sflag:s29] =	ssyncadd.s32 $0xFFFFFFB0  }
0x34: {  	[spmem:s2] =	stream.indirect.scatter.add.f32 [tilespmem:s23], [sflag:$0x4], $0x80, s21, s22, $0xb8;
	[tilespmem:$0x1F980] =	vst v63  }
0x35: {  	s15 =	rddreg [dreg:$0x7]  }
0x36: {  	[tilespmem:s30], [sflag:$0x9] =	stream.linear.gather [hbm4b:s15+s3], $0x50, $0x38;
	[tilespmem:$0x1F980] =	vst v63  }
0x37: {  	s16 =	simm.s32 $0x100  }
0x38: {  	[tilespmem:s0], [sflag:$0x3] =	stream.indirect.gather [hbm4b:s4+s22], $0x80, s16, s22, $0xb8;
	[tilespmem:$0x1F980] =	vst v63  }
0x39: {  	_ =	swait.ge [sflag:s1], $0x2800  }
0x3a: {  	[sflag:s1] =	ssyncset.done $0x0  }
0x3b: {  	[sflag:s1] =	ssyncadd.s32 $0xFFFFD800  }
0x3c: {  	_ =	swait.ge [sflag:s25], $0x50  }
0x3d: {  	[sflag:s25] =	ssyncset.done $0x0  }
0x3e: {  	[sflag:s25] =	ssyncadd.s32 $0xFFFFFFB0  }
0x3f: {  	[spmem:s2] =	stream.indirect.scatter.add.f32 [tilespmem:s26], [sflag:$0x5], $0x80, s24, s22, $0xb8;
	[tilespmem:$0x1F980] =	vst v63  }
0x40: {  	_ =	swait.ge [sflag:s31], $0x2800  }
0x41: {  	s8 =	sshrl.u32 s18, $0x3;
	[sflag:s31] =	ssyncset.done $0x0  }
0x42: {  	s7 =	sadd.s32 s5, s8;
	[sflag:s31] =	ssyncadd.s32 $0xFFFFD800  }
0x43: {  	[tilespmem:s21], [sflag:$0x7] =	stream.linear.gather [hbm4b:s7+s3], $0x50, $0x38;
	[tilespmem:$0x1F980] =	vst v63  }
0x44: {  	s13 =	simm.s32 $0x180  }
0x45: {  	[tilespmem:s23], [sflag:$0x1] =	stream.indirect.gather [hbm4b:s4+s22], $0x80, s13, s22, $0xb8;
	[tilespmem:$0x1F980] =	vst v63  }
0x46: {  	_ =	swait.ge [sflag:s6], $0x2800  }
0x47: {  	[sflag:s6] =	ssyncset.done $0x0  }
0x48: {  	[sflag:s6] =	ssyncadd.s32 $0xFFFFD800  }
0x49: {  	_ =	swait.ge [sflag:s9], $0x50  }
0x4a: {  	[sflag:s9] =	ssyncset.done $0x0  }
0x4b: {  	[sflag:s9] =	ssyncadd.s32 $0xFFFFFFB0  }
0x4c: {  	[spmem:s2] =	stream.indirect.scatter.add.f32 [tilespmem:s0], [sflag:$0x6], $0x80, s30, s22, $0xb8;
	[tilespmem:$0x1F980] =	vst v63  }
0x4d: {  	_ =	swait.ge [sflag:s10], $0x2800  }
0x4e: {  	[sflag:s10] =	ssyncset.done $0x0  }
0x4f: {  	s16 =	rddreg [dreg:$0xd];
	[sflag:s10] =	ssyncadd.s32 $0xFFFFD800  }
0x50: {  	[tilespmem:s24], [sflag:$0x8] =	stream.linear.gather [hbm4b:s16+s3], $0x50, $0x38;
	[tilespmem:$0x1F980] =	vst v63  }
0x51: {  	s14 =	simm.s32 $0x200  }
0x52: {  	[tilespmem:s26], [sflag:$0x2] =	stream.indirect.gather [hbm4b:s4+s22], $0x80, s14, s22, $0xb8;
	[tilespmem:$0x1F980] =	vst v63  }
0x53: {  	_ =	swait.ge [sflag:s28], $0x2800  }
0x54: {  	[sflag:s28] =	ssyncset.done $0x0  }
0x55: {  	[sflag:s28] =	ssyncadd.s32 $0xFFFFD800  }
0x56: {  	_ =	swait.ge [sflag:s29], $0x50  }
0x57: {  	[sflag:s29] =	ssyncset.done $0x0  }
0x58: {  	[sflag:s29] =	ssyncadd.s32 $0xFFFFFFB0  }
0x59: {  	[spmem:s2] =	stream.indirect.scatter.add.f32 [tilespmem:s23], [sflag:$0x4], $0x80, s21, s22, $0xb8;
	[tilespmem:$0x1F980] =	vst v63  }
0x5a: {  	_ =	swait.ge [sflag:s11], $0x2800  }
0x5b: {  	s8 =	simm.s32 $0x280;
	[sflag:s11] =	ssyncset.done $0x0  }
0x5c: {  	s13 =	simm.s32 $0x600;
	s15 =	rddreg [dreg:$0xc];
	[sflag:s11] =	ssyncadd.s32 $0xFFFFD800  }
0x5d: {  	[tilespmem:s30], [sflag:$0x9] =	stream.linear.gather [hbm4b:s15+s3], $0x50, $0x38;
	[tilespmem:$0x1F980] =	vst v63  }
0x5e: {  	s7 =	sadd.s32 $0x1E, s16;
	s14 =	sadd.s32 $0xF0, s18;
	s15 =	sadd.s32 $0x1E, s15  }
.LBB2_2:
0x5f: {  	[tilespmem:s0], [sflag:$0x3] =	stream.indirect.gather [hbm4b:s4+s22], $0x80, s8, s22, $0xb8;
	[tilespmem:$0x1F980] =	vst v63  }
0x60: {  	s8 =	smov.u32 s13  }
0x61: {  	p0 =	sne.s32 s13, $0xEA00;
	s13 =	sadd.s32 $0x600, s13;
	_ =	swait.ge [sflag:s1], $0x2800  }
0x62: {  	[sflag:s1] =	ssyncset.done $0x0  }
0x63: {  	[sflag:s1] =	ssyncadd.s32 $0xFFFFD800  }
0x64: {  	_ =	swait.ge [sflag:s25], $0x50  }
0x65: {  	[sflag:s25] =	ssyncset.done $0x0  }
0x66: {  	[sflag:s25] =	ssyncadd.s32 $0xFFFFFFB0  }
0x67: {  	[spmem:s2] =	stream.indirect.scatter.add.f32 [tilespmem:s26], [sflag:$0x5], $0x80, s24, s22, $0xb8;
	[tilespmem:$0x1F980] =	vst v63  }
0x68: {  	_ =	swait.ge [sflag:s31], $0x2800  }
0x69: {  	s16 =	sshrl.u32 s14, $0x3;
	[sflag:s31] =	ssyncset.done $0x0  }
0x6a: {  	s16 =	sadd.s32 s5, s16;
	s8 =	sshra.s32 s8, $0x2;
	[sflag:s31] =	ssyncadd.s32 $0xFFFFD800  }
0x6b: {  	[tilespmem:s21], [sflag:$0x7] =	stream.linear.gather [hbm4b:s16+s3], $0x50, $0x38;
	[tilespmem:$0x1F980] =	vst v63  }
0x6c: {  	s16 =	sadd.s32 $0x180, s8  }
0x6d: {  	[tilespmem:s23], [sflag:$0x1] =	stream.indirect.gather [hbm4b:s4+s22], $0x80, s16, s22, $0xb8;
	[tilespmem:$0x1F980] =	vst v63  }
0x6e: {  	_ =	swait.ge [sflag:s6], $0x2800  }
0x6f: {  	[sflag:s6] =	ssyncset.done $0x0  }
0x70: {  	[sflag:s6] =	ssyncadd.s32 $0xFFFFD800  }
0x71: {  	_ =	swait.ge [sflag:s9], $0x50  }
0x72: {  	[sflag:s9] =	ssyncset.done $0x0  }
0x73: {  	[sflag:s9] =	ssyncadd.s32 $0xFFFFFFB0  }
0x74: {  	[spmem:s2] =	stream.indirect.scatter.add.f32 [tilespmem:s0], [sflag:$0x6], $0x80, s30, s22, $0xb8;
	[tilespmem:$0x1F980] =	vst v63  }
0x75: {  	_ =	swait.ge [sflag:s10], $0x2800  }
0x76: {  	[sflag:s10] =	ssyncset.done $0x0  }
0x77: {  	[sflag:s10] =	ssyncadd.s32 $0xFFFFD800  }
0x78: {  	[tilespmem:s24], [sflag:$0x8] =	stream.linear.gather [hbm4b:s7+s3], $0x50, $0x38;
	[tilespmem:$0x1F980] =	vst v63  }
0x79: {  	s16 =	sadd.s32 $0x200, s8  }
0x7a: {  	[tilespmem:s26], [sflag:$0x2] =	stream.indirect.gather [hbm4b:s4+s22], $0x80, s16, s22, $0xb8;
	[tilespmem:$0x1F980] =	vst v63  }
0x7b: {  	_ =	swait.ge [sflag:s28], $0x2800  }
0x7c: {  	[sflag:s28] =	ssyncset.done $0x0  }
0x7d: {  	[sflag:s28] =	ssyncadd.s32 $0xFFFFD800  }
0x7e: {  	_ =	swait.ge [sflag:s29], $0x50  }
0x7f: {  	[sflag:s29] =	ssyncset.done $0x0  }
0x80: {  	[sflag:s29] =	ssyncadd.s32 $0xFFFFFFB0  }
0x81: {  	[spmem:s2] =	stream.indirect.scatter.add.f32 [tilespmem:s23], [sflag:$0x4], $0x80, s21, s22, $0xb8;
	[tilespmem:$0x1F980] =	vst v63  }
.Ltmp0:
0x82: {  	_ =	swait.ge [sflag:s11], $0x2800;
	(pc) =	sbr.rel @p0 .LBB2_2-.Ltmp0, $4  }
0x83: {  	[sflag:s11] =	ssyncset.done $0x0  }
0x84: {  	s14 =	sadd.s32 $0xF0, s14;
	[sflag:s11] =	ssyncadd.s32 $0xFFFFD800  }
0x85: {  	[tilespmem:s30], [sflag:$0x9] =	stream.linear.gather [hbm4b:s15+s3], $0x50, $0x38;
	[tilespmem:$0x1F980] =	vst v63  }
0x86: {  	s8 =	sadd.s32 $0x280, s8;
	s7 =	sadd.s32 $0x1E, s7;
	s15 =	sadd.s32 $0x1E, s15  }
0x87: {  	[tilespmem:s0], [sflag:$0x3] =	stream.indirect.gather [hbm4b:s4+s22], $0x80, s8, s22, $0xb8;
	[tilespmem:$0x1F980] =	vst v63  }
0x88: {  	_ =	swait.ge [sflag:s1], $0x2800  }
0x89: {  	[sflag:s1] =	ssyncset.done $0x0  }
0x8a: {  	[sflag:s1] =	ssyncadd.s32 $0xFFFFD800  }
0x8b: {  	_ =	swait.ge [sflag:s25], $0x50  }
0x8c: {  	[sflag:s25] =	ssyncset.done $0x0  }
0x8d: {  	[sflag:s25] =	ssyncadd.s32 $0xFFFFFFB0  }
0x8e: {  	[spmem:s2] =	stream.indirect.scatter.add.f32 [tilespmem:s26], [sflag:$0x5], $0x80, s24, s22, $0xb8;
	[tilespmem:$0x1F980] =	vst v63  }
0x8f: {  	_ =	swait.ge [sflag:s31], $0x2800  }
0x90: {  	[sflag:s31] =	ssyncset.done $0x0  }
0x91: {  	s7 =	rddreg [dreg:$0xa];
	[sflag:s31] =	ssyncadd.s32 $0xFFFFD800  }
0x92: {  	[tilespmem:s21], [sflag:$0x7] =	stream.linear.gather [hbm4b:s7+s3], $0x50, $0x38;
	[tilespmem:$0x1F980] =	vst v63  }
0x93: {  	s13 =	simm.s32 $0x3D80  }
0x94: {  	[tilespmem:s23], [sflag:$0x1] =	stream.indirect.gather [hbm4b:s4+s22], $0x80, s13, s22, $0xb8;
	[tilespmem:$0x1F980] =	vst v63  }
0x95: {  	_ =	swait.ge [sflag:s6], $0x2800  }
0x96: {  	[sflag:s6] =	ssyncset.done $0x0  }
0x97: {  	[sflag:s6] =	ssyncadd.s32 $0xFFFFD800  }
0x98: {  	_ =	swait.ge [sflag:s9], $0x50  }
0x99: {  	[sflag:s9] =	ssyncset.done $0x0  }
0x9a: {  	[sflag:s9] =	ssyncadd.s32 $0xFFFFFFB0  }
0x9b: {  	[spmem:s2] =	stream.indirect.scatter.add.f32 [tilespmem:s0], [sflag:$0x6], $0x80, s30, s22, $0xb8;
	[tilespmem:$0x1F980] =	vst v63  }
0x9c: {  	_ =	swait.ge [sflag:s10], $0x2800  }
0x9d: {  	[sflag:s10] =	ssyncset.done $0x0  }
0x9e: {  	s14 =	rddreg [dreg:$0xb];
	[sflag:s10] =	ssyncadd.s32 $0xFFFFD800  }
0x9f: {  	[tilespmem:s24], [sflag:$0x8] =	stream.linear.gather [hbm4b:s14+s3], $0x50, $0x38;
	[tilespmem:$0x1F980] =	vst v63  }
0xa0: {  	s15 =	simm.s32 $0x3E00  }
0xa1: {  	[tilespmem:s26], [sflag:$0x2] =	stream.indirect.gather [hbm4b:s4+s22], $0x80, s15, s22, $0xb8;
	[tilespmem:$0x1F980] =	vst v63  }
0xa2: {  	_ =	swait.ge [sflag:s28], $0x2800  }
0xa3: {  	[sflag:s28] =	ssyncset.done $0x0  }
0xa4: {  	[sflag:s28] =	ssyncadd.s32 $0xFFFFD800  }
0xa5: {  	_ =	swait.ge [sflag:s29], $0x50  }
0xa6: {  	[sflag:s29] =	ssyncset.done $0x0  }
0xa7: {  	[sflag:s29] =	ssyncadd.s32 $0xFFFFFFB0  }
0xa8: {  	[spmem:s2] =	stream.indirect.scatter.add.f32 [tilespmem:s23], [sflag:$0x4], $0x80, s21, s22, $0xb8;
	[tilespmem:$0x1F980] =	vst v63  }
0xa9: {  	_ =	swait.ge [sflag:s1], $0x2800  }
0xaa: {  	[sflag:s1] =	ssyncset.done $0x0  }
0xab: {  	[sflag:s1] =	ssyncadd.s32 $0xFFFFD800  }
0xac: {  	_ =	swait.ge [sflag:s25], $0x50  }
0xad: {  	[sflag:s25] =	ssyncset.done $0x0  }
0xae: {  	[sflag:s25] =	ssyncadd.s32 $0xFFFFFFB0  }
0xaf: {  	[spmem:s2] =	stream.indirect.scatter.add.f32 [tilespmem:s26], [sflag:$0x5], $0x80, s24, s22, $0xb8;
	[tilespmem:$0x1F980] =	vst v63  }
0xb0: {  	_ =	swait.ge [sflag:s31], $0x2800  }
0xb1: {  	[sflag:s31] =	ssyncset.done $0x0  }
0xb2: {  	[sflag:s31] =	ssyncadd.s32 $0xFFFFD800  }
0xb3: {  	_ =	swait.ge [sflag:s10], $0x2800  }
0xb4: {  	[sflag:s10] =	ssyncset.done $0x0  }
0xb5: {  	[sflag:s10] =	ssyncadd.s32 $0xFFFFD800  }
0xb6: {  	_ =	swait.ge [sflag:s11], $0x2800  }
0xb7: {  	[sflag:s11] =	ssyncset.done $0x0  }
0xb8: {  	[sflag:s11] =	ssyncadd.s32 $0xFFFFD800  }
0xb9: {  	[bflag:$0x0] =	sbarrier.arrive $0xFFFF  }
0xba: {  	s16 =	rddreg [dreg:$0x8]  }
0xbb: {  	[hbm:s16], [sflag:s17] =	dma.local [spmem:s19], $0x2800  }
0xbc: {  	_ =	swait.ge [sflag:s20], $0x2800  }
0xbd: {  	s12 =	sadd.s32 $0x1, s12;
	s13 =	smov.u32 s17;
	s17 =	rddreg [dreg:$0x9]  }
0xbe: {  	p0 =	sne.s32 s12, s17  }
.Ltmp1:
0xbf: {  	_ = 	snop;
	(pc) =	sbr.rel @p0 .LBB2_1-.Ltmp1, $3  }
0xc0: {  	_ =	sdelay $0x1  }
0xc1: {  	[sflag:s20] =	ssyncset.done $0x0  }
0xc2: {  	[sflag:s20] =	ssyncadd.s32 $0xFFFFD800  }
0xc3: {  	_ =	sfence.sel $0x180000  }
0xc4: {  	[bflag:$0x0] =	sbarrier.arrive $0xFFFF  }
0xc5: {  	_ =	strace $0x9000004D  }
0xc6: {  	s0 =	stileid.u32;
	[bflag:$0x2] =	sbarrier.arrive $0xFFFF  }
0xc7: {  	p0 =	sne.s32 s0, $0x0;
	s0 =	rddreg [dreg:$0x2]  }
0xc8: {  	s0 =	sadd.s32 @!p0 $0x100000, s0  }
0xc9: {  	[sflag:s0] =	ssyncadd.tile.s32 @!p0 $0x1;
	_ =	shalt  }
.Lfunc_end2:
_tile_overlayer_lowered:
.L_overlay_start_2:
0xca: {  	(tag) =	ssettag $0x2  }
0xcb: {  	s0 =	rddreg [dreg:$0x0];
	s2 =	stileid.u32  }
0xcc: {  	s1 =	rddreg [dreg:$0x1];
	p0 =	sne.s32 s2, $0x0  }
0xcd: {  	s3 =	rddreg [dreg:$0x2];
	[bflag:$0x3] =	sbarrier.arrive $0xFFFF;
	s2 =	simm.s32 @!p0 $0x1C0A  }
0xce: {  	[timem:s3], [sflag:s2] =	dma.local @!p0 [hbm:s0], s1  }
0xcf: {  	s0 =	simm.s32 @!p0 $0xA  }
0xd0: {  	_ =	swait.ge @!p0 [sflag:s0], s1  }
0xd1: {  	s1 =	ssub.s32 @!p0 $0x0, s1;
	[sflag:s0] =	ssyncset.done @!p0 $0x0  }
0xd2: {  	[sflag:s0] =	ssyncadd.s32 @!p0 s1  }
0xd3: {  	[bflag:$0x3] =	sbarrier.arrive $0xFFFF  }
0xd4: {  	_ =	shalt  }

// kernel: kernel.20.cloned.1.call-start
scs
__scs_entry_jumppad:
0x0: {  	(pc) =	sbr.rel $0x88, $3  }
0x1: {  	(tag) =	ssettag $0x0;
	lr =	simm.s32 $0x1  }
0x2: {  	[smem:$0x3F88] =	sst lr;
	_ =	strace $0xD0000000  }
0x3: {  	_ = 	snop  }
0x4: {  	_ = 	snop  }
0x5: {  	_ = 	snop  }
0x6: {  	_ = 	snop  }
0x7: {  	_ = 	snop  }
__scs_overlays_trampoline_lowered:
0x8: {  	[smem:$0x3F97] =	sst s0  }
0x9: {  	[smem:$0x3F98] =	sst s1  }
0xa: {  	[smem:$0x3F99] =	sst s2  }
0xb: {  	[smem:$0x3F9A] =	sst s3  }
0xc: {  	[smem:$0x3F9B] =	sst s4  }
0xd: {  	[smem:$0x3F9C] =	sst s5  }
0xe: {  	[smem:$0x3F9D] =	sst s6  }
0xf: {  	[smem:$0x3F9E] =	sst s7  }
0x10: {  	[smem:$0x3F9F] =	sst s8  }
0x11: {  	[smem:$0x3FA0] =	sst s9;
	s0 =	simm.s32 @!p0 $0x0  }
0x12: {  	s1 =	sld [smem:$0x3F86];
	s0 =	simm.s32 @p0 $0x1  }
0x13: {  	[smem:$0x3FA1] =	sst s0;
	s0 =	simm.s32 @!p1 $0x0  }
0x14: {  	s2 =	sld [smem:$0x3F85];
	s0 =	simm.s32 @p1 $0x1  }
0x15: {  	[smem:$0x3FA2] =	sst s0;
	s0 =	simm.s32 @!p2 $0x0  }
0x16: {  	s3 =	sld [smem:$0x3FDB];
	s0 =	simm.s32 @p2 $0x1  }
0x17: {  	s4 =	simm.s32 $0x1BF5;
	[smem:$0x3FA4] =	sst s0  }
0x18: {  	s0 =	sld [smem:$0x3F87];
	_ =	swait.ge [sflag:s4], $0x0  }
0x19: {  	s7 =	sld [smem:$0x3F88]  }
0x1a: {  	s8 =	sadd.s32 $0xFFFFE003, lr  }
0x1b: {  	s9 =	sadd.s32 $0xFFFFFEF7, lr;
	s5 =	simm.s32 $0xFFFFFFFF;
	p2 =	slt.u32 s8, $0xFFFFF086  }
0x1c: {  	p1 =	slt.u32 s9, $0xF7A;
	s5 =	simm.s32 @!p2 $0x0  }
0x1d: {  	s5 =	simm.s32 @p1 $0x1;
	p0 =	seq.s32 s7, s2  }
0x1e: {  	s7 =	smul.u32 @!p0 $0xF7A, s2;
	p2 =	seq.s32 @!p0 s5, $0x0  }
0x1f: {  	s9 =	smul.u32 $0xF7A, s1;
	s8 =	simm.s32 @!p0 $0x1BF5;
	p2 =	por !p2, p0  }
0x20: {  	[sflag:s8] =	ssyncset.s32 @!p0 $0xFFFFF086;
	s6 =	sadd.s32 @!p0 s3, s7;
	s7 =	simm.s32 @!p0 $0x108  }
0x21: {  	s3 =	sadd.s32 s3, s9;
	s6 =	sadd.s32 @!p0 $0x88, s6;
	s7 =	simm.s32 @p2 $0x1082  }
0x22: {  	[simem:s7], [sflag:s8] =	dma.local @!p0 [hbm:s6], $0xF7A  }
0x23: {  	s9 =	sor.u32 $0xD0000000, s2;
	s6 =	simm.s32 $0x108;
	_ =	swait.ge @!p0 [sflag:s8], $0x0  }
0x24: {  	s3 =	sadd.s32 $0x88, s3;
	s6 =	simm.s32 @!p1 $0x1082;
	[sflag:s4] =	ssyncset.s32 $0xFFFFF086  }
0x25: {  	[simem:s6], [sflag:s4] =	dma.local [hbm:s3], $0xF7A  }
0x26: {  	[smem:$0x3F88] =	sst s1;
	(tag) =	ssettag s2;
	_ =	strace s9  }
0x27: {  	s1 =	sld [smem:$0x3F98]  }
0x28: {  	s2 =	sld [smem:$0x3F99]  }
0x29: {  	s4 =	sld [smem:$0x3F9B]  }
0x2a: {  	p0 =	seq.s32 s5, $0x0;
	s5 =	sld [smem:$0x3F9C]  }
0x2b: {  	s6 =	sld [smem:$0x3F9D]  }
0x2c: {  	s7 =	sld [smem:$0x3F9E]  }
0x2d: {  	s3 =	simm.s32 $0x108;
	s8 =	sld [smem:$0x3F9F]  }
0x2e: {  	s3 =	simm.s32 @!p0 $0x1082;
	s9 =	sld [smem:$0x3FA0]  }
0x2f: {  	lr =	sadd.s32 s0, s3;
	s0 =	sld [smem:$0x3F97]  }
0x30: {  	s3 =	sld [smem:$0x3F9A]  }
0x31: {  	[smem:$0x3FA3] =	sst s10  }
0x32: {  	s10 =	sld [smem:$0x3FA1];
	_ =	sdelay $0x3  }
0x33: {  	p0 =	seq.s32 s10, $0x1;
	s10 =	sld [smem:$0x3FA3];
	_ =	sdelay $0x3  }
0x34: {  	[smem:$0x3FA3] =	sst s10  }
0x35: {  	s10 =	sld [smem:$0x3FA2];
	_ =	sdelay $0x3  }
0x36: {  	p1 =	seq.s32 s10, $0x1;
	s10 =	sld [smem:$0x3FA3];
	_ =	sdelay $0x3  }
0x37: {  	[smem:$0x3FA3] =	sst s10  }
0x38: {  	s10 =	sld [smem:$0x3FA4]  }
0x39: {  	_ = 	snop;
	(pc) =	sbr.ind lr, $3  }
0x3a: {  	_ = 	snop  }
0x3b: {  	_ = 	snop  }
0x3c: {  	p2 =	seq.s32 s10, $0x1;
	s10 =	sld [smem:$0x3FA3]  }
0x3d: {  	_ =	shalt  }
0x3e: {  	_ =	shalt  }
0x3f: {  	_ =	shalt  }
0x40: {  	_ =	shalt  }
0x41: {  	_ =	shalt  }
0x42: {  	_ =	shalt  }
0x43: {  	_ =	shalt  }
0x44: {  	_ =	shalt  }
0x45: {  	_ =	shalt  }
0x46: {  	_ =	shalt  }
0x47: {  	_ =	shalt  }
0x48: {  	_ =	shalt  }
0x49: {  	_ =	shalt  }
0x4a: {  	_ =	shalt  }
0x4b: {  	_ =	shalt  }
0x4c: {  	_ =	shalt  }
0x4d: {  	_ =	shalt  }
0x4e: {  	_ =	shalt  }
0x4f: {  	_ =	shalt  }
0x50: {  	_ =	shalt  }
0x51: {  	_ =	shalt  }
0x52: {  	_ =	shalt  }
0x53: {  	_ =	shalt  }
0x54: {  	_ =	shalt  }
0x55: {  	_ =	shalt  }
0x56: {  	_ =	shalt  }
0x57: {  	_ =	shalt  }
0x58: {  	_ =	shalt  }
0x59: {  	_ =	shalt  }
0x5a: {  	_ =	shalt  }
0x5b: {  	_ =	shalt  }
0x5c: {  	_ =	shalt  }
0x5d: {  	_ =	shalt  }
0x5e: {  	_ =	shalt  }
0x5f: {  	_ =	shalt  }
0x60: {  	_ =	shalt  }
0x61: {  	_ =	shalt  }
0x62: {  	_ =	shalt  }
0x63: {  	_ =	shalt  }
0x64: {  	_ =	shalt  }
0x65: {  	_ =	shalt  }
0x66: {  	_ =	shalt  }
0x67: {  	_ =	shalt  }
0x68: {  	_ =	shalt  }
0x69: {  	_ =	shalt  }
0x6a: {  	_ =	shalt  }
0x6b: {  	_ =	shalt  }
0x6c: {  	_ =	shalt  }
0x6d: {  	_ =	shalt  }
0x6e: {  	_ =	shalt  }
0x6f: {  	_ =	shalt  }
0x70: {  	_ =	shalt  }
0x71: {  	_ =	shalt  }
0x72: {  	_ =	shalt  }
0x73: {  	_ =	shalt  }
0x74: {  	_ =	shalt  }
0x75: {  	_ =	shalt  }
0x76: {  	_ =	shalt  }
0x77: {  	_ =	shalt  }
0x78: {  	_ =	shalt  }
0x79: {  	_ =	shalt  }
0x7a: {  	_ =	shalt  }
0x7b: {  	_ =	shalt  }
0x7c: {  	_ =	shalt  }
0x7d: {  	_ =	shalt  }
0x7e: {  	_ =	shalt  }
0x7f: {  	_ =	shalt  }
0x80: {  	_ =	shalt  }
0x81: {  	_ =	shalt  }
0x82: {  	_ =	shalt  }
0x83: {  	_ =	shalt  }
0x84: {  	_ =	shalt  }
0x85: {  	_ =	shalt  }
0x86: {  	_ =	shalt  }
0x87: {  	_ =	shalt  }
.Lfunc_end0:
.L_simem_size_0:
called_computation.3_lowered:
.L_overlay_start_0:
0x88: {  	s2 =	sld [smem:$0x3FD9]  }
0x89: {  	s3 =	sld [smem:$0x3FFE];
	_ =	sdelay $0x1  }
0x8a: {  	s1 =	srdreg.scid  }
0x8b: {  	s0 =	sand.u32 $0x1, s1  }
0x8c: {  	s16 =	sshll.u32 s0, $0xA;
	s2 =	sadd.s32 s3, s2  }
0x8d: {  	s2 =	sadd.s32 s2, s16  }
0x8e: {  	[smem:$0x3FAF] =	sst s2  }
0x8f: {  	_ = 	snop  }
0x90: {  	(tm) =	ssettm $0x1  }
0x91: {  	s17 =	sld [smem:$0x3FFB];
	_ =	sdelay $0x3  }
0x92: {  	_ =	strace s17  }
0x93: {  	s2 =	sld [smem:$0x3FFC];
	_ =	sdelay $0x3  }
0x94: {  	_ =	strace s2  }
0x95: {  	s2 =	sld [smem:$0x3FFD];
	_ =	sdelay $0x3  }
0x96: {  	_ =	strace s2  }
0x97: {  	_ =	strace $0x8FFFFFFF  }
0x98: {  	s18 =	sld [smem:$0x3FDB];
	_ =	sdelay $0x1  }
0x99: {  	s19 =	simm.s32 $_scs_section_size  }
0x9a: {  	s4 =	simm.s32 $_size__tile_overlayer_lowered;
	s5 =	simm.s32 $_tile_overlayer_lowered  }
0x9b: {  	s22 =	simm.s32 $0x1BFF;
	s21 =	sshll.u32 s5, $0x1;
	s2 =	sadd.s32 s19, s18  }
0x9c: {  	s6 =	simm.s32 $0x0;
	s20 =	sshll.u32 s4, $0x1;
	s4 =	sadd.s32 s21, s2  }
0x9d: {  	[timem:s6], [sflag:s22] =	dma.local [hbm:s4], s20  }
0x9e: {  	_ =	swait.ge [sflag:s22], s20  }
0x9f: {  	s3 =	ssub.s32 $0x0, s20;
	[sflag:s22] =	ssyncset.done $0x0  }
0xa0: {  	[sflag:s22] =	ssyncadd.s32 s3;
	_ =	sdelay $0x1  }
0xa1: {  	s23 =	simm.s32 $0x1B8B  }
0xa2: {  	_ =	swait.ge [sflag:s23], $0x1  }
0xa3: {  	[sflag:s23] =	ssyncset.done $0x0  }
0xa4: {  	s25 =	simm.s32 $0x1B8E;
	s24 =	sld [smem:$0x3FFE];
	[sflag:s23] =	ssyncadd.s32 $0xFFFFFFFF  }
0xa5: {  	s26 =	simm.s32 $execute0_lowered;
	[smem:$0x3FD2] =	sst s25  }
0xa6: {  	s4 =	sshll.u32 s26, $0x1;
	_ =	strace $0x8000004F;
	[dreg:$0x1] =	wrdreg $0xFFFFFFFF  }
0xa7: {  	s28 =	simm.s32 $_size_execute0_lowered;
	s2 =	sadd.s32 s2, s4;
	[dreg:$0x0] =	wrdreg $0x0  }
0xa8: {  	s4 =	sshll.u32 s28, $0x1;
	[dreg:$0x2] =	wrdreg s2  }
0xa9: {  	[dreg:$0x3] =	wrdreg s4  }
0xaa: {  	[dreg:$0x4] =	wrdreg $0xC0  }
0xab: {  	_ =	task [dreg:s6], $0x5FFFF  }
0xac: {  	[dreg:$0x1] =	wrdreg $0xFFFFFFFF  }
0xad: {  	[dreg:$0x0] =	wrdreg $0x60  }
0xae: {  	[dreg:$0x2] =	wrdreg s24  }
0xaf: {  	[dreg:$0x3] =	wrdreg $0x9  }
0xb0: {  	_ =	task.clear_ibuf [dreg:s6], $0x4FFFF;
	_ =	strace $0x9000004F  }
0xb1: {  	s29 =	simm.s32 $0x9;
	_ =	strace $0x80000051  }
0xb2: {  	_ =	swait.ge [sflag:s29], $0x1  }
0xb3: {  	[sflag:s29] =	ssyncadd.s32 $0xFFFFFFFF  }
0xb4: {  	_ =	strace $0x90000051  }
0xb5: {  	_ =	sfence  }
0xb6: {  	s30 =	sld [smem:$0x0];
	_ =	sdelay $0x2  }
0xb7: {  	s31 =	sshll.u32 s1, $0xD;
	s1 =	sshrl.u32 s1, $0x2  }
0xb8: {  	s3 =	sand.u32 $0x4000, s31;
	s1 =	sadd.s32 s1, s30  }
0xb9: {  	s0 =	sor.u32 s3, s0;
	s1 =	sshll.u32 s1, $0x11  }
0xba: {  	s0 =	sor.u32 s1, s0  }
0xbb: {  	s0 =	sadd.s32 $0x8F2B, s0  }
0xbc: {  	[sflag:s0] =	ssyncadd.remote.s32 $0x1  }
0xbd: {  	_ =	sfence.sel $0xFFFF  }
0xbe: {  	[dreg:$0x0] =	wrdreg $0xFFFFFFFF;
	(pc) =	sbr.abs _section_cstart, $3  }
0xbf: {  	[dreg:$0x1] =	wrdreg $0xFFFFFFFF  }
0xc0: {  	_ =	task.clear_ibuf [dreg:s6], $0x2FFFF;
	_ =	strace $0x9FFFFFFF  }
0xc1: {  	(tm) =	ssettm $0x7FFFFFFF  }
tec
execute0_lowered:
.L_overlay_start_1:
0x0: {  	(tag) =	ssettag $0x1  }
0x1: {  	s1 =	srdreg.scid;
	s0 =	stileid.u32  }
0x2: {  	s5 =	rddreg [dreg:$0x0];
	s2 =	simm.s32 $0x0;
	s10 =	simm.s32 $0x7680  }
0x3: {  	s11 =	simm.s32 $0x2780;
	s3 =	sand.u32 $0x1, s1;
	s4 =	sshll.u32 s0, $0x1  }
0x4: {  	s12 =	simm.s32 $0x4F00;
	s13 =	simm.s32 $0x0;
	s4 =	sor.u32 s3, s4  }
0x5: {  	[smem:$0x7FF] =	sst s2;
	s7 =	ssub.s32 $0x2, s3;
	s6 =	smul.u32 $0x4E2, s4  }
0x6: {  	s1 =	rddreg [dreg:$0x1];
	_ =	strace $0x80000050;
	s8 =	sshrl.u32 s7, $0x1  }
0x7: {  	s3 =	sadd.s32 $0x18000, s5;
	s8 =	ssub.s32 s7, s8;
	s9 =	sadd.s32 s6, s5  }
0x8: {  	s4 =	sadd.s32 $0x18600, s5;
	s8 =	smax.u32 s8, $0x1;
	s5 =	sadd.s32 $0xE200, s9  }
0x9: {  	s6 =	sadd.s32 $0x4400, s9;
	s7 =	sadd.s32 $0x18C00, s9;
	s9 =	simm.s32 $0x1  }
.LBB2_1:
0xa: {  	[tilespmem:s2], [sflag:$0x1] =	stream.linear.gather [hbm4b:s3+s2], $0x2780, $0x38;
	[tilespmem:$0x9E00] =	vst v63  }
0xb: {  	_ =	swait.ge [sflag:s9], $0x2780  }
0xc: {  	[sflag:s9] =	ssyncset.done $0x0  }
0xd: {  	[sflag:s9] =	ssyncadd.s32 $0xFFFFD880  }
0xe: {  	[tilespmem:s10], [sflag:$0x1] =	stream.linear.gather [hbm4b:s4+s2], $0x2780, $0x38;
	[tilespmem:$0x9E00] =	vst v63  }
0xf: {  	_ =	swait.ge [sflag:s9], $0x2780  }
0x10: {  	[sflag:s9] =	ssyncset.done $0x0  }
0x11: {  	[sflag:s9] =	ssyncadd.s32 $0xFFFFD880  }
0x12: {  	[tilespmem:s11], [sflag:$0x1] =	stream.linear.gather [hbm4b:s5+s2], $0x2710, $0x38;
	[tilespmem:$0x9E00] =	vst v63  }
0x13: {  	_ =	swait.ge [sflag:s9], $0x2710  }
0x14: {  	[sflag:s9] =	ssyncset.done $0x0  }
0x15: {  	[sflag:s9] =	ssyncadd.s32 $0xFFFFD8F0  }
0x16: {  	[tilespmem:s12], [sflag:$0x1] =	stream.linear.gather [hbm4b:s6+s2], $0x2710, $0x38;
	[tilespmem:$0x9E00] =	vst v63  }
0x17: {  	_ =	swait.ge [sflag:s9], $0x2710  }
0x18: {  	[sflag:s9] =	ssyncset.done $0x0  }
0x19: {  	s15 =	simm.s32 $0x0;
	s14 =	simm.s32 $0x40;
	[sflag:s9] =	ssyncadd.s32 $0xFFFFD8F0  }
.LBB2_2:
0x1a: {  	p0 =	sne.s32 s14, $0x9C00;
	v0 =	vld [tilespmem:s15+$0x2780];
	_ =	sdelay $0x5  }
0x1b: {  	v1 =	vld [tilespmem:s15+$0x4F00];
	_ =	sdelay $0x1  }
0x1c: {  	v0 =	vld.idx.msk [tilespmem:v0+s2+$0x0], $0xffff;
	_ =	sdelay $0x1  }
.Ltmp0:
0x1d: {  	(pc) =	sbr.rel @p0 .LBB2_2-.Ltmp0, $2  }
0x1e: {  	_ =	sdelay $0x2  }
0x1f: {  	s15 =	sshra.s32 s14, $0x2;
	s14 =	sadd.s32 $0x40, s14;
	[tilespmem:v1+s10+$0x0] =	vst.idx.add.f32.msk $0xffff, v0  }
0x20: {  	v0 =	vld [tilespmem:s15+$0x2780];
	_ =	sdelay $0x4  }
0x21: {  	v1 =	vld [tilespmem:s15+$0x4F00];
	_ =	sdelay $0x2  }
0x22: {  	v0 =	vld.idx.msk [tilespmem:v0+s2+$0x0], $0xffff;
	_ =	sdelay $0x2  }
0x23: {  	s13 =	sadd.s32 $0x1, s13  }
0x24: {  	p0 =	sne.s32 s13, s8  }
.Ltmp1:
0x25: {  	[tilespmem:v1+s10+$0x0] =	vst.idx.add.f32.msk $0xffff, v0;
	(pc) =	sbr.rel @p0 .LBB2_1-.Ltmp1, $4  }
0x26: {  	[hbm4b:s7+s2] =	stream.linear.scatter [tilespmem:s10], [sflag:$0x1], $0x2710, $0x38;
	[tilespmem:$0x9E00] =	vst v63  }
0x27: {  	_ =	swait.ge [sflag:s9], $0x2710  }
0x28: {  	[sflag:s9] =	ssyncset.done $0x0  }
0x29: {  	[sflag:s9] =	ssyncadd.s32 $0xFFFFD8F0  }
0x2a: {  	_ =	sfence.sel $0x180000  }
0x2b: {  	[bflag:$0x0] =	sbarrier.arrive $0xFFFF  }
0x2c: {  	p0 =	sne.s32 s0, $0x0;
	_ =	strace $0x90000050  }
0x2d: {  	s0 =	sadd.s32 @!p0 $0x100000, s1;
	[bflag:$0x2] =	sbarrier.arrive $0xFFFF  }
0x2e: {  	[sflag:s0] =	ssyncadd.tile.s32 @!p0 $0x1;
	_ =	shalt  }
.Lfunc_end2:
_tile_overlayer_lowered:
.L_overlay_start_2:
0x2f: {  	(tag) =	ssettag $0x2  }
0x30: {  	s0 =	rddreg [dreg:$0x0];
	s2 =	stileid.u32  }
0x31: {  	s1 =	rddreg [dreg:$0x1];
	p0 =	sne.s32 s2, $0x0  }
0x32: {  	s3 =	rddreg [dreg:$0x2];
	[bflag:$0x3] =	sbarrier.arrive $0xFFFF;
	s2 =	simm.s32 @!p0 $0x1C01  }
0x33: {  	[timem:s3], [sflag:s2] =	dma.local @!p0 [hbm:s0], s1  }
0x34: {  	s0 =	simm.s32 @!p0 $0x1  }
0x35: {  	_ =	swait.ge @!p0 [sflag:s0], s1  }
0x36: {  	s1 =	ssub.s32 @!p0 $0x0, s1;
	[sflag:s0] =	ssyncset.done @!p0 $0x0  }
0x37: {  	[sflag:s0] =	ssyncadd.s32 @!p0 s1  }
0x38: {  	[bflag:$0x3] =	sbarrier.arrive $0xFFFF  }
0x39: {  	_ =	shalt  }

</sc_bundles>
